<compile_context>
chip_gen: v7x
topology: tpu7x:2x2x1
jax: 0.10.2.dev20260603
libtpu: 0.0.44.dev20260713+nightly
codegen_flags: <defaults>
</compile_context>

<pallas_src>
import jax
import jax.numpy as jnp
from jax import lax
from jax.experimental import pallas as pl
from jax.experimental.pallas import tpu as pltpu
from jax.experimental.pallas import tpu_sc as plsc

D_IN = 128
D_HID = 128
D_OUT = 64
DP = 128

NP = 10240
NC, NS = 2, 16
NW = NC * NS
CH = 128
GC = 12
NG = 7
K = GC * NG
EPAD = NW * K * CH
ZR = NP // NS
RB = 2048


def _make_prop():
    mesh = plsc.VectorSubcoreMesh(core_axis_name="c", subcore_axis_name="s")

    def body(g_hbm, src_hbm, dst_hbm, zeros_hbm, out_hbm,
             src_v, dst_v, rows_v, acc, gs0, gs1, is0, is1):
        gsems = (gs0, gs1)
        c = lax.axis_index("c")
        s = lax.axis_index("s")
        wid = s * NC + c
        row0 = s * ZR

        pltpu.sync_copy(zeros_hbm, acc.at[pl.ds(row0, ZR)])
        pltpu.sync_copy(src_hbm.at[wid, 0], src_v.at[0])
        pltpu.sync_copy(dst_hbm.at[wid, 0], dst_v.at[0])

        def iload(grp, p):
            return (pltpu.make_async_copy(src_hbm.at[wid, grp],
                                          src_v.at[p], is0),
                    pltpu.make_async_copy(dst_hbm.at[wid, grp],
                                          dst_v.at[p], is1))

        def gdesc(p, j, b):
            return pltpu.make_async_copy(
                g_hbm.at[src_v.at[p, j]], rows_v.at[b], gsems[b])

        for d in iload(1, 1):
            d.start()
        gdesc(0, 0, 0).start()
        gdesc(0, 1, 1).start()
        plsc.subcore_barrier()

        def grp_body(g, carry):
            p = lax.rem(g, 2)
            pn = lax.rem(g + 1, 2)
            for j in range(GC - 2):
                b = j % 2
                gdesc(p, j, b).wait()
                pltpu.sync_copy(rows_v.at[b], acc.at[dst_v.at[p, j]],
                                add=True)
                gdesc(p, j + 2, b).start()

            @pl.when(g < NG - 1)
            def _():
                for d in iload(g + 1, pn):
                    d.wait()

            for j in (GC - 2, GC - 1):
                b = j % 2
                gdesc(p, j, b).wait()
                pltpu.sync_copy(rows_v.at[b], acc.at[dst_v.at[p, j]],
                                add=True)

                @pl.when(g < NG - 1)
                def _():
                    gdesc(pn, j - (GC - 2), b).start()

            @pl.when(g < NG - 2)
            def _():
                for d in iload(g + 2, p):
                    d.start()

            return carry

        lax.fori_loop(0, NG, grp_body, 0)

        plsc.subcore_barrier()
        pltpu.sync_copy(acc.at[pl.ds(row0, ZR)],
                        out_hbm.at[c, pl.ds(row0, ZR)])

    return pl.kernel(
        body,
        out_type=jax.ShapeDtypeStruct((NC, NP, DP), jnp.float32),
        mesh=mesh,
        scratch_types=[
            pltpu.VMEM((2, GC, CH), jnp.int32),
            pltpu.VMEM((2, GC, CH), jnp.int32),
            pltpu.VMEM((2, CH, DP), jnp.float32),
            pltpu.VMEM_SHARED((NP, DP), jnp.float32),
            pltpu.SemaphoreType.DMA,
            pltpu.SemaphoreType.DMA,
            pltpu.SemaphoreType.DMA,
            pltpu.SemaphoreType.DMA,
        ],
    )


def _make_deg():
    mesh = plsc.VectorSubcoreMesh(core_axis_name="c", subcore_axis_name="s")

    def body(dst_hbm, ones_hbm, zeros_hbm, out_hbm, dst_v, ones_v, acc):
        c = lax.axis_index("c")
        s = lax.axis_index("s")
        wid = s * NC + c
        row0 = s * ZR

        pltpu.sync_copy(zeros_hbm, acc.at[pl.ds(row0, ZR)])
        pltpu.sync_copy(dst_hbm.at[wid], dst_v)
        pltpu.sync_copy(ones_hbm, ones_v)
        plsc.subcore_barrier()

        def step(j, carry):
            pltpu.sync_copy(ones_v, acc.at[dst_v.at[j]], add=True)
            return carry

        lax.fori_loop(0, K, step, 0)

        plsc.subcore_barrier()
        pltpu.sync_copy(acc.at[pl.ds(row0, ZR)],
                        out_hbm.at[c, pl.ds(row0, ZR)])

    return pl.kernel(
        body,
        out_type=jax.ShapeDtypeStruct((NC, NP), jnp.float32),
        mesh=mesh,
        scratch_types=[
            pltpu.VMEM((K, CH), jnp.int32),
            pltpu.VMEM((CH,), jnp.float32),
            pltpu.VMEM_SHARED((NP,), jnp.float32),
        ],
    )


def _dinv_of(deg_ref):
    d = deg_ref[0] + deg_ref[1]
    return jnp.where(d > 0, lax.rsqrt(d), 0.0)


def _tc_pre(x_ref, w_ref, deg_ref, o_ref):
    h = jnp.dot(x_ref[...], w_ref[...], preferred_element_type=jnp.float32)
    o_ref[...] = _dinv_of(deg_ref) * h


def _tc_mid(acc_ref, deg_ref, b1_ref, w_ref, o_ref):
    dinv = _dinv_of(deg_ref)
    s = acc_ref[0] + acc_ref[1]
    h1 = jnp.maximum(dinv * s + b1_ref[...], 0.0)
    g2 = dinv * jnp.dot(h1, w_ref[...], preferred_element_type=jnp.float32)
    o_ref[...] = jnp.concatenate(
        [g2, jnp.zeros((RB, DP - D_OUT), jnp.float32)], axis=1)


def _tc_post(acc_ref, deg_ref, b2_ref, o_ref):
    dinv = _dinv_of(deg_ref)
    o = dinv * (acc_ref[0, :, :D_OUT] + acc_ref[1, :, :D_OUT]) + b2_ref[...]
    m = jnp.max(o, axis=1, keepdims=True)
    lse = m + jnp.log(jnp.sum(jnp.exp(o - m), axis=1, keepdims=True))
    o_ref[...] = o - lse


def kernel(x, edge_index, W1, b1, W2, b2):
    n = x.shape[0]
    nb = NP // RB

    src = edge_index[0].astype(jnp.int32)
    dst = edge_index[1].astype(jnp.int32)
    loop = jnp.arange(n, dtype=jnp.int32)
    npad = EPAD - src.shape[0] - n
    sink = jnp.full((npad,), n, jnp.int32)
    src4d = jnp.concatenate([src, loop, sink]).reshape(NW, NG, GC, CH)
    dst4d = jnp.concatenate([dst, loop, sink]).reshape(NW, NG, GC, CH)
    dst32 = dst4d.reshape(NW, K, CH)

    x_pad = jnp.zeros((NP, D_IN), jnp.float32).at[:n].set(x)
    zeros_deg = jnp.zeros((ZR,), jnp.float32)
    zeros_feat = jnp.zeros((ZR, DP), jnp.float32)
    ones_elems = jnp.ones((CH,), jnp.float32)

    degp = _make_deg()(dst32, ones_elems, zeros_deg).reshape(NC, NP, 1)

    g1 = pl.pallas_call(
        _tc_pre,
        grid=(nb,),
        in_specs=[
            pl.BlockSpec((RB, D_IN), lambda i: (i, 0)),
            pl.BlockSpec((D_IN, D_HID), lambda i: (0, 0)),
            pl.BlockSpec((NC, RB, 1), lambda i: (0, i, 0)),
        ],
        out_specs=pl.BlockSpec((RB, D_HID), lambda i: (i, 0)),
        out_shape=jax.ShapeDtypeStruct((NP, D_HID), jnp.float32),
    )(x_pad, W1, degp)

    prop = _make_prop()
    acc1 = prop(g1, src4d, dst4d, zeros_feat)

    g2 = pl.pallas_call(
        _tc_mid,
        grid=(nb,),
        in_specs=[
            pl.BlockSpec((NC, RB, D_HID), lambda i: (0, i, 0)),
            pl.BlockSpec((NC, RB, 1), lambda i: (0, i, 0)),
            pl.BlockSpec((1, D_HID), lambda i: (0, 0)),
            pl.BlockSpec((D_HID, D_OUT), lambda i: (0, 0)),
        ],
        out_specs=pl.BlockSpec((RB, DP), lambda i: (i, 0)),
        out_shape=jax.ShapeDtypeStruct((NP, DP), jnp.float32),
    )(acc1, degp, b1.reshape(1, D_HID), W2)

    acc2 = prop(g2, src4d, dst4d, zeros_feat)

    out = pl.pallas_call(
        _tc_post,
        grid=(nb,),
        in_specs=[
            pl.BlockSpec((NC, RB, DP), lambda i: (0, i, 0)),
            pl.BlockSpec((NC, RB, 1), lambda i: (0, i, 0)),
            pl.BlockSpec((1, D_OUT), lambda i: (0, 0)),
        ],
        out_specs=pl.BlockSpec((RB, D_OUT), lambda i: (i, 0)),
        out_shape=jax.ShapeDtypeStruct((NP, D_OUT), jnp.float32),
    )(acc2, degp, b2.reshape(1, D_OUT))

    return out[:n]

# --- scband reference (transcript-rebuilt; emitter-appended) ---
"""Pipeline reference for scband-gcn-37005438222422 (READ-ONLY COPY).

The authoritative reference and input builder live on the scoring server;
editing this copy changes nothing except your own understanding.
"""

import jax, jax.numpy as jnp
import numpy as np

N_NODES = 10000
N_EDGES = 320000
D_IN = 128
D_HID = 128
D_OUT = 64


def setup_inputs(seed: int = 0) -> dict:
    key = jax.random.key(seed)
    k_x, k_e, k_w1, k_b1, k_w2, k_b2 = jax.random.split(key, 6)
    x = jax.random.normal(k_x, (N_NODES, D_IN), dtype=jnp.float32)
    edge_index = jax.random.randint(k_e, (2, N_EDGES), 0, N_NODES, dtype=jnp.int64)
    # GCNConv params (glorot-like init for weights, zeros for bias)
    W1 = jax.random.normal(k_w1, (D_IN, D_HID), dtype=jnp.float32) * (1.0 / np.sqrt(D_IN))
    b1 = jnp.zeros((D_HID,), dtype=jnp.float32)
    W2 = jax.random.normal(k_w2, (D_HID, D_OUT), dtype=jnp.float32) * (1.0 / np.sqrt(D_HID))
    b2 = jnp.zeros((D_OUT,), dtype=jnp.float32)
    return {"x": x, "edge_index": edge_index, "W1": W1, "b1": b1, "W2": W2, "b2": b2}


def _gcn_conv(x, edge_index, W, b, num_nodes):
    # x' = D^{-1/2} (A + I) D^{-1/2} X W + b  (PyG GCNConv with add_self_loops=True)
    h = x @ W
    src = edge_index[0]
    dst = edge_index[1]
    loop = jnp.arange(num_nodes, dtype=src.dtype)
    src = jnp.concatenate([src, loop])
    dst = jnp.concatenate([dst, loop])
    ones = jnp.ones(src.shape[0], dtype=h.dtype)
    deg = jax.ops.segment_sum(ones, dst, num_segments=num_nodes)
    dinv = jnp.where(deg > 0, jax.lax.rsqrt(deg), 0.0)
    norm = dinv[src] * dinv[dst]
    msg = h[src] * norm[:, None]
    out = jax.ops.segment_sum(msg, dst, num_segments=num_nodes)
    return out + b


def reference(x, edge_index, W1, b1, W2, b2):
    n = x.shape[0]
    h = _gcn_conv(x, edge_index, W1, b1, n)
    h = jax.nn.relu(h)
    # dropout(p=0.5, training=self.training) is identity in eval mode
    h = _gcn_conv(h, edge_index, W2, b2, n)
    return jax.nn.log_softmax(h, axis=1)

if __name__ == "__main__":
    import jax
    _d = setup_inputs()
    print(jax.jit(kernel)(*tuple(_d.values())))

</pallas_src>

<mosaic_0001>
#map = affine_map<(d0, d1) -> (0, 0, 0)>
#map1 = affine_map<(d0, d1) -> (0)>
#map2 = affine_map<(d0, d1) -> (0, 0)>
module attributes {stable_mosaic.version = 14 : i64} {
  func.func @body(%arg0: i32, %arg1: i32, %arg2: memref<32x84x128xi32, #tpu.memory_space<hbm>>, %arg3: memref<128xf32, #tpu.memory_space<hbm>>, %arg4: memref<640xf32, #tpu.memory_space<hbm>>, %arg5: memref<2x10240xf32, #tpu.memory_space<hbm>>, %arg6: memref<84x128xi32, #tpu.memory_space<vmem>>, %arg7: memref<128xf32, #tpu.memory_space<vmem>>, %arg8: memref<10240xf32, #tpu.memory_space<vmem_shared>>) attributes {dimension_semantics = [#tpu.dimension_semantics<core_parallel>, #tpu.dimension_semantics<subcore_parallel>], iteration_bounds = array<i64: 2, 16>, scalar_prefetch = 0 : i64, scratch_operands = 3 : i64, tpu.core_type = #tpu.core_type<sc_vector_subcore>, window_params = [{transform_indices = #map}, {transform_indices = #map1}, {transform_indices = #map1}, {transform_indices = #map2}]} {
    %mul3A = arith.constant 2 : i32
    %mul3A_0 = arith.muli %arg1, %mul3A : i32
    %add3A = arith.addi %mul3A_0, %arg0 : i32
    %mul3A_1 = arith.constant 640 : i32
    %mul3A_2 = arith.muli %arg1, %mul3A_1 : i32
    "tpu.region"() ({
      %run_scoped3A = tpu.sem_alloc : memref<!tpu.dma_semaphore, #tpu.memory_space<semaphore_mem>>
      %dma_start3A = tpu.memref_slice %arg8[%mul3A_2] : memref<10240xf32, #tpu.memory_space<vmem_shared>> -> memref<640xf32, #tpu.memory_space<vmem_shared>>
      tpu.enqueue_dma source(%arg4 : memref<640xf32, #tpu.memory_space<hbm>>) target(%dma_start3A : memref<640xf32, #tpu.memory_space<vmem_shared>>) target_semaphore(%run_scoped3A : memref<!tpu.dma_semaphore, #tpu.memory_space<semaphore_mem>>)
      %dma_wait3A = tpu.memref_slice %arg8[%mul3A_2] : memref<10240xf32, #tpu.memory_space<vmem_shared>> -> memref<640xf32, #tpu.memory_space<vmem_shared>>
      tpu.wait_dma2 semaphore(%run_scoped3A : memref<!tpu.dma_semaphore, #tpu.memory_space<semaphore_mem>>) src(%arg4 : memref<640xf32, #tpu.memory_space<hbm>>) dst(%dma_wait3A : memref<640xf32, #tpu.memory_space<vmem_shared>>)
      tpu.yield
    }) : () -> ()
    "tpu.region"() ({
      %run_scoped3A = tpu.sem_alloc : memref<!tpu.dma_semaphore, #tpu.memory_space<semaphore_mem>>
      %dma_start3A = arith.constant 0 : i32
      %dma_start3A_9 = arith.constant 0 : i32
      %dma_start3A_10 = tpu.memref_slice %arg2[%add3A, %dma_start3A, %dma_start3A_9] : memref<32x84x128xi32, #tpu.memory_space<hbm>> -> memref<1x84x128xi32, #tpu.memory_space<hbm>>
      %dma_start3A_11 = tpu.memref_squeeze %dma_start3A_10 : memref<1x84x128xi32, #tpu.memory_space<hbm>> -> memref<84x128xi32, #tpu.memory_space<hbm>>
      %dma_start3A_12 = arith.constant 0 : i32
      %dma_start3A_13 = arith.constant 0 : i32
      %dma_start3A_14 = tpu.memref_slice %arg2[%add3A, %dma_start3A_12, %dma_start3A_13] : memref<32x84x128xi32, #tpu.memory_space<hbm>> -> memref<1x84x128xi32, #tpu.memory_space<hbm>>
      %dma_start3A_15 = tpu.memref_squeeze %dma_start3A_14 : memref<1x84x128xi32, #tpu.memory_space<hbm>> -> memref<84x128xi32, #tpu.memory_space<hbm>>
      tpu.enqueue_dma source(%dma_start3A_15 : memref<84x128xi32, #tpu.memory_space<hbm>>) target(%arg6 : memref<84x128xi32, #tpu.memory_space<vmem>>) target_semaphore(%run_scoped3A : memref<!tpu.dma_semaphore, #tpu.memory_space<semaphore_mem>>)
      %dma_wait3A = arith.constant 0 : i32
      %dma_wait3A_16 = arith.constant 0 : i32
      %dma_wait3A_17 = tpu.memref_slice %arg2[%add3A, %dma_wait3A, %dma_wait3A_16] : memref<32x84x128xi32, #tpu.memory_space<hbm>> -> memref<1x84x128xi32, #tpu.memory_space<hbm>>
      %dma_wait3A_18 = tpu.memref_squeeze %dma_wait3A_17 : memref<1x84x128xi32, #tpu.memory_space<hbm>> -> memref<84x128xi32, #tpu.memory_space<hbm>>
      %dma_wait3A_19 = arith.constant 0 : i32
      %dma_wait3A_20 = arith.constant 0 : i32
      %dma_wait3A_21 = tpu.memref_slice %arg2[%add3A, %dma_wait3A_19, %dma_wait3A_20] : memref<32x84x128xi32, #tpu.memory_space<hbm>> -> memref<1x84x128xi32, #tpu.memory_space<hbm>>
      %dma_wait3A_22 = tpu.memref_squeeze %dma_wait3A_21 : memref<1x84x128xi32, #tpu.memory_space<hbm>> -> memref<84x128xi32, #tpu.memory_space<hbm>>
      tpu.wait_dma2 semaphore(%run_scoped3A : memref<!tpu.dma_semaphore, #tpu.memory_space<semaphore_mem>>) src(%dma_wait3A_22 : memref<84x128xi32, #tpu.memory_space<hbm>>) dst(%arg6 : memref<84x128xi32, #tpu.memory_space<vmem>>)
      tpu.yield
    }) : () -> ()
    "tpu.region"() ({
      %run_scoped3A = tpu.sem_alloc : memref<!tpu.dma_semaphore, #tpu.memory_space<semaphore_mem>>
      tpu.enqueue_dma source(%arg3 : memref<128xf32, #tpu.memory_space<hbm>>) target(%arg7 : memref<128xf32, #tpu.memory_space<vmem>>) target_semaphore(%run_scoped3A : memref<!tpu.dma_semaphore, #tpu.memory_space<semaphore_mem>>)
      tpu.wait_dma2 semaphore(%run_scoped3A : memref<!tpu.dma_semaphore, #tpu.memory_space<semaphore_mem>>) src(%arg3 : memref<128xf32, #tpu.memory_space<hbm>>) dst(%arg7 : memref<128xf32, #tpu.memory_space<vmem>>)
      tpu.yield
    }) : () -> ()
    %barrier3A = arith.constant 0 : index
    tpu.barrier barrier_id(%barrier3A)
    %scan3A = arith.constant 0 : i32
    %scan3A_3 = arith.constant 0 : i32
    %scan3A_4 = arith.constant 84 : i32
    %scan3A_5 = arith.addi %scan3A_3, %scan3A_4 : i32
    %scan3A_6 = arith.constant 1 : i32
    scf.for %scan3A_9 = %scan3A_3 to %scan3A_5 step %scan3A_6  : i32 {
      "tpu.region"() ({
        %run_scoped3A = tpu.sem_alloc : memref<!tpu.dma_semaphore, #tpu.memory_space<semaphore_mem>>
        %dma_start3A = arith.constant 0 : i32
        %dma_start3A_10 = tpu.memref_slice %arg6[%scan3A_9, %dma_start3A] : memref<84x128xi32, #tpu.memory_space<vmem>> -> memref<1x128xi32, #tpu.memory_space<vmem>>
        %dma_start3A_11 = tpu.memref_squeeze %dma_start3A_10 : memref<1x128xi32, #tpu.memory_space<vmem>> -> memref<128xi32, #tpu.memory_space<vmem>>
        %dma_start3A_12 = arith.constant 0 : i32
        %dma_start3A_13 = tpu.memref_slice %arg8[%dma_start3A_12] : memref<10240xf32, #tpu.memory_space<vmem_shared>> -> memref<10240xf32, #tpu.memory_space<vmem_shared>>
        tpu.enqueue_indirect_dma source(%arg7 : memref<128xf32, #tpu.memory_space<vmem>>) target(%dma_start3A_13 : memref<10240xf32, #tpu.memory_space<vmem_shared>>) offsets(%dma_start3A_11 : memref<128xi32, #tpu.memory_space<vmem>>) semaphore(%run_scoped3A : memref<!tpu.dma_semaphore, #tpu.memory_space<semaphore_mem>>) {add = true}
        %dma_wait3A = arith.constant 0 : i32
        %dma_wait3A_14 = tpu.memref_slice %arg6[%scan3A_9, %dma_wait3A] : memref<84x128xi32, #tpu.memory_space<vmem>> -> memref<1x128xi32, #tpu.memory_space<vmem>>
        %dma_wait3A_15 = tpu.memref_squeeze %dma_wait3A_14 : memref<1x128xi32, #tpu.memory_space<vmem>> -> memref<128xi32, #tpu.memory_space<vmem>>
        %dma_wait3A_16 = arith.constant 0 : i32
        %dma_wait3A_17 = tpu.memref_slice %arg8[%dma_wait3A_16] : memref<10240xf32, #tpu.memory_space<vmem_shared>> -> memref<10240xf32, #tpu.memory_space<vmem_shared>>
        tpu.wait_indirect_dma semaphore(%run_scoped3A : memref<!tpu.dma_semaphore, #tpu.memory_space<semaphore_mem>>) src(%arg7 : memref<128xf32, #tpu.memory_space<vmem>>) dst(%dma_wait3A_17 : memref<10240xf32, #tpu.memory_space<vmem_shared>>)
        tpu.yield
      }) : () -> ()
    }
    %scan3A_7 = arith.constant 84 : i32
    %barrier3A_8 = arith.constant 0 : index
    tpu.barrier barrier_id(%barrier3A_8)
    "tpu.region"() ({
      %run_scoped3A = tpu.sem_alloc : memref<!tpu.dma_semaphore, #tpu.memory_space<semaphore_mem>>
      %dma_start3A = tpu.memref_slice %arg5[%arg0, %mul3A_2] : memref<2x10240xf32, #tpu.memory_space<hbm>> -> memref<1x640xf32, #tpu.memory_space<hbm>>
      %dma_start3A_9 = tpu.memref_squeeze %dma_start3A : memref<1x640xf32, #tpu.memory_space<hbm>> -> memref<640xf32, #tpu.memory_space<hbm>>
      %dma_start3A_10 = tpu.memref_slice %arg8[%mul3A_2] : memref<10240xf32, #tpu.memory_space<vmem_shared>> -> memref<640xf32, #tpu.memory_space<vmem_shared>>
      tpu.enqueue_dma source(%dma_start3A_10 : memref<640xf32, #tpu.memory_space<vmem_shared>>) target(%dma_start3A_9 : memref<640xf32, #tpu.memory_space<hbm>>) target_semaphore(%run_scoped3A : memref<!tpu.dma_semaphore, #tpu.memory_space<semaphore_mem>>)
      %dma_wait3A = tpu.memref_slice %arg5[%arg0, %mul3A_2] : memref<2x10240xf32, #tpu.memory_space<hbm>> -> memref<1x640xf32, #tpu.memory_space<hbm>>
      %dma_wait3A_11 = tpu.memref_squeeze %dma_wait3A : memref<1x640xf32, #tpu.memory_space<hbm>> -> memref<640xf32, #tpu.memory_space<hbm>>
      %dma_wait3A_12 = tpu.memref_slice %arg8[%mul3A_2] : memref<10240xf32, #tpu.memory_space<vmem_shared>> -> memref<640xf32, #tpu.memory_space<vmem_shared>>
      tpu.wait_dma2 semaphore(%run_scoped3A : memref<!tpu.dma_semaphore, #tpu.memory_space<semaphore_mem>>) src(%dma_wait3A_12 : memref<640xf32, #tpu.memory_space<vmem_shared>>) dst(%dma_wait3A_11 : memref<640xf32, #tpu.memory_space<hbm>>)
      tpu.yield
    }) : () -> ()
    return
  }
}

#map = affine_map<(d0, d1) -> (0, 0)>
#map1 = affine_map<(d0, d1) -> (0, 0, 0, 0)>
#map2 = affine_map<(d0, d1) -> (0, 0, 0)>
module attributes {stable_mosaic.version = 14 : i64} {
  func.func @body(%arg0: i32, %arg1: i32, %arg2: memref<10240x128xf32, #tpu.memory_space<hbm>>, %arg3: memref<32x7x12x128xi32, #tpu.memory_space<hbm>>, %arg4: memref<32x7x12x128xi32, #tpu.memory_space<hbm>>, %arg5: memref<640x128xf32, #tpu.memory_space<hbm>>, %arg6: memref<2x10240x128xf32, #tpu.memory_space<hbm>>, %arg7: memref<2x12x128xi32, #tpu.memory_space<vmem>>, %arg8: memref<2x12x128xi32, #tpu.memory_space<vmem>>, %arg9: memref<2x128x128xf32, #tpu.memory_space<vmem>>, %arg10: memref<10240x128xf32, #tpu.memory_space<vmem_shared>>, %arg11: memref<!tpu.dma_semaphore, #tpu.memory_space<semaphore_mem>>, %arg12: memref<!tpu.dma_semaphore, #tpu.memory_space<semaphore_mem>>, %arg13: memref<!tpu.dma_semaphore, #tpu.memory_space<semaphore_mem>>, %arg14: memref<!tpu.dma_semaphore, #tpu.memory_space<semaphore_mem>>) attributes {dimension_semantics = [#tpu.dimension_semantics<core_parallel>, #tpu.dimension_semantics<subcore_parallel>], iteration_bounds = array<i64: 2, 16>, scalar_prefetch = 0 : i64, scratch_operands = 8 : i64, tpu.core_type = #tpu.core_type<sc_vector_subcore>, window_params = [{transform_indices = #map}, {transform_indices = #map1}, {transform_indices = #map1}, {transform_indices = #map}, {transform_indices = #map2}]} {
    %mul3A = arith.constant 2 : i32
    %mul3A_0 = arith.muli %arg1, %mul3A : i32
    %add3A = arith.addi %mul3A_0, %arg0 : i32
    %mul3A_1 = arith.constant 640 : i32
    %mul3A_2 = arith.muli %arg1, %mul3A_1 : i32
    "tpu.region"() ({
      %run_scoped3A_73 = tpu.sem_alloc : memref<!tpu.dma_semaphore, #tpu.memory_space<semaphore_mem>>
      %dma_start3A_74 = arith.constant 0 : i32
      %dma_start3A_75 = tpu.memref_slice %arg10[%mul3A_2, %dma_start3A_74] : memref<10240x128xf32, #tpu.memory_space<vmem_shared>> -> memref<640x128xf32, #tpu.memory_space<vmem_shared>>
      tpu.enqueue_dma source(%arg5 : memref<640x128xf32, #tpu.memory_space<hbm>>) target(%dma_start3A_75 : memref<640x128xf32, #tpu.memory_space<vmem_shared>>) target_semaphore(%run_scoped3A_73 : memref<!tpu.dma_semaphore, #tpu.memory_space<semaphore_mem>>)
      %dma_wait3A = arith.constant 0 : i32
      %dma_wait3A_76 = tpu.memref_slice %arg10[%mul3A_2, %dma_wait3A] : memref<10240x128xf32, #tpu.memory_space<vmem_shared>> -> memref<640x128xf32, #tpu.memory_space<vmem_shared>>
      tpu.wait_dma2 semaphore(%run_scoped3A_73 : memref<!tpu.dma_semaphore, #tpu.memory_space<semaphore_mem>>) src(%arg5 : memref<640x128xf32, #tpu.memory_space<hbm>>) dst(%dma_wait3A_76 : memref<640x128xf32, #tpu.memory_space<vmem_shared>>)
      tpu.yield
    }) : () -> ()
    %run_scoped3A = arith.constant 0 : i32
    %run_scoped3A_3 = arith.constant 0 : i32
    "tpu.region"() ({
      %run_scoped3A_73 = tpu.sem_alloc : memref<!tpu.dma_semaphore, #tpu.memory_space<semaphore_mem>>
      %dma_start3A_74 = arith.constant 0 : i32
      %dma_start3A_75 = arith.constant 0 : i32
      %dma_start3A_76 = tpu.memref_slice %arg7[%run_scoped3A_3, %dma_start3A_74, %dma_start3A_75] : memref<2x12x128xi32, #tpu.memory_space<vmem>> -> memref<1x12x128xi32, #tpu.memory_space<vmem>>
      %dma_start3A_77 = tpu.memref_squeeze %dma_start3A_76 : memref<1x12x128xi32, #tpu.memory_space<vmem>> -> memref<12x128xi32, #tpu.memory_space<vmem>>
      %dma_start3A_78 = arith.constant 0 : i32
      %dma_start3A_79 = arith.constant 0 : i32
      %dma_start3A_80 = tpu.memref_slice %arg3[%add3A, %run_scoped3A, %dma_start3A_78, %dma_start3A_79] : memref<32x7x12x128xi32, #tpu.memory_space<hbm>> -> memref<1x1x12x128xi32, #tpu.memory_space<hbm>>
      %dma_start3A_81 = tpu.memref_squeeze %dma_start3A_80 : memref<1x1x12x128xi32, #tpu.memory_space<hbm>> -> memref<12x128xi32, #tpu.memory_space<hbm>>
      %dma_start3A_82 = arith.constant 0 : i32
      %dma_start3A_83 = arith.constant 0 : i32
      %dma_start3A_84 = tpu.memref_slice %arg7[%run_scoped3A_3, %dma_start3A_82, %dma_start3A_83] : memref<2x12x128xi32, #tpu.memory_space<vmem>> -> memref<1x12x128xi32, #tpu.memory_space<vmem>>
      %dma_start3A_85 = tpu.memref_squeeze %dma_start3A_84 : memref<1x12x128xi32, #tpu.memory_space<vmem>> -> memref<12x128xi32, #tpu.memory_space<vmem>>
      %dma_start3A_86 = arith.constant 0 : i32
      %dma_start3A_87 = arith.constant 0 : i32
      %dma_start3A_88 = tpu.memref_slice %arg3[%add3A, %run_scoped3A, %dma_start3A_86, %dma_start3A_87] : memref<32x7x12x128xi32, #tpu.memory_space<hbm>> -> memref<1x1x12x128xi32, #tpu.memory_space<hbm>>
      %dma_start3A_89 = tpu.memref_squeeze %dma_start3A_88 : memref<1x1x12x128xi32, #tpu.memory_space<hbm>> -> memref<12x128xi32, #tpu.memory_space<hbm>>
      tpu.enqueue_dma source(%dma_start3A_89 : memref<12x128xi32, #tpu.memory_space<hbm>>) target(%dma_start3A_85 : memref<12x128xi32, #tpu.memory_space<vmem>>) target_semaphore(%run_scoped3A_73 : memref<!tpu.dma_semaphore, #tpu.memory_space<semaphore_mem>>)
      %dma_wait3A = arith.constant 0 : i32
      %dma_wait3A_90 = arith.constant 0 : i32
      %dma_wait3A_91 = tpu.memref_slice %arg7[%run_scoped3A_3, %dma_wait3A, %dma_wait3A_90] : memref<2x12x128xi32, #tpu.memory_space<vmem>> -> memref<1x12x128xi32, #tpu.memory_space<vmem>>
      %dma_wait3A_92 = tpu.memref_squeeze %dma_wait3A_91 : memref<1x12x128xi32, #tpu.memory_space<vmem>> -> memref<12x128xi32, #tpu.memory_space<vmem>>
      %dma_wait3A_93 = arith.constant 0 : i32
      %dma_wait3A_94 = arith.constant 0 : i32
      %dma_wait3A_95 = tpu.memref_slice %arg3[%add3A, %run_scoped3A, %dma_wait3A_93, %dma_wait3A_94] : memref<32x7x12x128xi32, #tpu.memory_space<hbm>> -> memref<1x1x12x128xi32, #tpu.memory_space<hbm>>
      %dma_wait3A_96 = tpu.memref_squeeze %dma_wait3A_95 : memref<1x1x12x128xi32, #tpu.memory_space<hbm>> -> memref<12x128xi32, #tpu.memory_space<hbm>>
      %dma_wait3A_97 = arith.constant 0 : i32
      %dma_wait3A_98 = arith.constant 0 : i32
      %dma_wait3A_99 = tpu.memref_slice %arg7[%run_scoped3A_3, %dma_wait3A_97, %dma_wait3A_98] : memref<2x12x128xi32, #tpu.memory_space<vmem>> -> memref<1x12x128xi32, #tpu.memory_space<vmem>>
      %dma_wait3A_100 = tpu.memref_squeeze %dma_wait3A_99 : memref<1x12x128xi32, #tpu.memory_space<vmem>> -> memref<12x128xi32, #tpu.memory_space<vmem>>
      %dma_wait3A_101 = arith.constant 0 : i32
      %dma_wait3A_102 = arith.constant 0 : i32
      %dma_wait3A_103 = tpu.memref_slice %arg3[%add3A, %run_scoped3A, %dma_wait3A_101, %dma_wait3A_102] : memref<32x7x12x128xi32, #tpu.memory_space<hbm>> -> memref<1x1x12x128xi32, #tpu.memory_space<hbm>>
      %dma_wait3A_104 = tpu.memref_squeeze %dma_wait3A_103 : memref<1x1x12x128xi32, #tpu.memory_space<hbm>> -> memref<12x128xi32, #tpu.memory_space<hbm>>
      tpu.wait_dma2 semaphore(%run_scoped3A_73 : memref<!tpu.dma_semaphore, #tpu.memory_space<semaphore_mem>>) src(%dma_wait3A_104 : memref<12x128xi32, #tpu.memory_space<hbm>>) dst(%dma_wait3A_100 : memref<12x128xi32, #tpu.memory_space<vmem>>)
      tpu.yield
    }) : () -> ()
    %run_scoped3A_4 = arith.constant 0 : i32
    %run_scoped3A_5 = arith.constant 0 : i32
    "tpu.region"() ({
      %run_scoped3A_73 = tpu.sem_alloc : memref<!tpu.dma_semaphore, #tpu.memory_space<semaphore_mem>>
      %dma_start3A_74 = arith.constant 0 : i32
      %dma_start3A_75 = arith.constant 0 : i32
      %dma_start3A_76 = tpu.memref_slice %arg8[%run_scoped3A_5, %dma_start3A_74, %dma_start3A_75] : memref<2x12x128xi32, #tpu.memory_space<vmem>> -> memref<1x12x128xi32, #tpu.memory_space<vmem>>
      %dma_start3A_77 = tpu.memref_squeeze %dma_start3A_76 : memref<1x12x128xi32, #tpu.memory_space<vmem>> -> memref<12x128xi32, #tpu.memory_space<vmem>>
      %dma_start3A_78 = arith.constant 0 : i32
      %dma_start3A_79 = arith.constant 0 : i32
      %dma_start3A_80 = tpu.memref_slice %arg4[%add3A, %run_scoped3A_4, %dma_start3A_78, %dma_start3A_79] : memref<32x7x12x128xi32, #tpu.memory_space<hbm>> -> memref<1x1x12x128xi32, #tpu.memory_space<hbm>>
      %dma_start3A_81 = tpu.memref_squeeze %dma_start3A_80 : memref<1x1x12x128xi32, #tpu.memory_space<hbm>> -> memref<12x128xi32, #tpu.memory_space<hbm>>
      %dma_start3A_82 = arith.constant 0 : i32
      %dma_start3A_83 = arith.constant 0 : i32
      %dma_start3A_84 = tpu.memref_slice %arg8[%run_scoped3A_5, %dma_start3A_82, %dma_start3A_83] : memref<2x12x128xi32, #tpu.memory_space<vmem>> -> memref<1x12x128xi32, #tpu.memory_space<vmem>>
      %dma_start3A_85 = tpu.memref_squeeze %dma_start3A_84 : memref<1x12x128xi32, #tpu.memory_space<vmem>> -> memref<12x128xi32, #tpu.memory_space<vmem>>
      %dma_start3A_86 = arith.constant 0 : i32
      %dma_start3A_87 = arith.constant 0 : i32
      %dma_start3A_88 = tpu.memref_slice %arg4[%add3A, %run_scoped3A_4, %dma_start3A_86, %dma_start3A_87] : memref<32x7x12x128xi32, #tpu.memory_space<hbm>> -> memref<1x1x12x128xi32, #tpu.memory_space<hbm>>
      %dma_start3A_89 = tpu.memref_squeeze %dma_start3A_88 : memref<1x1x12x128xi32, #tpu.memory_space<hbm>> -> memref<12x128xi32, #tpu.memory_space<hbm>>
      tpu.enqueue_dma source(%dma_start3A_89 : memref<12x128xi32, #tpu.memory_space<hbm>>) target(%dma_start3A_85 : memref<12x128xi32, #tpu.memory_space<vmem>>) target_semaphore(%run_scoped3A_73 : memref<!tpu.dma_semaphore, #tpu.memory_space<semaphore_mem>>)
      %dma_wait3A = arith.constant 0 : i32
      %dma_wait3A_90 = arith.constant 0 : i32
      %dma_wait3A_91 = tpu.memref_slice %arg8[%run_scoped3A_5, %dma_wait3A, %dma_wait3A_90] : memref<2x12x128xi32, #tpu.memory_space<vmem>> -> memref<1x12x128xi32, #tpu.memory_space<vmem>>
      %dma_wait3A_92 = tpu.memref_squeeze %dma_wait3A_91 : memref<1x12x128xi32, #tpu.memory_space<vmem>> -> memref<12x128xi32, #tpu.memory_space<vmem>>
      %dma_wait3A_93 = arith.constant 0 : i32
      %dma_wait3A_94 = arith.constant 0 : i32
      %dma_wait3A_95 = tpu.memref_slice %arg4[%add3A, %run_scoped3A_4, %dma_wait3A_93, %dma_wait3A_94] : memref<32x7x12x128xi32, #tpu.memory_space<hbm>> -> memref<1x1x12x128xi32, #tpu.memory_space<hbm>>
      %dma_wait3A_96 = tpu.memref_squeeze %dma_wait3A_95 : memref<1x1x12x128xi32, #tpu.memory_space<hbm>> -> memref<12x128xi32, #tpu.memory_space<hbm>>
      %dma_wait3A_97 = arith.constant 0 : i32
      %dma_wait3A_98 = arith.constant 0 : i32
      %dma_wait3A_99 = tpu.memref_slice %arg8[%run_scoped3A_5, %dma_wait3A_97, %dma_wait3A_98] : memref<2x12x128xi32, #tpu.memory_space<vmem>> -> memref<1x12x128xi32, #tpu.memory_space<vmem>>
      %dma_wait3A_100 = tpu.memref_squeeze %dma_wait3A_99 : memref<1x12x128xi32, #tpu.memory_space<vmem>> -> memref<12x128xi32, #tpu.memory_space<vmem>>
      %dma_wait3A_101 = arith.constant 0 : i32
      %dma_wait3A_102 = arith.constant 0 : i32
      %dma_wait3A_103 = tpu.memref_slice %arg4[%add3A, %run_scoped3A_4, %dma_wait3A_101, %dma_wait3A_102] : memref<32x7x12x128xi32, #tpu.memory_space<hbm>> -> memref<1x1x12x128xi32, #tpu.memory_space<hbm>>
      %dma_wait3A_104 = tpu.memref_squeeze %dma_wait3A_103 : memref<1x1x12x128xi32, #tpu.memory_space<hbm>> -> memref<12x128xi32, #tpu.memory_space<hbm>>
      tpu.wait_dma2 semaphore(%run_scoped3A_73 : memref<!tpu.dma_semaphore, #tpu.memory_space<semaphore_mem>>) src(%dma_wait3A_104 : memref<12x128xi32, #tpu.memory_space<hbm>>) dst(%dma_wait3A_100 : memref<12x128xi32, #tpu.memory_space<vmem>>)
      tpu.yield
    }) : () -> ()
    %dma_start3A = arith.constant 1 : i32
    %dma_start3A_6 = arith.constant 1 : i32
    %dma_start3A_7 = arith.constant 0 : i32
    %dma_start3A_8 = arith.constant 0 : i32
    %dma_start3A_9 = tpu.memref_slice %arg7[%dma_start3A_6, %dma_start3A_7, %dma_start3A_8] : memref<2x12x128xi32, #tpu.memory_space<vmem>> -> memref<1x12x128xi32, #tpu.memory_space<vmem>>
    %dma_start3A_10 = tpu.memref_squeeze %dma_start3A_9 : memref<1x12x128xi32, #tpu.memory_space<vmem>> -> memref<12x128xi32, #tpu.memory_space<vmem>>
    %dma_start3A_11 = arith.constant 0 : i32
    %dma_start3A_12 = arith.constant 0 : i32
    %dma_start3A_13 = tpu.memref_slice %arg3[%add3A, %dma_start3A, %dma_start3A_11, %dma_start3A_12] : memref<32x7x12x128xi32, #tpu.memory_space<hbm>> -> memref<1x1x12x128xi32, #tpu.memory_space<hbm>>
    %dma_start3A_14 = tpu.memref_squeeze %dma_start3A_13 : memref<1x1x12x128xi32, #tpu.memory_space<hbm>> -> memref<12x128xi32, #tpu.memory_space<hbm>>
    %dma_start3A_15 = arith.constant 0 : i32
    %dma_start3A_16 = arith.constant 0 : i32
    %dma_start3A_17 = tpu.memref_slice %arg7[%dma_start3A_6, %dma_start3A_15, %dma_start3A_16] : memref<2x12x128xi32, #tpu.memory_space<vmem>> -> memref<1x12x128xi32, #tpu.memory_space<vmem>>
    %dma_start3A_18 = tpu.memref_squeeze %dma_start3A_17 : memref<1x12x128xi32, #tpu.memory_space<vmem>> -> memref<12x128xi32, #tpu.memory_space<vmem>>
    %dma_start3A_19 = arith.constant 0 : i32
    %dma_start3A_20 = arith.constant 0 : i32
    %dma_start3A_21 = tpu.memref_slice %arg3[%add3A, %dma_start3A, %dma_start3A_19, %dma_start3A_20] : memref<32x7x12x128xi32, #tpu.memory_space<hbm>> -> memref<1x1x12x128xi32, #tpu.memory_space<hbm>>
    %dma_start3A_22 = tpu.memref_squeeze %dma_start3A_21 : memref<1x1x12x128xi32, #tpu.memory_space<hbm>> -> memref<12x128xi32, #tpu.memory_space<hbm>>
    tpu.enqueue_dma source(%dma_start3A_22 : memref<12x128xi32, #tpu.memory_space<hbm>>) target(%dma_start3A_18 : memref<12x128xi32, #tpu.memory_space<vmem>>) target_semaphore(%arg13 : memref<!tpu.dma_semaphore, #tpu.memory_space<semaphore_mem>>)
    %dma_start3A_23 = arith.constant 1 : i32
    %dma_start3A_24 = arith.constant 1 : i32
    %dma_start3A_25 = arith.constant 0 : i32
    %dma_start3A_26 = arith.constant 0 : i32
    %dma_start3A_27 = tpu.memref_slice %arg8[%dma_start3A_24, %dma_start3A_25, %dma_start3A_26] : memref<2x12x128xi32, #tpu.memory_space<vmem>> -> memref<1x12x128xi32, #tpu.memory_space<vmem>>
    %dma_start3A_28 = tpu.memref_squeeze %dma_start3A_27 : memref<1x12x128xi32, #tpu.memory_space<vmem>> -> memref<12x128xi32, #tpu.memory_space<vmem>>
    %dma_start3A_29 = arith.constant 0 : i32
    %dma_start3A_30 = arith.constant 0 : i32
    %dma_start3A_31 = tpu.memref_slice %arg4[%add3A, %dma_start3A_23, %dma_start3A_29, %dma_start3A_30] : memref<32x7x12x128xi32, #tpu.memory_space<hbm>> -> memref<1x1x12x128xi32, #tpu.memory_space<hbm>>
    %dma_start3A_32 = tpu.memref_squeeze %dma_start3A_31 : memref<1x1x12x128xi32, #tpu.memory_space<hbm>> -> memref<12x128xi32, #tpu.memory_space<hbm>>
    %dma_start3A_33 = arith.constant 0 : i32
    %dma_start3A_34 = arith.constant 0 : i32
    %dma_start3A_35 = tpu.memref_slice %arg8[%dma_start3A_24, %dma_start3A_33, %dma_start3A_34] : memref<2x12x128xi32, #tpu.memory_space<vmem>> -> memref<1x12x128xi32, #tpu.memory_space<vmem>>
    %dma_start3A_36 = tpu.memref_squeeze %dma_start3A_35 : memref<1x12x128xi32, #tpu.memory_space<vmem>> -> memref<12x128xi32, #tpu.memory_space<vmem>>
    %dma_start3A_37 = arith.constant 0 : i32
    %dma_start3A_38 = arith.constant 0 : i32
    %dma_start3A_39 = tpu.memref_slice %arg4[%add3A, %dma_start3A_23, %dma_start3A_37, %dma_start3A_38] : memref<32x7x12x128xi32, #tpu.memory_space<hbm>> -> memref<1x1x12x128xi32, #tpu.memory_space<hbm>>
    %dma_start3A_40 = tpu.memref_squeeze %dma_start3A_39 : memref<1x1x12x128xi32, #tpu.memory_space<hbm>> -> memref<12x128xi32, #tpu.memory_space<hbm>>
    tpu.enqueue_dma source(%dma_start3A_40 : memref<12x128xi32, #tpu.memory_space<hbm>>) target(%dma_start3A_36 : memref<12x128xi32, #tpu.memory_space<vmem>>) target_semaphore(%arg14 : memref<!tpu.dma_semaphore, #tpu.memory_space<semaphore_mem>>)
    %dma_start3A_41 = arith.constant 0 : i32
    %dma_start3A_42 = arith.constant 0 : i32
    %dma_start3A_43 = arith.constant 0 : i32
    %dma_start3A_44 = arith.constant 0 : i32
    %dma_start3A_45 = arith.constant 0 : i32
    %dma_start3A_46 = tpu.memref_slice %arg9[%dma_start3A_43, %dma_start3A_44, %dma_start3A_45] : memref<2x128x128xf32, #tpu.memory_space<vmem>> -> memref<1x128x128xf32, #tpu.memory_space<vmem>>
    %dma_start3A_47 = tpu.memref_squeeze %dma_start3A_46 : memref<1x128x128xf32, #tpu.memory_space<vmem>> -> memref<128x128xf32, #tpu.memory_space<vmem>>
    %dma_start3A_48 = arith.constant 0 : i32
    %dma_start3A_49 = tpu.memref_slice %arg7[%dma_start3A_41, %dma_start3A_42, %dma_start3A_48] : memref<2x12x128xi32, #tpu.memory_space<vmem>> -> memref<1x1x128xi32, #tpu.memory_space<vmem>>
    %dma_start3A_50 = tpu.memref_squeeze %dma_start3A_49 : memref<1x1x128xi32, #tpu.memory_space<vmem>> -> memref<128xi32, #tpu.memory_space<vmem>>
    %dma_start3A_51 = arith.constant 0 : i32
    %dma_start3A_52 = arith.constant 0 : i32
    %dma_start3A_53 = tpu.memref_slice %arg2[%dma_start3A_51, %dma_start3A_52] : memref<10240x128xf32, #tpu.memory_space<hbm>> -> memref<10240x128xf32, #tpu.memory_space<hbm>>
    tpu.enqueue_indirect_dma source(%dma_start3A_53 : memref<10240x128xf32, #tpu.memory_space<hbm>>) target(%dma_start3A_47 : memref<128x128xf32, #tpu.memory_space<vmem>>) offsets(%dma_start3A_50 : memref<128xi32, #tpu.memory_space<vmem>>) semaphore(%arg11 : memref<!tpu.dma_semaphore, #tpu.memory_space<semaphore_mem>>)
    %dma_start3A_54 = arith.constant 0 : i32
    %dma_start3A_55 = arith.constant 1 : i32
    %dma_start3A_56 = arith.constant 1 : i32
    %dma_start3A_57 = arith.constant 0 : i32
    %dma_start3A_58 = arith.constant 0 : i32
    %dma_start3A_59 = tpu.memref_slice %arg9[%dma_start3A_56, %dma_start3A_57, %dma_start3A_58] : memref<2x128x128xf32, #tpu.memory_space<vmem>> -> memref<1x128x128xf32, #tpu.memory_space<vmem>>
    %dma_start3A_60 = tpu.memref_squeeze %dma_start3A_59 : memref<1x128x128xf32, #tpu.memory_space<vmem>> -> memref<128x128xf32, #tpu.memory_space<vmem>>
    %dma_start3A_61 = arith.constant 0 : i32
    %dma_start3A_62 = tpu.memref_slice %arg7[%dma_start3A_54, %dma_start3A_55, %dma_start3A_61] : memref<2x12x128xi32, #tpu.memory_space<vmem>> -> memref<1x1x128xi32, #tpu.memory_space<vmem>>
    %dma_start3A_63 = tpu.memref_squeeze %dma_start3A_62 : memref<1x1x128xi32, #tpu.memory_space<vmem>> -> memref<128xi32, #tpu.memory_space<vmem>>
    %dma_start3A_64 = arith.constant 0 : i32
    %dma_start3A_65 = arith.constant 0 : i32
    %dma_start3A_66 = tpu.memref_slice %arg2[%dma_start3A_64, %dma_start3A_65] : memref<10240x128xf32, #tpu.memory_space<hbm>> -> memref<10240x128xf32, #tpu.memory_space<hbm>>
    tpu.enqueue_indirect_dma source(%dma_start3A_66 : memref<10240x128xf32, #tpu.memory_space<hbm>>) target(%dma_start3A_60 : memref<128x128xf32, #tpu.memory_space<vmem>>) offsets(%dma_start3A_63 : memref<128xi32, #tpu.memory_space<vmem>>) semaphore(%arg12 : memref<!tpu.dma_semaphore, #tpu.memory_space<semaphore_mem>>)
    %barrier3A = arith.constant 0 : index
    tpu.barrier barrier_id(%barrier3A)
    %scan3A = arith.constant 0 : i32
    %scan3A_67 = arith.constant 0 : i32
    %scan3A_68 = arith.constant 7 : i32
    %scan3A_69 = arith.addi %scan3A_67, %scan3A_68 : i32
    %scan3A_70 = arith.constant 1 : i32
    scf.for %scan3A_73 = %scan3A_67 to %scan3A_69 step %scan3A_70  : i32 {
      %rem3A = arith.constant 2 : i32
      %rem3A_74 = arith.remsi %scan3A_73, %rem3A : i32
      %add3A_75 = arith.constant 1 : i32
      %add3A_76 = arith.addi %scan3A_73, %add3A_75 : i32
      %rem3A_77 = arith.constant 2 : i32
      %rem3A_78 = arith.remsi %add3A_76, %rem3A_77 : i32
      %dma_wait3A = arith.constant 0 : i32
      %dma_wait3A_79 = arith.constant 0 : i32
      %dma_wait3A_80 = arith.constant 0 : i32
      %dma_wait3A_81 = arith.constant 0 : i32
      %dma_wait3A_82 = tpu.memref_slice %arg9[%dma_wait3A_79, %dma_wait3A_80, %dma_wait3A_81] : memref<2x128x128xf32, #tpu.memory_space<vmem>> -> memref<1x128x128xf32, #tpu.memory_space<vmem>>
      %dma_wait3A_83 = tpu.memref_squeeze %dma_wait3A_82 : memref<1x128x128xf32, #tpu.memory_space<vmem>> -> memref<128x128xf32, #tpu.memory_space<vmem>>
      %dma_wait3A_84 = arith.constant 0 : i32
      %dma_wait3A_85 = tpu.memref_slice %arg7[%rem3A_74, %dma_wait3A, %dma_wait3A_84] : memref<2x12x128xi32, #tpu.memory_space<vmem>> -> memref<1x1x128xi32, #tpu.memory_space<vmem>>
      %dma_wait3A_86 = tpu.memref_squeeze %dma_wait3A_85 : memref<1x1x128xi32, #tpu.memory_space<vmem>> -> memref<128xi32, #tpu.memory_space<vmem>>
      %dma_wait3A_87 = arith.constant 0 : i32
      %dma_wait3A_88 = arith.constant 0 : i32
      %dma_wait3A_89 = tpu.memref_slice %arg2[%dma_wait3A_87, %dma_wait3A_88] : memref<10240x128xf32, #tpu.memory_space<hbm>> -> memref<10240x128xf32, #tpu.memory_space<hbm>>
      tpu.wait_indirect_dma semaphore(%arg11 : memref<!tpu.dma_semaphore, #tpu.memory_space<semaphore_mem>>) src(%dma_wait3A_89 : memref<10240x128xf32, #tpu.memory_space<hbm>>) dst(%dma_wait3A_83 : memref<128x128xf32, #tpu.memory_space<vmem>>)
      %run_scoped3A_90 = arith.constant 0 : i32
      %run_scoped3A_91 = arith.constant 0 : i32
      "tpu.region"() ({
        %run_scoped3A_383 = tpu.sem_alloc : memref<!tpu.dma_semaphore, #tpu.memory_space<semaphore_mem>>
        %dma_start3A_384 = arith.constant 0 : i32
        %dma_start3A_385 = arith.constant 0 : i32
        %dma_start3A_386 = tpu.memref_slice %arg9[%run_scoped3A_90, %dma_start3A_384, %dma_start3A_385] : memref<2x128x128xf32, #tpu.memory_space<vmem>> -> memref<1x128x128xf32, #tpu.memory_space<vmem>>
        %dma_start3A_387 = tpu.memref_squeeze %dma_start3A_386 : memref<1x128x128xf32, #tpu.memory_space<vmem>> -> memref<128x128xf32, #tpu.memory_space<vmem>>
        %dma_start3A_388 = arith.constant 0 : i32
        %dma_start3A_389 = tpu.memref_slice %arg8[%rem3A_74, %run_scoped3A_91, %dma_start3A_388] : memref<2x12x128xi32, #tpu.memory_space<vmem>> -> memref<1x1x128xi32, #tpu.memory_space<vmem>>
        %dma_start3A_390 = tpu.memref_squeeze %dma_start3A_389 : memref<1x1x128xi32, #tpu.memory_space<vmem>> -> memref<128xi32, #tpu.memory_space<vmem>>
        %dma_start3A_391 = arith.constant 0 : i32
        %dma_start3A_392 = arith.constant 0 : i32
        %dma_start3A_393 = tpu.memref_slice %arg10[%dma_start3A_391, %dma_start3A_392] : memref<10240x128xf32, #tpu.memory_space<vmem_shared>> -> memref<10240x128xf32, #tpu.memory_space<vmem_shared>>
        tpu.enqueue_indirect_dma source(%dma_start3A_387 : memref<128x128xf32, #tpu.memory_space<vmem>>) target(%dma_start3A_393 : memref<10240x128xf32, #tpu.memory_space<vmem_shared>>) offsets(%dma_start3A_390 : memref<128xi32, #tpu.memory_space<vmem>>) semaphore(%run_scoped3A_383 : memref<!tpu.dma_semaphore, #tpu.memory_space<semaphore_mem>>) {add = true}
        %dma_wait3A_394 = arith.constant 0 : i32
        %dma_wait3A_395 = arith.constant 0 : i32
        %dma_wait3A_396 = tpu.memref_slice %arg9[%run_scoped3A_90, %dma_wait3A_394, %dma_wait3A_395] : memref<2x128x128xf32, #tpu.memory_space<vmem>> -> memref<1x128x128xf32, #tpu.memory_space<vmem>>
        %dma_wait3A_397 = tpu.memref_squeeze %dma_wait3A_396 : memref<1x128x128xf32, #tpu.memory_space<vmem>> -> memref<128x128xf32, #tpu.memory_space<vmem>>
        %dma_wait3A_398 = arith.constant 0 : i32
        %dma_wait3A_399 = tpu.memref_slice %arg8[%rem3A_74, %run_scoped3A_91, %dma_wait3A_398] : memref<2x12x128xi32, #tpu.memory_space<vmem>> -> memref<1x1x128xi32, #tpu.memory_space<vmem>>
        %dma_wait3A_400 = tpu.memref_squeeze %dma_wait3A_399 : memref<1x1x128xi32, #tpu.memory_space<vmem>> -> memref<128xi32, #tpu.memory_space<vmem>>
        %dma_wait3A_401 = arith.constant 0 : i32
        %dma_wait3A_402 = arith.constant 0 : i32
        %dma_wait3A_403 = tpu.memref_slice %arg10[%dma_wait3A_401, %dma_wait3A_402] : memref<10240x128xf32, #tpu.memory_space<vmem_shared>> -> memref<10240x128xf32, #tpu.memory_space<vmem_shared>>
        tpu.wait_indirect_dma semaphore(%run_scoped3A_383 : memref<!tpu.dma_semaphore, #tpu.memory_space<semaphore_mem>>) src(%dma_wait3A_397 : memref<128x128xf32, #tpu.memory_space<vmem>>) dst(%dma_wait3A_403 : memref<10240x128xf32, #tpu.memory_space<vmem_shared>>)
        tpu.yield
      }) : () -> ()
      %dma_start3A_92 = arith.constant 2 : i32
      %dma_start3A_93 = arith.constant 0 : i32
      %dma_start3A_94 = arith.constant 0 : i32
      %dma_start3A_95 = arith.constant 0 : i32
      %dma_start3A_96 = tpu.memref_slice %arg9[%dma_start3A_93, %dma_start3A_94, %dma_start3A_95] : memref<2x128x128xf32, #tpu.memory_space<vmem>> -> memref<1x128x128xf32, #tpu.memory_space<vmem>>
      %dma_start3A_97 = tpu.memref_squeeze %dma_start3A_96 : memref<1x128x128xf32, #tpu.memory_space<vmem>> -> memref<128x128xf32, #tpu.memory_space<vmem>>
      %dma_start3A_98 = arith.constant 0 : i32
      %dma_start3A_99 = tpu.memref_slice %arg7[%rem3A_74, %dma_start3A_92, %dma_start3A_98] : memref<2x12x128xi32, #tpu.memory_space<vmem>> -> memref<1x1x128xi32, #tpu.memory_space<vmem>>
      %dma_start3A_100 = tpu.memref_squeeze %dma_start3A_99 : memref<1x1x128xi32, #tpu.memory_space<vmem>> -> memref<128xi32, #tpu.memory_space<vmem>>
      %dma_start3A_101 = arith.constant 0 : i32
      %dma_start3A_102 = arith.constant 0 : i32
      %dma_start3A_103 = tpu.memref_slice %arg2[%dma_start3A_101, %dma_start3A_102] : memref<10240x128xf32, #tpu.memory_space<hbm>> -> memref<10240x128xf32, #tpu.memory_space<hbm>>
      tpu.enqueue_indirect_dma source(%dma_start3A_103 : memref<10240x128xf32, #tpu.memory_space<hbm>>) target(%dma_start3A_97 : memref<128x128xf32, #tpu.memory_space<vmem>>) offsets(%dma_start3A_100 : memref<128xi32, #tpu.memory_space<vmem>>) semaphore(%arg11 : memref<!tpu.dma_semaphore, #tpu.memory_space<semaphore_mem>>)
      %dma_wait3A_104 = arith.constant 1 : i32
      %dma_wait3A_105 = arith.constant 1 : i32
      %dma_wait3A_106 = arith.constant 0 : i32
      %dma_wait3A_107 = arith.constant 0 : i32
      %dma_wait3A_108 = tpu.memref_slice %arg9[%dma_wait3A_105, %dma_wait3A_106, %dma_wait3A_107] : memref<2x128x128xf32, #tpu.memory_space<vmem>> -> memref<1x128x128xf32, #tpu.memory_space<vmem>>
      %dma_wait3A_109 = tpu.memref_squeeze %dma_wait3A_108 : memref<1x128x128xf32, #tpu.memory_space<vmem>> -> memref<128x128xf32, #tpu.memory_space<vmem>>
      %dma_wait3A_110 = arith.constant 0 : i32
      %dma_wait3A_111 = tpu.memref_slice %arg7[%rem3A_74, %dma_wait3A_104, %dma_wait3A_110] : memref<2x12x128xi32, #tpu.memory_space<vmem>> -> memref<1x1x128xi32, #tpu.memory_space<vmem>>
      %dma_wait3A_112 = tpu.memref_squeeze %dma_wait3A_111 : memref<1x1x128xi32, #tpu.memory_space<vmem>> -> memref<128xi32, #tpu.memory_space<vmem>>
      %dma_wait3A_113 = arith.constant 0 : i32
      %dma_wait3A_114 = arith.constant 0 : i32
      %dma_wait3A_115 = tpu.memref_slice %arg2[%dma_wait3A_113, %dma_wait3A_114] : memref<10240x128xf32, #tpu.memory_space<hbm>> -> memref<10240x128xf32, #tpu.memory_space<hbm>>
      tpu.wait_indirect_dma semaphore(%arg12 : memref<!tpu.dma_semaphore, #tpu.memory_space<semaphore_mem>>) src(%dma_wait3A_115 : memref<10240x128xf32, #tpu.memory_space<hbm>>) dst(%dma_wait3A_109 : memref<128x128xf32, #tpu.memory_space<vmem>>)
      %run_scoped3A_116 = arith.constant 1 : i32
      %run_scoped3A_117 = arith.constant 1 : i32
      "tpu.region"() ({
        %run_scoped3A_383 = tpu.sem_alloc : memref<!tpu.dma_semaphore, #tpu.memory_space<semaphore_mem>>
        %dma_start3A_384 = arith.constant 0 : i32
        %dma_start3A_385 = arith.constant 0 : i32
        %dma_start3A_386 = tpu.memref_slice %arg9[%run_scoped3A_116, %dma_start3A_384, %dma_start3A_385] : memref<2x128x128xf32, #tpu.memory_space<vmem>> -> memref<1x128x128xf32, #tpu.memory_space<vmem>>
        %dma_start3A_387 = tpu.memref_squeeze %dma_start3A_386 : memref<1x128x128xf32, #tpu.memory_space<vmem>> -> memref<128x128xf32, #tpu.memory_space<vmem>>
        %dma_start3A_388 = arith.constant 0 : i32
        %dma_start3A_389 = tpu.memref_slice %arg8[%rem3A_74, %run_scoped3A_117, %dma_start3A_388] : memref<2x12x128xi32, #tpu.memory_space<vmem>> -> memref<1x1x128xi32, #tpu.memory_space<vmem>>
        %dma_start3A_390 = tpu.memref_squeeze %dma_start3A_389 : memref<1x1x128xi32, #tpu.memory_space<vmem>> -> memref<128xi32, #tpu.memory_space<vmem>>
        %dma_start3A_391 = arith.constant 0 : i32
        %dma_start3A_392 = arith.constant 0 : i32
        %dma_start3A_393 = tpu.memref_slice %arg10[%dma_start3A_391, %dma_start3A_392] : memref<10240x128xf32, #tpu.memory_space<vmem_shared>> -> memref<10240x128xf32, #tpu.memory_space<vmem_shared>>
        tpu.enqueue_indirect_dma source(%dma_start3A_387 : memref<128x128xf32, #tpu.memory_space<vmem>>) target(%dma_start3A_393 : memref<10240x128xf32, #tpu.memory_space<vmem_shared>>) offsets(%dma_start3A_390 : memref<128xi32, #tpu.memory_space<vmem>>) semaphore(%run_scoped3A_383 : memref<!tpu.dma_semaphore, #tpu.memory_space<semaphore_mem>>) {add = true}
        %dma_wait3A_394 = arith.constant 0 : i32
        %dma_wait3A_395 = arith.constant 0 : i32
        %dma_wait3A_396 = tpu.memref_slice %arg9[%run_scoped3A_116, %dma_wait3A_394, %dma_wait3A_395] : memref<2x128x128xf32, #tpu.memory_space<vmem>> -> memref<1x128x128xf32, #tpu.memory_space<vmem>>
        %dma_wait3A_397 = tpu.memref_squeeze %dma_wait3A_396 : memref<1x128x128xf32, #tpu.memory_space<vmem>> -> memref<128x128xf32, #tpu.memory_space<vmem>>
        %dma_wait3A_398 = arith.constant 0 : i32
        %dma_wait3A_399 = tpu.memref_slice %arg8[%rem3A_74, %run_scoped3A_117, %dma_wait3A_398] : memref<2x12x128xi32, #tpu.memory_space<vmem>> -> memref<1x1x128xi32, #tpu.memory_space<vmem>>
        %dma_wait3A_400 = tpu.memref_squeeze %dma_wait3A_399 : memref<1x1x128xi32, #tpu.memory_space<vmem>> -> memref<128xi32, #tpu.memory_space<vmem>>
        %dma_wait3A_401 = arith.constant 0 : i32
        %dma_wait3A_402 = arith.constant 0 : i32
        %dma_wait3A_403 = tpu.memref_slice %arg10[%dma_wait3A_401, %dma_wait3A_402] : memref<10240x128xf32, #tpu.memory_space<vmem_shared>> -> memref<10240x128xf32, #tpu.memory_space<vmem_shared>>
        tpu.wait_indirect_dma semaphore(%run_scoped3A_383 : memref<!tpu.dma_semaphore, #tpu.memory_space<semaphore_mem>>) src(%dma_wait3A_397 : memref<128x128xf32, #tpu.memory_space<vmem>>) dst(%dma_wait3A_403 : memref<10240x128xf32, #tpu.memory_space<vmem_shared>>)
        tpu.yield
      }) : () -> ()
      %dma_start3A_118 = arith.constant 3 : i32
      %dma_start3A_119 = arith.constant 1 : i32
      %dma_start3A_120 = arith.constant 0 : i32
      %dma_start3A_121 = arith.constant 0 : i32
      %dma_start3A_122 = tpu.memref_slice %arg9[%dma_start3A_119, %dma_start3A_120, %dma_start3A_121] : memref<2x128x128xf32, #tpu.memory_space<vmem>> -> memref<1x128x128xf32, #tpu.memory_space<vmem>>
      %dma_start3A_123 = tpu.memref_squeeze %dma_start3A_122 : memref<1x128x128xf32, #tpu.memory_space<vmem>> -> memref<128x128xf32, #tpu.memory_space<vmem>>
      %dma_start3A_124 = arith.constant 0 : i32
      %dma_start3A_125 = tpu.memref_slice %arg7[%rem3A_74, %dma_start3A_118, %dma_start3A_124] : memref<2x12x128xi32, #tpu.memory_space<vmem>> -> memref<1x1x128xi32, #tpu.memory_space<vmem>>
      %dma_start3A_126 = tpu.memref_squeeze %dma_start3A_125 : memref<1x1x128xi32, #tpu.memory_space<vmem>> -> memref<128xi32, #tpu.memory_space<vmem>>
      %dma_start3A_127 = arith.constant 0 : i32
      %dma_start3A_128 = arith.constant 0 : i32
      %dma_start3A_129 = tpu.memref_slice %arg2[%dma_start3A_127, %dma_start3A_128] : memref<10240x128xf32, #tpu.memory_space<hbm>> -> memref<10240x128xf32, #tpu.memory_space<hbm>>
      tpu.enqueue_indirect_dma source(%dma_start3A_129 : memref<10240x128xf32, #tpu.memory_space<hbm>>) target(%dma_start3A_123 : memref<128x128xf32, #tpu.memory_space<vmem>>) offsets(%dma_start3A_126 : memref<128xi32, #tpu.memory_space<vmem>>) semaphore(%arg12 : memref<!tpu.dma_semaphore, #tpu.memory_space<semaphore_mem>>)
      %dma_wait3A_130 = arith.constant 2 : i32
      %dma_wait3A_131 = arith.constant 0 : i32
      %dma_wait3A_132 = arith.constant 0 : i32
      %dma_wait3A_133 = arith.constant 0 : i32
      %dma_wait3A_134 = tpu.memref_slice %arg9[%dma_wait3A_131, %dma_wait3A_132, %dma_wait3A_133] : memref<2x128x128xf32, #tpu.memory_space<vmem>> -> memref<1x128x128xf32, #tpu.memory_space<vmem>>
      %dma_wait3A_135 = tpu.memref_squeeze %dma_wait3A_134 : memref<1x128x128xf32, #tpu.memory_space<vmem>> -> memref<128x128xf32, #tpu.memory_space<vmem>>
      %dma_wait3A_136 = arith.constant 0 : i32
      %dma_wait3A_137 = tpu.memref_slice %arg7[%rem3A_74, %dma_wait3A_130, %dma_wait3A_136] : memref<2x12x128xi32, #tpu.memory_space<vmem>> -> memref<1x1x128xi32, #tpu.memory_space<vmem>>
      %dma_wait3A_138 = tpu.memref_squeeze %dma_wait3A_137 : memref<1x1x128xi32, #tpu.memory_space<vmem>> -> memref<128xi32, #tpu.memory_space<vmem>>
      %dma_wait3A_139 = arith.constant 0 : i32
      %dma_wait3A_140 = arith.constant 0 : i32
      %dma_wait3A_141 = tpu.memref_slice %arg2[%dma_wait3A_139, %dma_wait3A_140] : memref<10240x128xf32, #tpu.memory_space<hbm>> -> memref<10240x128xf32, #tpu.memory_space<hbm>>
      tpu.wait_indirect_dma semaphore(%arg11 : memref<!tpu.dma_semaphore, #tpu.memory_space<semaphore_mem>>) src(%dma_wait3A_141 : memref<10240x128xf32, #tpu.memory_space<hbm>>) dst(%dma_wait3A_135 : memref<128x128xf32, #tpu.memory_space<vmem>>)
      %run_scoped3A_142 = arith.constant 0 : i32
      %run_scoped3A_143 = arith.constant 2 : i32
      "tpu.region"() ({
        %run_scoped3A_383 = tpu.sem_alloc : memref<!tpu.dma_semaphore, #tpu.memory_space<semaphore_mem>>
        %dma_start3A_384 = arith.constant 0 : i32
        %dma_start3A_385 = arith.constant 0 : i32
        %dma_start3A_386 = tpu.memref_slice %arg9[%run_scoped3A_142, %dma_start3A_384, %dma_start3A_385] : memref<2x128x128xf32, #tpu.memory_space<vmem>> -> memref<1x128x128xf32, #tpu.memory_space<vmem>>
        %dma_start3A_387 = tpu.memref_squeeze %dma_start3A_386 : memref<1x128x128xf32, #tpu.memory_space<vmem>> -> memref<128x128xf32, #tpu.memory_space<vmem>>
        %dma_start3A_388 = arith.constant 0 : i32
        %dma_start3A_389 = tpu.memref_slice %arg8[%rem3A_74, %run_scoped3A_143, %dma_start3A_388] : memref<2x12x128xi32, #tpu.memory_space<vmem>> -> memref<1x1x128xi32, #tpu.memory_space<vmem>>
        %dma_start3A_390 = tpu.memref_squeeze %dma_start3A_389 : memref<1x1x128xi32, #tpu.memory_space<vmem>> -> memref<128xi32, #tpu.memory_space<vmem>>
        %dma_start3A_391 = arith.constant 0 : i32
        %dma_start3A_392 = arith.constant 0 : i32
        %dma_start3A_393 = tpu.memref_slice %arg10[%dma_start3A_391, %dma_start3A_392] : memref<10240x128xf32, #tpu.memory_space<vmem_shared>> -> memref<10240x128xf32, #tpu.memory_space<vmem_shared>>
        tpu.enqueue_indirect_dma source(%dma_start3A_387 : memref<128x128xf32, #tpu.memory_space<vmem>>) target(%dma_start3A_393 : memref<10240x128xf32, #tpu.memory_space<vmem_shared>>) offsets(%dma_start3A_390 : memref<128xi32, #tpu.memory_space<vmem>>) semaphore(%run_scoped3A_383 : memref<!tpu.dma_semaphore, #tpu.memory_space<semaphore_mem>>) {add = true}
        %dma_wait3A_394 = arith.constant 0 : i32
        %dma_wait3A_395 = arith.constant 0 : i32
        %dma_wait3A_396 = tpu.memref_slice %arg9[%run_scoped3A_142, %dma_wait3A_394, %dma_wait3A_395] : memref<2x128x128xf32, #tpu.memory_space<vmem>> -> memref<1x128x128xf32, #tpu.memory_space<vmem>>
        %dma_wait3A_397 = tpu.memref_squeeze %dma_wait3A_396 : memref<1x128x128xf32, #tpu.memory_space<vmem>> -> memref<128x128xf32, #tpu.memory_space<vmem>>
        %dma_wait3A_398 = arith.constant 0 : i32
        %dma_wait3A_399 = tpu.memref_slice %arg8[%rem3A_74, %run_scoped3A_143, %dma_wait3A_398] : memref<2x12x128xi32, #tpu.memory_space<vmem>> -> memref<1x1x128xi32, #tpu.memory_space<vmem>>
        %dma_wait3A_400 = tpu.memref_squeeze %dma_wait3A_399 : memref<1x1x128xi32, #tpu.memory_space<vmem>> -> memref<128xi32, #tpu.memory_space<vmem>>
        %dma_wait3A_401 = arith.constant 0 : i32
        %dma_wait3A_402 = arith.constant 0 : i32
        %dma_wait3A_403 = tpu.memref_slice %arg10[%dma_wait3A_401, %dma_wait3A_402] : memref<10240x128xf32, #tpu.memory_space<vmem_shared>> -> memref<10240x128xf32, #tpu.memory_space<vmem_shared>>
        tpu.wait_indirect_dma semaphore(%run_scoped3A_383 : memref<!tpu.dma_semaphore, #tpu.memory_space<semaphore_mem>>) src(%dma_wait3A_397 : memref<128x128xf32, #tpu.memory_space<vmem>>) dst(%dma_wait3A_403 : memref<10240x128xf32, #tpu.memory_space<vmem_shared>>)
        tpu.yield
      }) : () -> ()
      %dma_start3A_144 = arith.constant 4 : i32
      %dma_start3A_145 = arith.constant 0 : i32
      %dma_start3A_146 = arith.constant 0 : i32
      %dma_start3A_147 = arith.constant 0 : i32
      %dma_start3A_148 = tpu.memref_slice %arg9[%dma_start3A_145, %dma_start3A_146, %dma_start3A_147] : memref<2x128x128xf32, #tpu.memory_space<vmem>> -> memref<1x128x128xf32, #tpu.memory_space<vmem>>
      %dma_start3A_149 = tpu.memref_squeeze %dma_start3A_148 : memref<1x128x128xf32, #tpu.memory_space<vmem>> -> memref<128x128xf32, #tpu.memory_space<vmem>>
      %dma_start3A_150 = arith.constant 0 : i32
      %dma_start3A_151 = tpu.memref_slice %arg7[%rem3A_74, %dma_start3A_144, %dma_start3A_150] : memref<2x12x128xi32, #tpu.memory_space<vmem>> -> memref<1x1x128xi32, #tpu.memory_space<vmem>>
      %dma_start3A_152 = tpu.memref_squeeze %dma_start3A_151 : memref<1x1x128xi32, #tpu.memory_space<vmem>> -> memref<128xi32, #tpu.memory_space<vmem>>
      %dma_start3A_153 = arith.constant 0 : i32
      %dma_start3A_154 = arith.constant 0 : i32
      %dma_start3A_155 = tpu.memref_slice %arg2[%dma_start3A_153, %dma_start3A_154] : memref<10240x128xf32, #tpu.memory_space<hbm>> -> memref<10240x128xf32, #tpu.memory_space<hbm>>
      tpu.enqueue_indirect_dma source(%dma_start3A_155 : memref<10240x128xf32, #tpu.memory_space<hbm>>) target(%dma_start3A_149 : memref<128x128xf32, #tpu.memory_space<vmem>>) offsets(%dma_start3A_152 : memref<128xi32, #tpu.memory_space<vmem>>) semaphore(%arg11 : memref<!tpu.dma_semaphore, #tpu.memory_space<semaphore_mem>>)
      %dma_wait3A_156 = arith.constant 3 : i32
      %dma_wait3A_157 = arith.constant 1 : i32
      %dma_wait3A_158 = arith.constant 0 : i32
      %dma_wait3A_159 = arith.constant 0 : i32
      %dma_wait3A_160 = tpu.memref_slice %arg9[%dma_wait3A_157, %dma_wait3A_158, %dma_wait3A_159] : memref<2x128x128xf32, #tpu.memory_space<vmem>> -> memref<1x128x128xf32, #tpu.memory_space<vmem>>
      %dma_wait3A_161 = tpu.memref_squeeze %dma_wait3A_160 : memref<1x128x128xf32, #tpu.memory_space<vmem>> -> memref<128x128xf32, #tpu.memory_space<vmem>>
      %dma_wait3A_162 = arith.constant 0 : i32
      %dma_wait3A_163 = tpu.memref_slice %arg7[%rem3A_74, %dma_wait3A_156, %dma_wait3A_162] : memref<2x12x128xi32, #tpu.memory_space<vmem>> -> memref<1x1x128xi32, #tpu.memory_space<vmem>>
      %dma_wait3A_164 = tpu.memref_squeeze %dma_wait3A_163 : memref<1x1x128xi32, #tpu.memory_space<vmem>> -> memref<128xi32, #tpu.memory_space<vmem>>
      %dma_wait3A_165 = arith.constant 0 : i32
      %dma_wait3A_166 = arith.constant 0 : i32
      %dma_wait3A_167 = tpu.memref_slice %arg2[%dma_wait3A_165, %dma_wait3A_166] : memref<10240x128xf32, #tpu.memory_space<hbm>> -> memref<10240x128xf32, #tpu.memory_space<hbm>>
      tpu.wait_indirect_dma semaphore(%arg12 : memref<!tpu.dma_semaphore, #tpu.memory_space<semaphore_mem>>) src(%dma_wait3A_167 : memref<10240x128xf32, #tpu.memory_space<hbm>>) dst(%dma_wait3A_161 : memref<128x128xf32, #tpu.memory_space<vmem>>)
      %run_scoped3A_168 = arith.constant 1 : i32
      %run_scoped3A_169 = arith.constant 3 : i32
      "tpu.region"() ({
        %run_scoped3A_383 = tpu.sem_alloc : memref<!tpu.dma_semaphore, #tpu.memory_space<semaphore_mem>>
        %dma_start3A_384 = arith.constant 0 : i32
        %dma_start3A_385 = arith.constant 0 : i32
        %dma_start3A_386 = tpu.memref_slice %arg9[%run_scoped3A_168, %dma_start3A_384, %dma_start3A_385] : memref<2x128x128xf32, #tpu.memory_space<vmem>> -> memref<1x128x128xf32, #tpu.memory_space<vmem>>
        %dma_start3A_387 = tpu.memref_squeeze %dma_start3A_386 : memref<1x128x128xf32, #tpu.memory_space<vmem>> -> memref<128x128xf32, #tpu.memory_space<vmem>>
        %dma_start3A_388 = arith.constant 0 : i32
        %dma_start3A_389 = tpu.memref_slice %arg8[%rem3A_74, %run_scoped3A_169, %dma_start3A_388] : memref<2x12x128xi32, #tpu.memory_space<vmem>> -> memref<1x1x128xi32, #tpu.memory_space<vmem>>
        %dma_start3A_390 = tpu.memref_squeeze %dma_start3A_389 : memref<1x1x128xi32, #tpu.memory_space<vmem>> -> memref<128xi32, #tpu.memory_space<vmem>>
        %dma_start3A_391 = arith.constant 0 : i32
        %dma_start3A_392 = arith.constant 0 : i32
        %dma_start3A_393 = tpu.memref_slice %arg10[%dma_start3A_391, %dma_start3A_392] : memref<10240x128xf32, #tpu.memory_space<vmem_shared>> -> memref<10240x128xf32, #tpu.memory_space<vmem_shared>>
        tpu.enqueue_indirect_dma source(%dma_start3A_387 : memref<128x128xf32, #tpu.memory_space<vmem>>) target(%dma_start3A_393 : memref<10240x128xf32, #tpu.memory_space<vmem_shared>>) offsets(%dma_start3A_390 : memref<128xi32, #tpu.memory_space<vmem>>) semaphore(%run_scoped3A_383 : memref<!tpu.dma_semaphore, #tpu.memory_space<semaphore_mem>>) {add = true}
        %dma_wait3A_394 = arith.constant 0 : i32
        %dma_wait3A_395 = arith.constant 0 : i32
        %dma_wait3A_396 = tpu.memref_slice %arg9[%run_scoped3A_168, %dma_wait3A_394, %dma_wait3A_395] : memref<2x128x128xf32, #tpu.memory_space<vmem>> -> memref<1x128x128xf32, #tpu.memory_space<vmem>>
        %dma_wait3A_397 = tpu.memref_squeeze %dma_wait3A_396 : memref<1x128x128xf32, #tpu.memory_space<vmem>> -> memref<128x128xf32, #tpu.memory_space<vmem>>
        %dma_wait3A_398 = arith.constant 0 : i32
        %dma_wait3A_399 = tpu.memref_slice %arg8[%rem3A_74, %run_scoped3A_169, %dma_wait3A_398] : memref<2x12x128xi32, #tpu.memory_space<vmem>> -> memref<1x1x128xi32, #tpu.memory_space<vmem>>
        %dma_wait3A_400 = tpu.memref_squeeze %dma_wait3A_399 : memref<1x1x128xi32, #tpu.memory_space<vmem>> -> memref<128xi32, #tpu.memory_space<vmem>>
        %dma_wait3A_401 = arith.constant 0 : i32
        %dma_wait3A_402 = arith.constant 0 : i32
        %dma_wait3A_403 = tpu.memref_slice %arg10[%dma_wait3A_401, %dma_wait3A_402] : memref<10240x128xf32, #tpu.memory_space<vmem_shared>> -> memref<10240x128xf32, #tpu.memory_space<vmem_shared>>
        tpu.wait_indirect_dma semaphore(%run_scoped3A_383 : memref<!tpu.dma_semaphore, #tpu.memory_space<semaphore_mem>>) src(%dma_wait3A_397 : memref<128x128xf32, #tpu.memory_space<vmem>>) dst(%dma_wait3A_403 : memref<10240x128xf32, #tpu.memory_space<vmem_shared>>)
        tpu.yield
      }) : () -> ()
      %dma_start3A_170 = arith.constant 5 : i32
      %dma_start3A_171 = arith.constant 1 : i32
      %dma_start3A_172 = arith.constant 0 : i32
      %dma_start3A_173 = arith.constant 0 : i32
      %dma_start3A_174 = tpu.memref_slice %arg9[%dma_start3A_171, %dma_start3A_172, %dma_start3A_173] : memref<2x128x128xf32, #tpu.memory_space<vmem>> -> memref<1x128x128xf32, #tpu.memory_space<vmem>>
      %dma_start3A_175 = tpu.memref_squeeze %dma_start3A_174 : memref<1x128x128xf32, #tpu.memory_space<vmem>> -> memref<128x128xf32, #tpu.memory_space<vmem>>
      %dma_start3A_176 = arith.constant 0 : i32
      %dma_start3A_177 = tpu.memref_slice %arg7[%rem3A_74, %dma_start3A_170, %dma_start3A_176] : memref<2x12x128xi32, #tpu.memory_space<vmem>> -> memref<1x1x128xi32, #tpu.memory_space<vmem>>
      %dma_start3A_178 = tpu.memref_squeeze %dma_start3A_177 : memref<1x1x128xi32, #tpu.memory_space<vmem>> -> memref<128xi32, #tpu.memory_space<vmem>>
      %dma_start3A_179 = arith.constant 0 : i32
      %dma_start3A_180 = arith.constant 0 : i32
      %dma_start3A_181 = tpu.memref_slice %arg2[%dma_start3A_179, %dma_start3A_180] : memref<10240x128xf32, #tpu.memory_space<hbm>> -> memref<10240x128xf32, #tpu.memory_space<hbm>>
      tpu.enqueue_indirect_dma source(%dma_start3A_181 : memref<10240x128xf32, #tpu.memory_space<hbm>>) target(%dma_start3A_175 : memref<128x128xf32, #tpu.memory_space<vmem>>) offsets(%dma_start3A_178 : memref<128xi32, #tpu.memory_space<vmem>>) semaphore(%arg12 : memref<!tpu.dma_semaphore, #tpu.memory_space<semaphore_mem>>)
      %dma_wait3A_182 = arith.constant 4 : i32
      %dma_wait3A_183 = arith.constant 0 : i32
      %dma_wait3A_184 = arith.constant 0 : i32
      %dma_wait3A_185 = arith.constant 0 : i32
      %dma_wait3A_186 = tpu.memref_slice %arg9[%dma_wait3A_183, %dma_wait3A_184, %dma_wait3A_185] : memref<2x128x128xf32, #tpu.memory_space<vmem>> -> memref<1x128x128xf32, #tpu.memory_space<vmem>>
      %dma_wait3A_187 = tpu.memref_squeeze %dma_wait3A_186 : memref<1x128x128xf32, #tpu.memory_space<vmem>> -> memref<128x128xf32, #tpu.memory_space<vmem>>
      %dma_wait3A_188 = arith.constant 0 : i32
      %dma_wait3A_189 = tpu.memref_slice %arg7[%rem3A_74, %dma_wait3A_182, %dma_wait3A_188] : memref<2x12x128xi32, #tpu.memory_space<vmem>> -> memref<1x1x128xi32, #tpu.memory_space<vmem>>
      %dma_wait3A_190 = tpu.memref_squeeze %dma_wait3A_189 : memref<1x1x128xi32, #tpu.memory_space<vmem>> -> memref<128xi32, #tpu.memory_space<vmem>>
      %dma_wait3A_191 = arith.constant 0 : i32
      %dma_wait3A_192 = arith.constant 0 : i32
      %dma_wait3A_193 = tpu.memref_slice %arg2[%dma_wait3A_191, %dma_wait3A_192] : memref<10240x128xf32, #tpu.memory_space<hbm>> -> memref<10240x128xf32, #tpu.memory_space<hbm>>
      tpu.wait_indirect_dma semaphore(%arg11 : memref<!tpu.dma_semaphore, #tpu.memory_space<semaphore_mem>>) src(%dma_wait3A_193 : memref<10240x128xf32, #tpu.memory_space<hbm>>) dst(%dma_wait3A_187 : memref<128x128xf32, #tpu.memory_space<vmem>>)
      %run_scoped3A_194 = arith.constant 0 : i32
      %run_scoped3A_195 = arith.constant 4 : i32
      "tpu.region"() ({
        %run_scoped3A_383 = tpu.sem_alloc : memref<!tpu.dma_semaphore, #tpu.memory_space<semaphore_mem>>
        %dma_start3A_384 = arith.constant 0 : i32
        %dma_start3A_385 = arith.constant 0 : i32
        %dma_start3A_386 = tpu.memref_slice %arg9[%run_scoped3A_194, %dma_start3A_384, %dma_start3A_385] : memref<2x128x128xf32, #tpu.memory_space<vmem>> -> memref<1x128x128xf32, #tpu.memory_space<vmem>>
        %dma_start3A_387 = tpu.memref_squeeze %dma_start3A_386 : memref<1x128x128xf32, #tpu.memory_space<vmem>> -> memref<128x128xf32, #tpu.memory_space<vmem>>
        %dma_start3A_388 = arith.constant 0 : i32
        %dma_start3A_389 = tpu.memref_slice %arg8[%rem3A_74, %run_scoped3A_195, %dma_start3A_388] : memref<2x12x128xi32, #tpu.memory_space<vmem>> -> memref<1x1x128xi32, #tpu.memory_space<vmem>>
        %dma_start3A_390 = tpu.memref_squeeze %dma_start3A_389 : memref<1x1x128xi32, #tpu.memory_space<vmem>> -> memref<128xi32, #tpu.memory_space<vmem>>
        %dma_start3A_391 = arith.constant 0 : i32
        %dma_start3A_392 = arith.constant 0 : i32
        %dma_start3A_393 = tpu.memref_slice %arg10[%dma_start3A_391, %dma_start3A_392] : memref<10240x128xf32, #tpu.memory_space<vmem_shared>> -> memref<10240x128xf32, #tpu.memory_space<vmem_shared>>
        tpu.enqueue_indirect_dma source(%dma_start3A_387 : memref<128x128xf32, #tpu.memory_space<vmem>>) target(%dma_start3A_393 : memref<10240x128xf32, #tpu.memory_space<vmem_shared>>) offsets(%dma_start3A_390 : memref<128xi32, #tpu.memory_space<vmem>>) semaphore(%run_scoped3A_383 : memref<!tpu.dma_semaphore, #tpu.memory_space<semaphore_mem>>) {add = true}
        %dma_wait3A_394 = arith.constant 0 : i32
        %dma_wait3A_395 = arith.constant 0 : i32
        %dma_wait3A_396 = tpu.memref_slice %arg9[%run_scoped3A_194, %dma_wait3A_394, %dma_wait3A_395] : memref<2x128x128xf32, #tpu.memory_space<vmem>> -> memref<1x128x128xf32, #tpu.memory_space<vmem>>
        %dma_wait3A_397 = tpu.memref_squeeze %dma_wait3A_396 : memref<1x128x128xf32, #tpu.memory_space<vmem>> -> memref<128x128xf32, #tpu.memory_space<vmem>>
        %dma_wait3A_398 = arith.constant 0 : i32
        %dma_wait3A_399 = tpu.memref_slice %arg8[%rem3A_74, %run_scoped3A_195, %dma_wait3A_398] : memref<2x12x128xi32, #tpu.memory_space<vmem>> -> memref<1x1x128xi32, #tpu.memory_space<vmem>>
        %dma_wait3A_400 = tpu.memref_squeeze %dma_wait3A_399 : memref<1x1x128xi32, #tpu.memory_space<vmem>> -> memref<128xi32, #tpu.memory_space<vmem>>
        %dma_wait3A_401 = arith.constant 0 : i32
        %dma_wait3A_402 = arith.constant 0 : i32
        %dma_wait3A_403 = tpu.memref_slice %arg10[%dma_wait3A_401, %dma_wait3A_402] : memref<10240x128xf32, #tpu.memory_space<vmem_shared>> -> memref<10240x128xf32, #tpu.memory_space<vmem_shared>>
        tpu.wait_indirect_dma semaphore(%run_scoped3A_383 : memref<!tpu.dma_semaphore, #tpu.memory_space<semaphore_mem>>) src(%dma_wait3A_397 : memref<128x128xf32, #tpu.memory_space<vmem>>) dst(%dma_wait3A_403 : memref<10240x128xf32, #tpu.memory_space<vmem_shared>>)
        tpu.yield
      }) : () -> ()
      %dma_start3A_196 = arith.constant 6 : i32
      %dma_start3A_197 = arith.constant 0 : i32
      %dma_start3A_198 = arith.constant 0 : i32
      %dma_start3A_199 = arith.constant 0 : i32
      %dma_start3A_200 = tpu.memref_slice %arg9[%dma_start3A_197, %dma_start3A_198, %dma_start3A_199] : memref<2x128x128xf32, #tpu.memory_space<vmem>> -> memref<1x128x128xf32, #tpu.memory_space<vmem>>
      %dma_start3A_201 = tpu.memref_squeeze %dma_start3A_200 : memref<1x128x128xf32, #tpu.memory_space<vmem>> -> memref<128x128xf32, #tpu.memory_space<vmem>>
      %dma_start3A_202 = arith.constant 0 : i32
      %dma_start3A_203 = tpu.memref_slice %arg7[%rem3A_74, %dma_start3A_196, %dma_start3A_202] : memref<2x12x128xi32, #tpu.memory_space<vmem>> -> memref<1x1x128xi32, #tpu.memory_space<vmem>>
      %dma_start3A_204 = tpu.memref_squeeze %dma_start3A_203 : memref<1x1x128xi32, #tpu.memory_space<vmem>> -> memref<128xi32, #tpu.memory_space<vmem>>
      %dma_start3A_205 = arith.constant 0 : i32
      %dma_start3A_206 = arith.constant 0 : i32
      %dma_start3A_207 = tpu.memref_slice %arg2[%dma_start3A_205, %dma_start3A_206] : memref<10240x128xf32, #tpu.memory_space<hbm>> -> memref<10240x128xf32, #tpu.memory_space<hbm>>
      tpu.enqueue_indirect_dma source(%dma_start3A_207 : memref<10240x128xf32, #tpu.memory_space<hbm>>) target(%dma_start3A_201 : memref<128x128xf32, #tpu.memory_space<vmem>>) offsets(%dma_start3A_204 : memref<128xi32, #tpu.memory_space<vmem>>) semaphore(%arg11 : memref<!tpu.dma_semaphore, #tpu.memory_space<semaphore_mem>>)
      %dma_wait3A_208 = arith.constant 5 : i32
      %dma_wait3A_209 = arith.constant 1 : i32
      %dma_wait3A_210 = arith.constant 0 : i32
      %dma_wait3A_211 = arith.constant 0 : i32
      %dma_wait3A_212 = tpu.memref_slice %arg9[%dma_wait3A_209, %dma_wait3A_210, %dma_wait3A_211] : memref<2x128x128xf32, #tpu.memory_space<vmem>> -> memref<1x128x128xf32, #tpu.memory_space<vmem>>
      %dma_wait3A_213 = tpu.memref_squeeze %dma_wait3A_212 : memref<1x128x128xf32, #tpu.memory_space<vmem>> -> memref<128x128xf32, #tpu.memory_space<vmem>>
      %dma_wait3A_214 = arith.constant 0 : i32
      %dma_wait3A_215 = tpu.memref_slice %arg7[%rem3A_74, %dma_wait3A_208, %dma_wait3A_214] : memref<2x12x128xi32, #tpu.memory_space<vmem>> -> memref<1x1x128xi32, #tpu.memory_space<vmem>>
      %dma_wait3A_216 = tpu.memref_squeeze %dma_wait3A_215 : memref<1x1x128xi32, #tpu.memory_space<vmem>> -> memref<128xi32, #tpu.memory_space<vmem>>
      %dma_wait3A_217 = arith.constant 0 : i32
      %dma_wait3A_218 = arith.constant 0 : i32
      %dma_wait3A_219 = tpu.memref_slice %arg2[%dma_wait3A_217, %dma_wait3A_218] : memref<10240x128xf32, #tpu.memory_space<hbm>> -> memref<10240x128xf32, #tpu.memory_space<hbm>>
      tpu.wait_indirect_dma semaphore(%arg12 : memref<!tpu.dma_semaphore, #tpu.memory_space<semaphore_mem>>) src(%dma_wait3A_219 : memref<10240x128xf32, #tpu.memory_space<hbm>>) dst(%dma_wait3A_213 : memref<128x128xf32, #tpu.memory_space<vmem>>)
      %run_scoped3A_220 = arith.constant 1 : i32
      %run_scoped3A_221 = arith.constant 5 : i32
      "tpu.region"() ({
        %run_scoped3A_383 = tpu.sem_alloc : memref<!tpu.dma_semaphore, #tpu.memory_space<semaphore_mem>>
        %dma_start3A_384 = arith.constant 0 : i32
        %dma_start3A_385 = arith.constant 0 : i32
        %dma_start3A_386 = tpu.memref_slice %arg9[%run_scoped3A_220, %dma_start3A_384, %dma_start3A_385] : memref<2x128x128xf32, #tpu.memory_space<vmem>> -> memref<1x128x128xf32, #tpu.memory_space<vmem>>
        %dma_start3A_387 = tpu.memref_squeeze %dma_start3A_386 : memref<1x128x128xf32, #tpu.memory_space<vmem>> -> memref<128x128xf32, #tpu.memory_space<vmem>>
        %dma_start3A_388 = arith.constant 0 : i32
        %dma_start3A_389 = tpu.memref_slice %arg8[%rem3A_74, %run_scoped3A_221, %dma_start3A_388] : memref<2x12x128xi32, #tpu.memory_space<vmem>> -> memref<1x1x128xi32, #tpu.memory_space<vmem>>
        %dma_start3A_390 = tpu.memref_squeeze %dma_start3A_389 : memref<1x1x128xi32, #tpu.memory_space<vmem>> -> memref<128xi32, #tpu.memory_space<vmem>>
        %dma_start3A_391 = arith.constant 0 : i32
        %dma_start3A_392 = arith.constant 0 : i32
        %dma_start3A_393 = tpu.memref_slice %arg10[%dma_start3A_391, %dma_start3A_392] : memref<10240x128xf32, #tpu.memory_space<vmem_shared>> -> memref<10240x128xf32, #tpu.memory_space<vmem_shared>>
        tpu.enqueue_indirect_dma source(%dma_start3A_387 : memref<128x128xf32, #tpu.memory_space<vmem>>) target(%dma_start3A_393 : memref<10240x128xf32, #tpu.memory_space<vmem_shared>>) offsets(%dma_start3A_390 : memref<128xi32, #tpu.memory_space<vmem>>) semaphore(%run_scoped3A_383 : memref<!tpu.dma_semaphore, #tpu.memory_space<semaphore_mem>>) {add = true}
        %dma_wait3A_394 = arith.constant 0 : i32
        %dma_wait3A_395 = arith.constant 0 : i32
        %dma_wait3A_396 = tpu.memref_slice %arg9[%run_scoped3A_220, %dma_wait3A_394, %dma_wait3A_395] : memref<2x128x128xf32, #tpu.memory_space<vmem>> -> memref<1x128x128xf32, #tpu.memory_space<vmem>>
        %dma_wait3A_397 = tpu.memref_squeeze %dma_wait3A_396 : memref<1x128x128xf32, #tpu.memory_space<vmem>> -> memref<128x128xf32, #tpu.memory_space<vmem>>
        %dma_wait3A_398 = arith.constant 0 : i32
        %dma_wait3A_399 = tpu.memref_slice %arg8[%rem3A_74, %run_scoped3A_221, %dma_wait3A_398] : memref<2x12x128xi32, #tpu.memory_space<vmem>> -> memref<1x1x128xi32, #tpu.memory_space<vmem>>
        %dma_wait3A_400 = tpu.memref_squeeze %dma_wait3A_399 : memref<1x1x128xi32, #tpu.memory_space<vmem>> -> memref<128xi32, #tpu.memory_space<vmem>>
        %dma_wait3A_401 = arith.constant 0 : i32
        %dma_wait3A_402 = arith.constant 0 : i32
        %dma_wait3A_403 = tpu.memref_slice %arg10[%dma_wait3A_401, %dma_wait3A_402] : memref<10240x128xf32, #tpu.memory_space<vmem_shared>> -> memref<10240x128xf32, #tpu.memory_space<vmem_shared>>
        tpu.wait_indirect_dma semaphore(%run_scoped3A_383 : memref<!tpu.dma_semaphore, #tpu.memory_space<semaphore_mem>>) src(%dma_wait3A_397 : memref<128x128xf32, #tpu.memory_space<vmem>>) dst(%dma_wait3A_403 : memref<10240x128xf32, #tpu.memory_space<vmem_shared>>)
        tpu.yield
      }) : () -> ()
      %dma_start3A_222 = arith.constant 7 : i32
      %dma_start3A_223 = arith.constant 1 : i32
      %dma_start3A_224 = arith.constant 0 : i32
      %dma_start3A_225 = arith.constant 0 : i32
      %dma_start3A_226 = tpu.memref_slice %arg9[%dma_start3A_223, %dma_start3A_224, %dma_start3A_225] : memref<2x128x128xf32, #tpu.memory_space<vmem>> -> memref<1x128x128xf32, #tpu.memory_space<vmem>>
      %dma_start3A_227 = tpu.memref_squeeze %dma_start3A_226 : memref<1x128x128xf32, #tpu.memory_space<vmem>> -> memref<128x128xf32, #tpu.memory_space<vmem>>
      %dma_start3A_228 = arith.constant 0 : i32
      %dma_start3A_229 = tpu.memref_slice %arg7[%rem3A_74, %dma_start3A_222, %dma_start3A_228] : memref<2x12x128xi32, #tpu.memory_space<vmem>> -> memref<1x1x128xi32, #tpu.memory_space<vmem>>
      %dma_start3A_230 = tpu.memref_squeeze %dma_start3A_229 : memref<1x1x128xi32, #tpu.memory_space<vmem>> -> memref<128xi32, #tpu.memory_space<vmem>>
      %dma_start3A_231 = arith.constant 0 : i32
      %dma_start3A_232 = arith.constant 0 : i32
      %dma_start3A_233 = tpu.memref_slice %arg2[%dma_start3A_231, %dma_start3A_232] : memref<10240x128xf32, #tpu.memory_space<hbm>> -> memref<10240x128xf32, #tpu.memory_space<hbm>>
      tpu.enqueue_indirect_dma source(%dma_start3A_233 : memref<10240x128xf32, #tpu.memory_space<hbm>>) target(%dma_start3A_227 : memref<128x128xf32, #tpu.memory_space<vmem>>) offsets(%dma_start3A_230 : memref<128xi32, #tpu.memory_space<vmem>>) semaphore(%arg12 : memref<!tpu.dma_semaphore, #tpu.memory_space<semaphore_mem>>)
      %dma_wait3A_234 = arith.constant 6 : i32
      %dma_wait3A_235 = arith.constant 0 : i32
      %dma_wait3A_236 = arith.constant 0 : i32
      %dma_wait3A_237 = arith.constant 0 : i32
      %dma_wait3A_238 = tpu.memref_slice %arg9[%dma_wait3A_235, %dma_wait3A_236, %dma_wait3A_237] : memref<2x128x128xf32, #tpu.memory_space<vmem>> -> memref<1x128x128xf32, #tpu.memory_space<vmem>>
      %dma_wait3A_239 = tpu.memref_squeeze %dma_wait3A_238 : memref<1x128x128xf32, #tpu.memory_space<vmem>> -> memref<128x128xf32, #tpu.memory_space<vmem>>
      %dma_wait3A_240 = arith.constant 0 : i32
      %dma_wait3A_241 = tpu.memref_slice %arg7[%rem3A_74, %dma_wait3A_234, %dma_wait3A_240] : memref<2x12x128xi32, #tpu.memory_space<vmem>> -> memref<1x1x128xi32, #tpu.memory_space<vmem>>
      %dma_wait3A_242 = tpu.memref_squeeze %dma_wait3A_241 : memref<1x1x128xi32, #tpu.memory_space<vmem>> -> memref<128xi32, #tpu.memory_space<vmem>>
      %dma_wait3A_243 = arith.constant 0 : i32
      %dma_wait3A_244 = arith.constant 0 : i32
      %dma_wait3A_245 = tpu.memref_slice %arg2[%dma_wait3A_243, %dma_wait3A_244] : memref<10240x128xf32, #tpu.memory_space<hbm>> -> memref<10240x128xf32, #tpu.memory_space<hbm>>
      tpu.wait_indirect_dma semaphore(%arg11 : memref<!tpu.dma_semaphore, #tpu.memory_space<semaphore_mem>>) src(%dma_wait3A_245 : memref<10240x128xf32, #tpu.memory_space<hbm>>) dst(%dma_wait3A_239 : memref<128x128xf32, #tpu.memory_space<vmem>>)
      %run_scoped3A_246 = arith.constant 0 : i32
      %run_scoped3A_247 = arith.constant 6 : i32
      "tpu.region"() ({
        %run_scoped3A_383 = tpu.sem_alloc : memref<!tpu.dma_semaphore, #tpu.memory_space<semaphore_mem>>
        %dma_start3A_384 = arith.constant 0 : i32
        %dma_start3A_385 = arith.constant 0 : i32
        %dma_start3A_386 = tpu.memref_slice %arg9[%run_scoped3A_246, %dma_start3A_384, %dma_start3A_385] : memref<2x128x128xf32, #tpu.memory_space<vmem>> -> memref<1x128x128xf32, #tpu.memory_space<vmem>>
        %dma_start3A_387 = tpu.memref_squeeze %dma_start3A_386 : memref<1x128x128xf32, #tpu.memory_space<vmem>> -> memref<128x128xf32, #tpu.memory_space<vmem>>
        %dma_start3A_388 = arith.constant 0 : i32
        %dma_start3A_389 = tpu.memref_slice %arg8[%rem3A_74, %run_scoped3A_247, %dma_start3A_388] : memref<2x12x128xi32, #tpu.memory_space<vmem>> -> memref<1x1x128xi32, #tpu.memory_space<vmem>>
        %dma_start3A_390 = tpu.memref_squeeze %dma_start3A_389 : memref<1x1x128xi32, #tpu.memory_space<vmem>> -> memref<128xi32, #tpu.memory_space<vmem>>
        %dma_start3A_391 = arith.constant 0 : i32
        %dma_start3A_392 = arith.constant 0 : i32
        %dma_start3A_393 = tpu.memref_slice %arg10[%dma_start3A_391, %dma_start3A_392] : memref<10240x128xf32, #tpu.memory_space<vmem_shared>> -> memref<10240x128xf32, #tpu.memory_space<vmem_shared>>
        tpu.enqueue_indirect_dma source(%dma_start3A_387 : memref<128x128xf32, #tpu.memory_space<vmem>>) target(%dma_start3A_393 : memref<10240x128xf32, #tpu.memory_space<vmem_shared>>) offsets(%dma_start3A_390 : memref<128xi32, #tpu.memory_space<vmem>>) semaphore(%run_scoped3A_383 : memref<!tpu.dma_semaphore, #tpu.memory_space<semaphore_mem>>) {add = true}
        %dma_wait3A_394 = arith.constant 0 : i32
        %dma_wait3A_395 = arith.constant 0 : i32
        %dma_wait3A_396 = tpu.memref_slice %arg9[%run_scoped3A_246, %dma_wait3A_394, %dma_wait3A_395] : memref<2x128x128xf32, #tpu.memory_space<vmem>> -> memref<1x128x128xf32, #tpu.memory_space<vmem>>
        %dma_wait3A_397 = tpu.memref_squeeze %dma_wait3A_396 : memref<1x128x128xf32, #tpu.memory_space<vmem>> -> memref<128x128xf32, #tpu.memory_space<vmem>>
        %dma_wait3A_398 = arith.constant 0 : i32
        %dma_wait3A_399 = tpu.memref_slice %arg8[%rem3A_74, %run_scoped3A_247, %dma_wait3A_398] : memref<2x12x128xi32, #tpu.memory_space<vmem>> -> memref<1x1x128xi32, #tpu.memory_space<vmem>>
        %dma_wait3A_400 = tpu.memref_squeeze %dma_wait3A_399 : memref<1x1x128xi32, #tpu.memory_space<vmem>> -> memref<128xi32, #tpu.memory_space<vmem>>
        %dma_wait3A_401 = arith.constant 0 : i32
        %dma_wait3A_402 = arith.constant 0 : i32
        %dma_wait3A_403 = tpu.memref_slice %arg10[%dma_wait3A_401, %dma_wait3A_402] : memref<10240x128xf32, #tpu.memory_space<vmem_shared>> -> memref<10240x128xf32, #tpu.memory_space<vmem_shared>>
        tpu.wait_indirect_dma semaphore(%run_scoped3A_383 : memref<!tpu.dma_semaphore, #tpu.memory_space<semaphore_mem>>) src(%dma_wait3A_397 : memref<128x128xf32, #tpu.memory_space<vmem>>) dst(%dma_wait3A_403 : memref<10240x128xf32, #tpu.memory_space<vmem_shared>>)
        tpu.yield
      }) : () -> ()
      %dma_start3A_248 = arith.constant 8 : i32
      %dma_start3A_249 = arith.constant 0 : i32
      %dma_start3A_250 = arith.constant 0 : i32
      %dma_start3A_251 = arith.constant 0 : i32
      %dma_start3A_252 = tpu.memref_slice %arg9[%dma_start3A_249, %dma_start3A_250, %dma_start3A_251] : memref<2x128x128xf32, #tpu.memory_space<vmem>> -> memref<1x128x128xf32, #tpu.memory_space<vmem>>
      %dma_start3A_253 = tpu.memref_squeeze %dma_start3A_252 : memref<1x128x128xf32, #tpu.memory_space<vmem>> -> memref<128x128xf32, #tpu.memory_space<vmem>>
      %dma_start3A_254 = arith.constant 0 : i32
      %dma_start3A_255 = tpu.memref_slice %arg7[%rem3A_74, %dma_start3A_248, %dma_start3A_254] : memref<2x12x128xi32, #tpu.memory_space<vmem>> -> memref<1x1x128xi32, #tpu.memory_space<vmem>>
      %dma_start3A_256 = tpu.memref_squeeze %dma_start3A_255 : memref<1x1x128xi32, #tpu.memory_space<vmem>> -> memref<128xi32, #tpu.memory_space<vmem>>
      %dma_start3A_257 = arith.constant 0 : i32
      %dma_start3A_258 = arith.constant 0 : i32
      %dma_start3A_259 = tpu.memref_slice %arg2[%dma_start3A_257, %dma_start3A_258] : memref<10240x128xf32, #tpu.memory_space<hbm>> -> memref<10240x128xf32, #tpu.memory_space<hbm>>
      tpu.enqueue_indirect_dma source(%dma_start3A_259 : memref<10240x128xf32, #tpu.memory_space<hbm>>) target(%dma_start3A_253 : memref<128x128xf32, #tpu.memory_space<vmem>>) offsets(%dma_start3A_256 : memref<128xi32, #tpu.memory_space<vmem>>) semaphore(%arg11 : memref<!tpu.dma_semaphore, #tpu.memory_space<semaphore_mem>>)
      %dma_wait3A_260 = arith.constant 7 : i32
      %dma_wait3A_261 = arith.constant 1 : i32
      %dma_wait3A_262 = arith.constant 0 : i32
      %dma_wait3A_263 = arith.constant 0 : i32
      %dma_wait3A_264 = tpu.memref_slice %arg9[%dma_wait3A_261, %dma_wait3A_262, %dma_wait3A_263] : memref<2x128x128xf32, #tpu.memory_space<vmem>> -> memref<1x128x128xf32, #tpu.memory_space<vmem>>
      %dma_wait3A_265 = tpu.memref_squeeze %dma_wait3A_264 : memref<1x128x128xf32, #tpu.memory_space<vmem>> -> memref<128x128xf32, #tpu.memory_space<vmem>>
      %dma_wait3A_266 = arith.constant 0 : i32
      %dma_wait3A_267 = tpu.memref_slice %arg7[%rem3A_74, %dma_wait3A_260, %dma_wait3A_266] : memref<2x12x128xi32, #tpu.memory_space<vmem>> -> memref<1x1x128xi32, #tpu.memory_space<vmem>>
      %dma_wait3A_268 = tpu.memref_squeeze %dma_wait3A_267 : memref<1x1x128xi32, #tpu.memory_space<vmem>> -> memref<128xi32, #tpu.memory_space<vmem>>
      %dma_wait3A_269 = arith.constant 0 : i32
      %dma_wait3A_270 = arith.constant 0 : i32
      %dma_wait3A_271 = tpu.memref_slice %arg2[%dma_wait3A_269, %dma_wait3A_270] : memref<10240x128xf32, #tpu.memory_space<hbm>> -> memref<10240x128xf32, #tpu.memory_space<hbm>>
      tpu.wait_indirect_dma semaphore(%arg12 : memref<!tpu.dma_semaphore, #tpu.memory_space<semaphore_mem>>) src(%dma_wait3A_271 : memref<10240x128xf32, #tpu.memory_space<hbm>>) dst(%dma_wait3A_265 : memref<128x128xf32, #tpu.memory_space<vmem>>)
      %run_scoped3A_272 = arith.constant 1 : i32
      %run_scoped3A_273 = arith.constant 7 : i32
      "tpu.region"() ({
        %run_scoped3A_383 = tpu.sem_alloc : memref<!tpu.dma_semaphore, #tpu.memory_space<semaphore_mem>>
        %dma_start3A_384 = arith.constant 0 : i32
        %dma_start3A_385 = arith.constant 0 : i32
        %dma_start3A_386 = tpu.memref_slice %arg9[%run_scoped3A_272, %dma_start3A_384, %dma_start3A_385] : memref<2x128x128xf32, #tpu.memory_space<vmem>> -> memref<1x128x128xf32, #tpu.memory_space<vmem>>
        %dma_start3A_387 = tpu.memref_squeeze %dma_start3A_386 : memref<1x128x128xf32, #tpu.memory_space<vmem>> -> memref<128x128xf32, #tpu.memory_space<vmem>>
        %dma_start3A_388 = arith.constant 0 : i32
        %dma_start3A_389 = tpu.memref_slice %arg8[%rem3A_74, %run_scoped3A_273, %dma_start3A_388] : memref<2x12x128xi32, #tpu.memory_space<vmem>> -> memref<1x1x128xi32, #tpu.memory_space<vmem>>
        %dma_start3A_390 = tpu.memref_squeeze %dma_start3A_389 : memref<1x1x128xi32, #tpu.memory_space<vmem>> -> memref<128xi32, #tpu.memory_space<vmem>>
        %dma_start3A_391 = arith.constant 0 : i32
        %dma_start3A_392 = arith.constant 0 : i32
        %dma_start3A_393 = tpu.memref_slice %arg10[%dma_start3A_391, %dma_start3A_392] : memref<10240x128xf32, #tpu.memory_space<vmem_shared>> -> memref<10240x128xf32, #tpu.memory_space<vmem_shared>>
        tpu.enqueue_indirect_dma source(%dma_start3A_387 : memref<128x128xf32, #tpu.memory_space<vmem>>) target(%dma_start3A_393 : memref<10240x128xf32, #tpu.memory_space<vmem_shared>>) offsets(%dma_start3A_390 : memref<128xi32, #tpu.memory_space<vmem>>) semaphore(%run_scoped3A_383 : memref<!tpu.dma_semaphore, #tpu.memory_space<semaphore_mem>>) {add = true}
        %dma_wait3A_394 = arith.constant 0 : i32
        %dma_wait3A_395 = arith.constant 0 : i32
        %dma_wait3A_396 = tpu.memref_slice %arg9[%run_scoped3A_272, %dma_wait3A_394, %dma_wait3A_395] : memref<2x128x128xf32, #tpu.memory_space<vmem>> -> memref<1x128x128xf32, #tpu.memory_space<vmem>>
        %dma_wait3A_397 = tpu.memref_squeeze %dma_wait3A_396 : memref<1x128x128xf32, #tpu.memory_space<vmem>> -> memref<128x128xf32, #tpu.memory_space<vmem>>
        %dma_wait3A_398 = arith.constant 0 : i32
        %dma_wait3A_399 = tpu.memref_slice %arg8[%rem3A_74, %run_scoped3A_273, %dma_wait3A_398] : memref<2x12x128xi32, #tpu.memory_space<vmem>> -> memref<1x1x128xi32, #tpu.memory_space<vmem>>
        %dma_wait3A_400 = tpu.memref_squeeze %dma_wait3A_399 : memref<1x1x128xi32, #tpu.memory_space<vmem>> -> memref<128xi32, #tpu.memory_space<vmem>>
        %dma_wait3A_401 = arith.constant 0 : i32
        %dma_wait3A_402 = arith.constant 0 : i32
        %dma_wait3A_403 = tpu.memref_slice %arg10[%dma_wait3A_401, %dma_wait3A_402] : memref<10240x128xf32, #tpu.memory_space<vmem_shared>> -> memref<10240x128xf32, #tpu.memory_space<vmem_shared>>
        tpu.wait_indirect_dma semaphore(%run_scoped3A_383 : memref<!tpu.dma_semaphore, #tpu.memory_space<semaphore_mem>>) src(%dma_wait3A_397 : memref<128x128xf32, #tpu.memory_space<vmem>>) dst(%dma_wait3A_403 : memref<10240x128xf32, #tpu.memory_space<vmem_shared>>)
        tpu.yield
      }) : () -> ()
      %dma_start3A_274 = arith.constant 9 : i32
      %dma_start3A_275 = arith.constant 1 : i32
      %dma_start3A_276 = arith.constant 0 : i32
      %dma_start3A_277 = arith.constant 0 : i32
      %dma_start3A_278 = tpu.memref_slice %arg9[%dma_start3A_275, %dma_start3A_276, %dma_start3A_277] : memref<2x128x128xf32, #tpu.memory_space<vmem>> -> memref<1x128x128xf32, #tpu.memory_space<vmem>>
      %dma_start3A_279 = tpu.memref_squeeze %dma_start3A_278 : memref<1x128x128xf32, #tpu.memory_space<vmem>> -> memref<128x128xf32, #tpu.memory_space<vmem>>
      %dma_start3A_280 = arith.constant 0 : i32
      %dma_start3A_281 = tpu.memref_slice %arg7[%rem3A_74, %dma_start3A_274, %dma_start3A_280] : memref<2x12x128xi32, #tpu.memory_space<vmem>> -> memref<1x1x128xi32, #tpu.memory_space<vmem>>
      %dma_start3A_282 = tpu.memref_squeeze %dma_start3A_281 : memref<1x1x128xi32, #tpu.memory_space<vmem>> -> memref<128xi32, #tpu.memory_space<vmem>>
      %dma_start3A_283 = arith.constant 0 : i32
      %dma_start3A_284 = arith.constant 0 : i32
      %dma_start3A_285 = tpu.memref_slice %arg2[%dma_start3A_283, %dma_start3A_284] : memref<10240x128xf32, #tpu.memory_space<hbm>> -> memref<10240x128xf32, #tpu.memory_space<hbm>>
      tpu.enqueue_indirect_dma source(%dma_start3A_285 : memref<10240x128xf32, #tpu.memory_space<hbm>>) target(%dma_start3A_279 : memref<128x128xf32, #tpu.memory_space<vmem>>) offsets(%dma_start3A_282 : memref<128xi32, #tpu.memory_space<vmem>>) semaphore(%arg12 : memref<!tpu.dma_semaphore, #tpu.memory_space<semaphore_mem>>)
      %dma_wait3A_286 = arith.constant 8 : i32
      %dma_wait3A_287 = arith.constant 0 : i32
      %dma_wait3A_288 = arith.constant 0 : i32
      %dma_wait3A_289 = arith.constant 0 : i32
      %dma_wait3A_290 = tpu.memref_slice %arg9[%dma_wait3A_287, %dma_wait3A_288, %dma_wait3A_289] : memref<2x128x128xf32, #tpu.memory_space<vmem>> -> memref<1x128x128xf32, #tpu.memory_space<vmem>>
      %dma_wait3A_291 = tpu.memref_squeeze %dma_wait3A_290 : memref<1x128x128xf32, #tpu.memory_space<vmem>> -> memref<128x128xf32, #tpu.memory_space<vmem>>
      %dma_wait3A_292 = arith.constant 0 : i32
      %dma_wait3A_293 = tpu.memref_slice %arg7[%rem3A_74, %dma_wait3A_286, %dma_wait3A_292] : memref<2x12x128xi32, #tpu.memory_space<vmem>> -> memref<1x1x128xi32, #tpu.memory_space<vmem>>
      %dma_wait3A_294 = tpu.memref_squeeze %dma_wait3A_293 : memref<1x1x128xi32, #tpu.memory_space<vmem>> -> memref<128xi32, #tpu.memory_space<vmem>>
      %dma_wait3A_295 = arith.constant 0 : i32
      %dma_wait3A_296 = arith.constant 0 : i32
      %dma_wait3A_297 = tpu.memref_slice %arg2[%dma_wait3A_295, %dma_wait3A_296] : memref<10240x128xf32, #tpu.memory_space<hbm>> -> memref<10240x128xf32, #tpu.memory_space<hbm>>
      tpu.wait_indirect_dma semaphore(%arg11 : memref<!tpu.dma_semaphore, #tpu.memory_space<semaphore_mem>>) src(%dma_wait3A_297 : memref<10240x128xf32, #tpu.memory_space<hbm>>) dst(%dma_wait3A_291 : memref<128x128xf32, #tpu.memory_space<vmem>>)
      %run_scoped3A_298 = arith.constant 0 : i32
      %run_scoped3A_299 = arith.constant 8 : i32
      "tpu.region"() ({
        %run_scoped3A_383 = tpu.sem_alloc : memref<!tpu.dma_semaphore, #tpu.memory_space<semaphore_mem>>
        %dma_start3A_384 = arith.constant 0 : i32
        %dma_start3A_385 = arith.constant 0 : i32
        %dma_start3A_386 = tpu.memref_slice %arg9[%run_scoped3A_298, %dma_start3A_384, %dma_start3A_385] : memref<2x128x128xf32, #tpu.memory_space<vmem>> -> memref<1x128x128xf32, #tpu.memory_space<vmem>>
        %dma_start3A_387 = tpu.memref_squeeze %dma_start3A_386 : memref<1x128x128xf32, #tpu.memory_space<vmem>> -> memref<128x128xf32, #tpu.memory_space<vmem>>
        %dma_start3A_388 = arith.constant 0 : i32
        %dma_start3A_389 = tpu.memref_slice %arg8[%rem3A_74, %run_scoped3A_299, %dma_start3A_388] : memref<2x12x128xi32, #tpu.memory_space<vmem>> -> memref<1x1x128xi32, #tpu.memory_space<vmem>>
        %dma_start3A_390 = tpu.memref_squeeze %dma_start3A_389 : memref<1x1x128xi32, #tpu.memory_space<vmem>> -> memref<128xi32, #tpu.memory_space<vmem>>
        %dma_start3A_391 = arith.constant 0 : i32
        %dma_start3A_392 = arith.constant 0 : i32
        %dma_start3A_393 = tpu.memref_slice %arg10[%dma_start3A_391, %dma_start3A_392] : memref<10240x128xf32, #tpu.memory_space<vmem_shared>> -> memref<10240x128xf32, #tpu.memory_space<vmem_shared>>
        tpu.enqueue_indirect_dma source(%dma_start3A_387 : memref<128x128xf32, #tpu.memory_space<vmem>>) target(%dma_start3A_393 : memref<10240x128xf32, #tpu.memory_space<vmem_shared>>) offsets(%dma_start3A_390 : memref<128xi32, #tpu.memory_space<vmem>>) semaphore(%run_scoped3A_383 : memref<!tpu.dma_semaphore, #tpu.memory_space<semaphore_mem>>) {add = true}
        %dma_wait3A_394 = arith.constant 0 : i32
        %dma_wait3A_395 = arith.constant 0 : i32
        %dma_wait3A_396 = tpu.memref_slice %arg9[%run_scoped3A_298, %dma_wait3A_394, %dma_wait3A_395] : memref<2x128x128xf32, #tpu.memory_space<vmem>> -> memref<1x128x128xf32, #tpu.memory_space<vmem>>
        %dma_wait3A_397 = tpu.memref_squeeze %dma_wait3A_396 : memref<1x128x128xf32, #tpu.memory_space<vmem>> -> memref<128x128xf32, #tpu.memory_space<vmem>>
        %dma_wait3A_398 = arith.constant 0 : i32
        %dma_wait3A_399 = tpu.memref_slice %arg8[%rem3A_74, %run_scoped3A_299, %dma_wait3A_398] : memref<2x12x128xi32, #tpu.memory_space<vmem>> -> memref<1x1x128xi32, #tpu.memory_space<vmem>>
        %dma_wait3A_400 = tpu.memref_squeeze %dma_wait3A_399 : memref<1x1x128xi32, #tpu.memory_space<vmem>> -> memref<128xi32, #tpu.memory_space<vmem>>
        %dma_wait3A_401 = arith.constant 0 : i32
        %dma_wait3A_402 = arith.constant 0 : i32
        %dma_wait3A_403 = tpu.memref_slice %arg10[%dma_wait3A_401, %dma_wait3A_402] : memref<10240x128xf32, #tpu.memory_space<vmem_shared>> -> memref<10240x128xf32, #tpu.memory_space<vmem_shared>>
        tpu.wait_indirect_dma semaphore(%run_scoped3A_383 : memref<!tpu.dma_semaphore, #tpu.memory_space<semaphore_mem>>) src(%dma_wait3A_397 : memref<128x128xf32, #tpu.memory_space<vmem>>) dst(%dma_wait3A_403 : memref<10240x128xf32, #tpu.memory_space<vmem_shared>>)
        tpu.yield
      }) : () -> ()
      %dma_start3A_300 = arith.constant 10 : i32
      %dma_start3A_301 = arith.constant 0 : i32
      %dma_start3A_302 = arith.constant 0 : i32
      %dma_start3A_303 = arith.constant 0 : i32
      %dma_start3A_304 = tpu.memref_slice %arg9[%dma_start3A_301, %dma_start3A_302, %dma_start3A_303] : memref<2x128x128xf32, #tpu.memory_space<vmem>> -> memref<1x128x128xf32, #tpu.memory_space<vmem>>
      %dma_start3A_305 = tpu.memref_squeeze %dma_start3A_304 : memref<1x128x128xf32, #tpu.memory_space<vmem>> -> memref<128x128xf32, #tpu.memory_space<vmem>>
      %dma_start3A_306 = arith.constant 0 : i32
      %dma_start3A_307 = tpu.memref_slice %arg7[%rem3A_74, %dma_start3A_300, %dma_start3A_306] : memref<2x12x128xi32, #tpu.memory_space<vmem>> -> memref<1x1x128xi32, #tpu.memory_space<vmem>>
      %dma_start3A_308 = tpu.memref_squeeze %dma_start3A_307 : memref<1x1x128xi32, #tpu.memory_space<vmem>> -> memref<128xi32, #tpu.memory_space<vmem>>
      %dma_start3A_309 = arith.constant 0 : i32
      %dma_start3A_310 = arith.constant 0 : i32
      %dma_start3A_311 = tpu.memref_slice %arg2[%dma_start3A_309, %dma_start3A_310] : memref<10240x128xf32, #tpu.memory_space<hbm>> -> memref<10240x128xf32, #tpu.memory_space<hbm>>
      tpu.enqueue_indirect_dma source(%dma_start3A_311 : memref<10240x128xf32, #tpu.memory_space<hbm>>) target(%dma_start3A_305 : memref<128x128xf32, #tpu.memory_space<vmem>>) offsets(%dma_start3A_308 : memref<128xi32, #tpu.memory_space<vmem>>) semaphore(%arg11 : memref<!tpu.dma_semaphore, #tpu.memory_space<semaphore_mem>>)
      %dma_wait3A_312 = arith.constant 9 : i32
      %dma_wait3A_313 = arith.constant 1 : i32
      %dma_wait3A_314 = arith.constant 0 : i32
      %dma_wait3A_315 = arith.constant 0 : i32
      %dma_wait3A_316 = tpu.memref_slice %arg9[%dma_wait3A_313, %dma_wait3A_314, %dma_wait3A_315] : memref<2x128x128xf32, #tpu.memory_space<vmem>> -> memref<1x128x128xf32, #tpu.memory_space<vmem>>
      %dma_wait3A_317 = tpu.memref_squeeze %dma_wait3A_316 : memref<1x128x128xf32, #tpu.memory_space<vmem>> -> memref<128x128xf32, #tpu.memory_space<vmem>>
      %dma_wait3A_318 = arith.constant 0 : i32
      %dma_wait3A_319 = tpu.memref_slice %arg7[%rem3A_74, %dma_wait3A_312, %dma_wait3A_318] : memref<2x12x128xi32, #tpu.memory_space<vmem>> -> memref<1x1x128xi32, #tpu.memory_space<vmem>>
      %dma_wait3A_320 = tpu.memref_squeeze %dma_wait3A_319 : memref<1x1x128xi32, #tpu.memory_space<vmem>> -> memref<128xi32, #tpu.memory_space<vmem>>
      %dma_wait3A_321 = arith.constant 0 : i32
      %dma_wait3A_322 = arith.constant 0 : i32
      %dma_wait3A_323 = tpu.memref_slice %arg2[%dma_wait3A_321, %dma_wait3A_322] : memref<10240x128xf32, #tpu.memory_space<hbm>> -> memref<10240x128xf32, #tpu.memory_space<hbm>>
      tpu.wait_indirect_dma semaphore(%arg12 : memref<!tpu.dma_semaphore, #tpu.memory_space<semaphore_mem>>) src(%dma_wait3A_323 : memref<10240x128xf32, #tpu.memory_space<hbm>>) dst(%dma_wait3A_317 : memref<128x128xf32, #tpu.memory_space<vmem>>)
      %run_scoped3A_324 = arith.constant 1 : i32
      %run_scoped3A_325 = arith.constant 9 : i32
      "tpu.region"() ({
        %run_scoped3A_383 = tpu.sem_alloc : memref<!tpu.dma_semaphore, #tpu.memory_space<semaphore_mem>>
        %dma_start3A_384 = arith.constant 0 : i32
        %dma_start3A_385 = arith.constant 0 : i32
        %dma_start3A_386 = tpu.memref_slice %arg9[%run_scoped3A_324, %dma_start3A_384, %dma_start3A_385] : memref<2x128x128xf32, #tpu.memory_space<vmem>> -> memref<1x128x128xf32, #tpu.memory_space<vmem>>
        %dma_start3A_387 = tpu.memref_squeeze %dma_start3A_386 : memref<1x128x128xf32, #tpu.memory_space<vmem>> -> memref<128x128xf32, #tpu.memory_space<vmem>>
        %dma_start3A_388 = arith.constant 0 : i32
        %dma_start3A_389 = tpu.memref_slice %arg8[%rem3A_74, %run_scoped3A_325, %dma_start3A_388] : memref<2x12x128xi32, #tpu.memory_space<vmem>> -> memref<1x1x128xi32, #tpu.memory_space<vmem>>
        %dma_start3A_390 = tpu.memref_squeeze %dma_start3A_389 : memref<1x1x128xi32, #tpu.memory_space<vmem>> -> memref<128xi32, #tpu.memory_space<vmem>>
        %dma_start3A_391 = arith.constant 0 : i32
        %dma_start3A_392 = arith.constant 0 : i32
        %dma_start3A_393 = tpu.memref_slice %arg10[%dma_start3A_391, %dma_start3A_392] : memref<10240x128xf32, #tpu.memory_space<vmem_shared>> -> memref<10240x128xf32, #tpu.memory_space<vmem_shared>>
        tpu.enqueue_indirect_dma source(%dma_start3A_387 : memref<128x128xf32, #tpu.memory_space<vmem>>) target(%dma_start3A_393 : memref<10240x128xf32, #tpu.memory_space<vmem_shared>>) offsets(%dma_start3A_390 : memref<128xi32, #tpu.memory_space<vmem>>) semaphore(%run_scoped3A_383 : memref<!tpu.dma_semaphore, #tpu.memory_space<semaphore_mem>>) {add = true}
        %dma_wait3A_394 = arith.constant 0 : i32
        %dma_wait3A_395 = arith.constant 0 : i32
        %dma_wait3A_396 = tpu.memref_slice %arg9[%run_scoped3A_324, %dma_wait3A_394, %dma_wait3A_395] : memref<2x128x128xf32, #tpu.memory_space<vmem>> -> memref<1x128x128xf32, #tpu.memory_space<vmem>>
        %dma_wait3A_397 = tpu.memref_squeeze %dma_wait3A_396 : memref<1x128x128xf32, #tpu.memory_space<vmem>> -> memref<128x128xf32, #tpu.memory_space<vmem>>
        %dma_wait3A_398 = arith.constant 0 : i32
        %dma_wait3A_399 = tpu.memref_slice %arg8[%rem3A_74, %run_scoped3A_325, %dma_wait3A_398] : memref<2x12x128xi32, #tpu.memory_space<vmem>> -> memref<1x1x128xi32, #tpu.memory_space<vmem>>
        %dma_wait3A_400 = tpu.memref_squeeze %dma_wait3A_399 : memref<1x1x128xi32, #tpu.memory_space<vmem>> -> memref<128xi32, #tpu.memory_space<vmem>>
        %dma_wait3A_401 = arith.constant 0 : i32
        %dma_wait3A_402 = arith.constant 0 : i32
        %dma_wait3A_403 = tpu.memref_slice %arg10[%dma_wait3A_401, %dma_wait3A_402] : memref<10240x128xf32, #tpu.memory_space<vmem_shared>> -> memref<10240x128xf32, #tpu.memory_space<vmem_shared>>
        tpu.wait_indirect_dma semaphore(%run_scoped3A_383 : memref<!tpu.dma_semaphore, #tpu.memory_space<semaphore_mem>>) src(%dma_wait3A_397 : memref<128x128xf32, #tpu.memory_space<vmem>>) dst(%dma_wait3A_403 : memref<10240x128xf32, #tpu.memory_space<vmem_shared>>)
        tpu.yield
      }) : () -> ()
      %dma_start3A_326 = arith.constant 11 : i32
      %dma_start3A_327 = arith.constant 1 : i32
      %dma_start3A_328 = arith.constant 0 : i32
      %dma_start3A_329 = arith.constant 0 : i32
      %dma_start3A_330 = tpu.memref_slice %arg9[%dma_start3A_327, %dma_start3A_328, %dma_start3A_329] : memref<2x128x128xf32, #tpu.memory_space<vmem>> -> memref<1x128x128xf32, #tpu.memory_space<vmem>>
      %dma_start3A_331 = tpu.memref_squeeze %dma_start3A_330 : memref<1x128x128xf32, #tpu.memory_space<vmem>> -> memref<128x128xf32, #tpu.memory_space<vmem>>
      %dma_start3A_332 = arith.constant 0 : i32
      %dma_start3A_333 = tpu.memref_slice %arg7[%rem3A_74, %dma_start3A_326, %dma_start3A_332] : memref<2x12x128xi32, #tpu.memory_space<vmem>> -> memref<1x1x128xi32, #tpu.memory_space<vmem>>
      %dma_start3A_334 = tpu.memref_squeeze %dma_start3A_333 : memref<1x1x128xi32, #tpu.memory_space<vmem>> -> memref<128xi32, #tpu.memory_space<vmem>>
      %dma_start3A_335 = arith.constant 0 : i32
      %dma_start3A_336 = arith.constant 0 : i32
      %dma_start3A_337 = tpu.memref_slice %arg2[%dma_start3A_335, %dma_start3A_336] : memref<10240x128xf32, #tpu.memory_space<hbm>> -> memref<10240x128xf32, #tpu.memory_space<hbm>>
      tpu.enqueue_indirect_dma source(%dma_start3A_337 : memref<10240x128xf32, #tpu.memory_space<hbm>>) target(%dma_start3A_331 : memref<128x128xf32, #tpu.memory_space<vmem>>) offsets(%dma_start3A_334 : memref<128xi32, #tpu.memory_space<vmem>>) semaphore(%arg12 : memref<!tpu.dma_semaphore, #tpu.memory_space<semaphore_mem>>)
      %lt3A = arith.constant 6 : i32
      %lt3A_338 = arith.cmpi slt, %scan3A_73, %lt3A : i32
      %convert_element_type3A = arith.extui %lt3A_338 : i1 to i32
      %cond3A = arith.constant 0 : i32
      %cond3A_339 = arith.cmpi ne, %convert_element_type3A, %cond3A : i32
      scf.if %cond3A_339 {
        %add3A_383 = arith.constant 1 : i32
        %add3A_384 = arith.addi %scan3A_73, %add3A_383 : i32
        %dma_wait3A_385 = arith.constant 0 : i32
        %dma_wait3A_386 = arith.constant 0 : i32
        %dma_wait3A_387 = tpu.memref_slice %arg7[%rem3A_78, %dma_wait3A_385, %dma_wait3A_386] : memref<2x12x128xi32, #tpu.memory_space<vmem>> -> memref<1x12x128xi32, #tpu.memory_space<vmem>>
        %dma_wait3A_388 = tpu.memref_squeeze %dma_wait3A_387 : memref<1x12x128xi32, #tpu.memory_space<vmem>> -> memref<12x128xi32, #tpu.memory_space<vmem>>
        %dma_wait3A_389 = arith.constant 0 : i32
        %dma_wait3A_390 = arith.constant 0 : i32
        %dma_wait3A_391 = tpu.memref_slice %arg3[%add3A, %add3A_384, %dma_wait3A_389, %dma_wait3A_390] : memref<32x7x12x128xi32, #tpu.memory_space<hbm>> -> memref<1x1x12x128xi32, #tpu.memory_space<hbm>>
        %dma_wait3A_392 = tpu.memref_squeeze %dma_wait3A_391 : memref<1x1x12x128xi32, #tpu.memory_space<hbm>> -> memref<12x128xi32, #tpu.memory_space<hbm>>
        %dma_wait3A_393 = arith.constant 0 : i32
        %dma_wait3A_394 = arith.constant 0 : i32
        %dma_wait3A_395 = tpu.memref_slice %arg7[%rem3A_78, %dma_wait3A_393, %dma_wait3A_394] : memref<2x12x128xi32, #tpu.memory_space<vmem>> -> memref<1x12x128xi32, #tpu.memory_space<vmem>>
        %dma_wait3A_396 = tpu.memref_squeeze %dma_wait3A_395 : memref<1x12x128xi32, #tpu.memory_space<vmem>> -> memref<12x128xi32, #tpu.memory_space<vmem>>
        %dma_wait3A_397 = arith.constant 0 : i32
        %dma_wait3A_398 = arith.constant 0 : i32
        %dma_wait3A_399 = tpu.memref_slice %arg3[%add3A, %add3A_384, %dma_wait3A_397, %dma_wait3A_398] : memref<32x7x12x128xi32, #tpu.memory_space<hbm>> -> memref<1x1x12x128xi32, #tpu.memory_space<hbm>>
        %dma_wait3A_400 = tpu.memref_squeeze %dma_wait3A_399 : memref<1x1x12x128xi32, #tpu.memory_space<hbm>> -> memref<12x128xi32, #tpu.memory_space<hbm>>
        tpu.wait_dma2 semaphore(%arg13 : memref<!tpu.dma_semaphore, #tpu.memory_space<semaphore_mem>>) src(%dma_wait3A_400 : memref<12x128xi32, #tpu.memory_space<hbm>>) dst(%dma_wait3A_396 : memref<12x128xi32, #tpu.memory_space<vmem>>)
        %dma_wait3A_401 = arith.constant 0 : i32
        %dma_wait3A_402 = arith.constant 0 : i32
        %dma_wait3A_403 = tpu.memref_slice %arg8[%rem3A_78, %dma_wait3A_401, %dma_wait3A_402] : memref<2x12x128xi32, #tpu.memory_space<vmem>> -> memref<1x12x128xi32, #tpu.memory_space<vmem>>
        %dma_wait3A_404 = tpu.memref_squeeze %dma_wait3A_403 : memref<1x12x128xi32, #tpu.memory_space<vmem>> -> memref<12x128xi32, #tpu.memory_space<vmem>>
        %dma_wait3A_405 = arith.constant 0 : i32
        %dma_wait3A_406 = arith.constant 0 : i32
        %dma_wait3A_407 = tpu.memref_slice %arg4[%add3A, %add3A_384, %dma_wait3A_405, %dma_wait3A_406] : memref<32x7x12x128xi32, #tpu.memory_space<hbm>> -> memref<1x1x12x128xi32, #tpu.memory_space<hbm>>
        %dma_wait3A_408 = tpu.memref_squeeze %dma_wait3A_407 : memref<1x1x12x128xi32, #tpu.memory_space<hbm>> -> memref<12x128xi32, #tpu.memory_space<hbm>>
        %dma_wait3A_409 = arith.constant 0 : i32
        %dma_wait3A_410 = arith.constant 0 : i32
        %dma_wait3A_411 = tpu.memref_slice %arg8[%rem3A_78, %dma_wait3A_409, %dma_wait3A_410] : memref<2x12x128xi32, #tpu.memory_space<vmem>> -> memref<1x12x128xi32, #tpu.memory_space<vmem>>
        %dma_wait3A_412 = tpu.memref_squeeze %dma_wait3A_411 : memref<1x12x128xi32, #tpu.memory_space<vmem>> -> memref<12x128xi32, #tpu.memory_space<vmem>>
        %dma_wait3A_413 = arith.constant 0 : i32
        %dma_wait3A_414 = arith.constant 0 : i32
        %dma_wait3A_415 = tpu.memref_slice %arg4[%add3A, %add3A_384, %dma_wait3A_413, %dma_wait3A_414] : memref<32x7x12x128xi32, #tpu.memory_space<hbm>> -> memref<1x1x12x128xi32, #tpu.memory_space<hbm>>
        %dma_wait3A_416 = tpu.memref_squeeze %dma_wait3A_415 : memref<1x1x12x128xi32, #tpu.memory_space<hbm>> -> memref<12x128xi32, #tpu.memory_space<hbm>>
        tpu.wait_dma2 semaphore(%arg14 : memref<!tpu.dma_semaphore, #tpu.memory_space<semaphore_mem>>) src(%dma_wait3A_416 : memref<12x128xi32, #tpu.memory_space<hbm>>) dst(%dma_wait3A_412 : memref<12x128xi32, #tpu.memory_space<vmem>>)
      } else {
      }
      %dma_wait3A_340 = arith.constant 10 : i32
      %dma_wait3A_341 = arith.constant 0 : i32
      %dma_wait3A_342 = arith.constant 0 : i32
      %dma_wait3A_343 = arith.constant 0 : i32
      %dma_wait3A_344 = tpu.memref_slice %arg9[%dma_wait3A_341, %dma_wait3A_342, %dma_wait3A_343] : memref<2x128x128xf32, #tpu.memory_space<vmem>> -> memref<1x128x128xf32, #tpu.memory_space<vmem>>
      %dma_wait3A_345 = tpu.memref_squeeze %dma_wait3A_344 : memref<1x128x128xf32, #tpu.memory_space<vmem>> -> memref<128x128xf32, #tpu.memory_space<vmem>>
      %dma_wait3A_346 = arith.constant 0 : i32
      %dma_wait3A_347 = tpu.memref_slice %arg7[%rem3A_74, %dma_wait3A_340, %dma_wait3A_346] : memref<2x12x128xi32, #tpu.memory_space<vmem>> -> memref<1x1x128xi32, #tpu.memory_space<vmem>>
      %dma_wait3A_348 = tpu.memref_squeeze %dma_wait3A_347 : memref<1x1x128xi32, #tpu.memory_space<vmem>> -> memref<128xi32, #tpu.memory_space<vmem>>
      %dma_wait3A_349 = arith.constant 0 : i32
      %dma_wait3A_350 = arith.constant 0 : i32
      %dma_wait3A_351 = tpu.memref_slice %arg2[%dma_wait3A_349, %dma_wait3A_350] : memref<10240x128xf32, #tpu.memory_space<hbm>> -> memref<10240x128xf32, #tpu.memory_space<hbm>>
      tpu.wait_indirect_dma semaphore(%arg11 : memref<!tpu.dma_semaphore, #tpu.memory_space<semaphore_mem>>) src(%dma_wait3A_351 : memref<10240x128xf32, #tpu.memory_space<hbm>>) dst(%dma_wait3A_345 : memref<128x128xf32, #tpu.memory_space<vmem>>)
      %run_scoped3A_352 = arith.constant 0 : i32
      %run_scoped3A_353 = arith.constant 10 : i32
      "tpu.region"() ({
        %run_scoped3A_383 = tpu.sem_alloc : memref<!tpu.dma_semaphore, #tpu.memory_space<semaphore_mem>>
        %dma_start3A_384 = arith.constant 0 : i32
        %dma_start3A_385 = arith.constant 0 : i32
        %dma_start3A_386 = tpu.memref_slice %arg9[%run_scoped3A_352, %dma_start3A_384, %dma_start3A_385] : memref<2x128x128xf32, #tpu.memory_space<vmem>> -> memref<1x128x128xf32, #tpu.memory_space<vmem>>
        %dma_start3A_387 = tpu.memref_squeeze %dma_start3A_386 : memref<1x128x128xf32, #tpu.memory_space<vmem>> -> memref<128x128xf32, #tpu.memory_space<vmem>>
        %dma_start3A_388 = arith.constant 0 : i32
        %dma_start3A_389 = tpu.memref_slice %arg8[%rem3A_74, %run_scoped3A_353, %dma_start3A_388] : memref<2x12x128xi32, #tpu.memory_space<vmem>> -> memref<1x1x128xi32, #tpu.memory_space<vmem>>
        %dma_start3A_390 = tpu.memref_squeeze %dma_start3A_389 : memref<1x1x128xi32, #tpu.memory_space<vmem>> -> memref<128xi32, #tpu.memory_space<vmem>>
        %dma_start3A_391 = arith.constant 0 : i32
        %dma_start3A_392 = arith.constant 0 : i32
        %dma_start3A_393 = tpu.memref_slice %arg10[%dma_start3A_391, %dma_start3A_392] : memref<10240x128xf32, #tpu.memory_space<vmem_shared>> -> memref<10240x128xf32, #tpu.memory_space<vmem_shared>>
        tpu.enqueue_indirect_dma source(%dma_start3A_387 : memref<128x128xf32, #tpu.memory_space<vmem>>) target(%dma_start3A_393 : memref<10240x128xf32, #tpu.memory_space<vmem_shared>>) offsets(%dma_start3A_390 : memref<128xi32, #tpu.memory_space<vmem>>) semaphore(%run_scoped3A_383 : memref<!tpu.dma_semaphore, #tpu.memory_space<semaphore_mem>>) {add = true}
        %dma_wait3A_394 = arith.constant 0 : i32
        %dma_wait3A_395 = arith.constant 0 : i32
        %dma_wait3A_396 = tpu.memref_slice %arg9[%run_scoped3A_352, %dma_wait3A_394, %dma_wait3A_395] : memref<2x128x128xf32, #tpu.memory_space<vmem>> -> memref<1x128x128xf32, #tpu.memory_space<vmem>>
        %dma_wait3A_397 = tpu.memref_squeeze %dma_wait3A_396 : memref<1x128x128xf32, #tpu.memory_space<vmem>> -> memref<128x128xf32, #tpu.memory_space<vmem>>
        %dma_wait3A_398 = arith.constant 0 : i32
        %dma_wait3A_399 = tpu.memref_slice %arg8[%rem3A_74, %run_scoped3A_353, %dma_wait3A_398] : memref<2x12x128xi32, #tpu.memory_space<vmem>> -> memref<1x1x128xi32, #tpu.memory_space<vmem>>
        %dma_wait3A_400 = tpu.memref_squeeze %dma_wait3A_399 : memref<1x1x128xi32, #tpu.memory_space<vmem>> -> memref<128xi32, #tpu.memory_space<vmem>>
        %dma_wait3A_401 = arith.constant 0 : i32
        %dma_wait3A_402 = arith.constant 0 : i32
        %dma_wait3A_403 = tpu.memref_slice %arg10[%dma_wait3A_401, %dma_wait3A_402] : memref<10240x128xf32, #tpu.memory_space<vmem_shared>> -> memref<10240x128xf32, #tpu.memory_space<vmem_shared>>
        tpu.wait_indirect_dma semaphore(%run_scoped3A_383 : memref<!tpu.dma_semaphore, #tpu.memory_space<semaphore_mem>>) src(%dma_wait3A_397 : memref<128x128xf32, #tpu.memory_space<vmem>>) dst(%dma_wait3A_403 : memref<10240x128xf32, #tpu.memory_space<vmem_shared>>)
        tpu.yield
      }) : () -> ()
      %lt3A_354 = arith.constant 6 : i32
      %lt3A_355 = arith.cmpi slt, %scan3A_73, %lt3A_354 : i32
      %convert_element_type3A_356 = arith.extui %lt3A_355 : i1 to i32
      %cond3A_357 = arith.constant 0 : i32
      %cond3A_358 = arith.cmpi ne, %convert_element_type3A_356, %cond3A_357 : i32
      scf.if %cond3A_358 {
        %dma_start3A_383 = arith.constant 0 : i32
        %dma_start3A_384 = arith.constant 0 : i32
        %dma_start3A_385 = arith.constant 0 : i32
        %dma_start3A_386 = arith.constant 0 : i32
        %dma_start3A_387 = tpu.memref_slice %arg9[%dma_start3A_384, %dma_start3A_385, %dma_start3A_386] : memref<2x128x128xf32, #tpu.memory_space<vmem>> -> memref<1x128x128xf32, #tpu.memory_space<vmem>>
        %dma_start3A_388 = tpu.memref_squeeze %dma_start3A_387 : memref<1x128x128xf32, #tpu.memory_space<vmem>> -> memref<128x128xf32, #tpu.memory_space<vmem>>
        %dma_start3A_389 = arith.constant 0 : i32
        %dma_start3A_390 = tpu.memref_slice %arg7[%rem3A_78, %dma_start3A_383, %dma_start3A_389] : memref<2x12x128xi32, #tpu.memory_space<vmem>> -> memref<1x1x128xi32, #tpu.memory_space<vmem>>
        %dma_start3A_391 = tpu.memref_squeeze %dma_start3A_390 : memref<1x1x128xi32, #tpu.memory_space<vmem>> -> memref<128xi32, #tpu.memory_space<vmem>>
        %dma_start3A_392 = arith.constant 0 : i32
        %dma_start3A_393 = arith.constant 0 : i32
        %dma_start3A_394 = tpu.memref_slice %arg2[%dma_start3A_392, %dma_start3A_393] : memref<10240x128xf32, #tpu.memory_space<hbm>> -> memref<10240x128xf32, #tpu.memory_space<hbm>>
        tpu.enqueue_indirect_dma source(%dma_start3A_394 : memref<10240x128xf32, #tpu.memory_space<hbm>>) target(%dma_start3A_388 : memref<128x128xf32, #tpu.memory_space<vmem>>) offsets(%dma_start3A_391 : memref<128xi32, #tpu.memory_space<vmem>>) semaphore(%arg11 : memref<!tpu.dma_semaphore, #tpu.memory_space<semaphore_mem>>)
      } else {
      }
      %dma_wait3A_359 = arith.constant 11 : i32
      %dma_wait3A_360 = arith.constant 1 : i32
      %dma_wait3A_361 = arith.constant 0 : i32
      %dma_wait3A_362 = arith.constant 0 : i32
      %dma_wait3A_363 = tpu.memref_slice %arg9[%dma_wait3A_360, %dma_wait3A_361, %dma_wait3A_362] : memref<2x128x128xf32, #tpu.memory_space<vmem>> -> memref<1x128x128xf32, #tpu.memory_space<vmem>>
      %dma_wait3A_364 = tpu.memref_squeeze %dma_wait3A_363 : memref<1x128x128xf32, #tpu.memory_space<vmem>> -> memref<128x128xf32, #tpu.memory_space<vmem>>
      %dma_wait3A_365 = arith.constant 0 : i32
      %dma_wait3A_366 = tpu.memref_slice %arg7[%rem3A_74, %dma_wait3A_359, %dma_wait3A_365] : memref<2x12x128xi32, #tpu.memory_space<vmem>> -> memref<1x1x128xi32, #tpu.memory_space<vmem>>
      %dma_wait3A_367 = tpu.memref_squeeze %dma_wait3A_366 : memref<1x1x128xi32, #tpu.memory_space<vmem>> -> memref<128xi32, #tpu.memory_space<vmem>>
      %dma_wait3A_368 = arith.constant 0 : i32
      %dma_wait3A_369 = arith.constant 0 : i32
      %dma_wait3A_370 = tpu.memref_slice %arg2[%dma_wait3A_368, %dma_wait3A_369] : memref<10240x128xf32, #tpu.memory_space<hbm>> -> memref<10240x128xf32, #tpu.memory_space<hbm>>
      tpu.wait_indirect_dma semaphore(%arg12 : memref<!tpu.dma_semaphore, #tpu.memory_space<semaphore_mem>>) src(%dma_wait3A_370 : memref<10240x128xf32, #tpu.memory_space<hbm>>) dst(%dma_wait3A_364 : memref<128x128xf32, #tpu.memory_space<vmem>>)
      %run_scoped3A_371 = arith.constant 1 : i32
      %run_scoped3A_372 = arith.constant 11 : i32
      "tpu.region"() ({
        %run_scoped3A_383 = tpu.sem_alloc : memref<!tpu.dma_semaphore, #tpu.memory_space<semaphore_mem>>
        %dma_start3A_384 = arith.constant 0 : i32
        %dma_start3A_385 = arith.constant 0 : i32
        %dma_start3A_386 = tpu.memref_slice %arg9[%run_scoped3A_371, %dma_start3A_384, %dma_start3A_385] : memref<2x128x128xf32, #tpu.memory_space<vmem>> -> memref<1x128x128xf32, #tpu.memory_space<vmem>>
        %dma_start3A_387 = tpu.memref_squeeze %dma_start3A_386 : memref<1x128x128xf32, #tpu.memory_space<vmem>> -> memref<128x128xf32, #tpu.memory_space<vmem>>
        %dma_start3A_388 = arith.constant 0 : i32
        %dma_start3A_389 = tpu.memref_slice %arg8[%rem3A_74, %run_scoped3A_372, %dma_start3A_388] : memref<2x12x128xi32, #tpu.memory_space<vmem>> -> memref<1x1x128xi32, #tpu.memory_space<vmem>>
        %dma_start3A_390 = tpu.memref_squeeze %dma_start3A_389 : memref<1x1x128xi32, #tpu.memory_space<vmem>> -> memref<128xi32, #tpu.memory_space<vmem>>
        %dma_start3A_391 = arith.constant 0 : i32
        %dma_start3A_392 = arith.constant 0 : i32
        %dma_start3A_393 = tpu.memref_slice %arg10[%dma_start3A_391, %dma_start3A_392] : memref<10240x128xf32, #tpu.memory_space<vmem_shared>> -> memref<10240x128xf32, #tpu.memory_space<vmem_shared>>
        tpu.enqueue_indirect_dma source(%dma_start3A_387 : memref<128x128xf32, #tpu.memory_space<vmem>>) target(%dma_start3A_393 : memref<10240x128xf32, #tpu.memory_space<vmem_shared>>) offsets(%dma_start3A_390 : memref<128xi32, #tpu.memory_space<vmem>>) semaphore(%run_scoped3A_383 : memref<!tpu.dma_semaphore, #tpu.memory_space<semaphore_mem>>) {add = true}
        %dma_wait3A_394 = arith.constant 0 : i32
        %dma_wait3A_395 = arith.constant 0 : i32
        %dma_wait3A_396 = tpu.memref_slice %arg9[%run_scoped3A_371, %dma_wait3A_394, %dma_wait3A_395] : memref<2x128x128xf32, #tpu.memory_space<vmem>> -> memref<1x128x128xf32, #tpu.memory_space<vmem>>
        %dma_wait3A_397 = tpu.memref_squeeze %dma_wait3A_396 : memref<1x128x128xf32, #tpu.memory_space<vmem>> -> memref<128x128xf32, #tpu.memory_space<vmem>>
        %dma_wait3A_398 = arith.constant 0 : i32
        %dma_wait3A_399 = tpu.memref_slice %arg8[%rem3A_74, %run_scoped3A_372, %dma_wait3A_398] : memref<2x12x128xi32, #tpu.memory_space<vmem>> -> memref<1x1x128xi32, #tpu.memory_space<vmem>>
        %dma_wait3A_400 = tpu.memref_squeeze %dma_wait3A_399 : memref<1x1x128xi32, #tpu.memory_space<vmem>> -> memref<128xi32, #tpu.memory_space<vmem>>
        %dma_wait3A_401 = arith.constant 0 : i32
        %dma_wait3A_402 = arith.constant 0 : i32
        %dma_wait3A_403 = tpu.memref_slice %arg10[%dma_wait3A_401, %dma_wait3A_402] : memref<10240x128xf32, #tpu.memory_space<vmem_shared>> -> memref<10240x128xf32, #tpu.memory_space<vmem_shared>>
        tpu.wait_indirect_dma semaphore(%run_scoped3A_383 : memref<!tpu.dma_semaphore, #tpu.memory_space<semaphore_mem>>) src(%dma_wait3A_397 : memref<128x128xf32, #tpu.memory_space<vmem>>) dst(%dma_wait3A_403 : memref<10240x128xf32, #tpu.memory_space<vmem_shared>>)
        tpu.yield
      }) : () -> ()
      %lt3A_373 = arith.constant 6 : i32
      %lt3A_374 = arith.cmpi slt, %scan3A_73, %lt3A_373 : i32
      %convert_element_type3A_375 = arith.extui %lt3A_374 : i1 to i32
      %cond3A_376 = arith.constant 0 : i32
      %cond3A_377 = arith.cmpi ne, %convert_element_type3A_375, %cond3A_376 : i32
      scf.if %cond3A_377 {
        %dma_start3A_383 = arith.constant 1 : i32
        %dma_start3A_384 = arith.constant 1 : i32
        %dma_start3A_385 = arith.constant 0 : i32
        %dma_start3A_386 = arith.constant 0 : i32
        %dma_start3A_387 = tpu.memref_slice %arg9[%dma_start3A_384, %dma_start3A_385, %dma_start3A_386] : memref<2x128x128xf32, #tpu.memory_space<vmem>> -> memref<1x128x128xf32, #tpu.memory_space<vmem>>
        %dma_start3A_388 = tpu.memref_squeeze %dma_start3A_387 : memref<1x128x128xf32, #tpu.memory_space<vmem>> -> memref<128x128xf32, #tpu.memory_space<vmem>>
        %dma_start3A_389 = arith.constant 0 : i32
        %dma_start3A_390 = tpu.memref_slice %arg7[%rem3A_78, %dma_start3A_383, %dma_start3A_389] : memref<2x12x128xi32, #tpu.memory_space<vmem>> -> memref<1x1x128xi32, #tpu.memory_space<vmem>>
        %dma_start3A_391 = tpu.memref_squeeze %dma_start3A_390 : memref<1x1x128xi32, #tpu.memory_space<vmem>> -> memref<128xi32, #tpu.memory_space<vmem>>
        %dma_start3A_392 = arith.constant 0 : i32
        %dma_start3A_393 = arith.constant 0 : i32
        %dma_start3A_394 = tpu.memref_slice %arg2[%dma_start3A_392, %dma_start3A_393] : memref<10240x128xf32, #tpu.memory_space<hbm>> -> memref<10240x128xf32, #tpu.memory_space<hbm>>
        tpu.enqueue_indirect_dma source(%dma_start3A_394 : memref<10240x128xf32, #tpu.memory_space<hbm>>) target(%dma_start3A_388 : memref<128x128xf32, #tpu.memory_space<vmem>>) offsets(%dma_start3A_391 : memref<128xi32, #tpu.memory_space<vmem>>) semaphore(%arg12 : memref<!tpu.dma_semaphore, #tpu.memory_space<semaphore_mem>>)
      } else {
      }
      %lt3A_378 = arith.constant 5 : i32
      %lt3A_379 = arith.cmpi slt, %scan3A_73, %lt3A_378 : i32
      %convert_element_type3A_380 = arith.extui %lt3A_379 : i1 to i32
      %cond3A_381 = arith.constant 0 : i32
      %cond3A_382 = arith.cmpi ne, %convert_element_type3A_380, %cond3A_381 : i32
      scf.if %cond3A_382 {
        %add3A_383 = arith.constant 2 : i32
        %add3A_384 = arith.addi %scan3A_73, %add3A_383 : i32
        %dma_start3A_385 = arith.constant 0 : i32
        %dma_start3A_386 = arith.constant 0 : i32
        %dma_start3A_387 = tpu.memref_slice %arg7[%rem3A_74, %dma_start3A_385, %dma_start3A_386] : memref<2x12x128xi32, #tpu.memory_space<vmem>> -> memref<1x12x128xi32, #tpu.memory_space<vmem>>
        %dma_start3A_388 = tpu.memref_squeeze %dma_start3A_387 : memref<1x12x128xi32, #tpu.memory_space<vmem>> -> memref<12x128xi32, #tpu.memory_space<vmem>>
        %dma_start3A_389 = arith.constant 0 : i32
        %dma_start3A_390 = arith.constant 0 : i32
        %dma_start3A_391 = tpu.memref_slice %arg3[%add3A, %add3A_384, %dma_start3A_389, %dma_start3A_390] : memref<32x7x12x128xi32, #tpu.memory_space<hbm>> -> memref<1x1x12x128xi32, #tpu.memory_space<hbm>>
        %dma_start3A_392 = tpu.memref_squeeze %dma_start3A_391 : memref<1x1x12x128xi32, #tpu.memory_space<hbm>> -> memref<12x128xi32, #tpu.memory_space<hbm>>
        %dma_start3A_393 = arith.constant 0 : i32
        %dma_start3A_394 = arith.constant 0 : i32
        %dma_start3A_395 = tpu.memref_slice %arg7[%rem3A_74, %dma_start3A_393, %dma_start3A_394] : memref<2x12x128xi32, #tpu.memory_space<vmem>> -> memref<1x12x128xi32, #tpu.memory_space<vmem>>
        %dma_start3A_396 = tpu.memref_squeeze %dma_start3A_395 : memref<1x12x128xi32, #tpu.memory_space<vmem>> -> memref<12x128xi32, #tpu.memory_space<vmem>>
        %dma_start3A_397 = arith.constant 0 : i32
        %dma_start3A_398 = arith.constant 0 : i32
        %dma_start3A_399 = tpu.memref_slice %arg3[%add3A, %add3A_384, %dma_start3A_397, %dma_start3A_398] : memref<32x7x12x128xi32, #tpu.memory_space<hbm>> -> memref<1x1x12x128xi32, #tpu.memory_space<hbm>>
        %dma_start3A_400 = tpu.memref_squeeze %dma_start3A_399 : memref<1x1x12x128xi32, #tpu.memory_space<hbm>> -> memref<12x128xi32, #tpu.memory_space<hbm>>
        tpu.enqueue_dma source(%dma_start3A_400 : memref<12x128xi32, #tpu.memory_space<hbm>>) target(%dma_start3A_396 : memref<12x128xi32, #tpu.memory_space<vmem>>) target_semaphore(%arg13 : memref<!tpu.dma_semaphore, #tpu.memory_space<semaphore_mem>>)
        %dma_start3A_401 = arith.constant 0 : i32
        %dma_start3A_402 = arith.constant 0 : i32
        %dma_start3A_403 = tpu.memref_slice %arg8[%rem3A_74, %dma_start3A_401, %dma_start3A_402] : memref<2x12x128xi32, #tpu.memory_space<vmem>> -> memref<1x12x128xi32, #tpu.memory_space<vmem>>
        %dma_start3A_404 = tpu.memref_squeeze %dma_start3A_403 : memref<1x12x128xi32, #tpu.memory_space<vmem>> -> memref<12x128xi32, #tpu.memory_space<vmem>>
        %dma_start3A_405 = arith.constant 0 : i32
        %dma_start3A_406 = arith.constant 0 : i32
        %dma_start3A_407 = tpu.memref_slice %arg4[%add3A, %add3A_384, %dma_start3A_405, %dma_start3A_406] : memref<32x7x12x128xi32, #tpu.memory_space<hbm>> -> memref<1x1x12x128xi32, #tpu.memory_space<hbm>>
        %dma_start3A_408 = tpu.memref_squeeze %dma_start3A_407 : memref<1x1x12x128xi32, #tpu.memory_space<hbm>> -> memref<12x128xi32, #tpu.memory_space<hbm>>
        %dma_start3A_409 = arith.constant 0 : i32
        %dma_start3A_410 = arith.constant 0 : i32
        %dma_start3A_411 = tpu.memref_slice %arg8[%rem3A_74, %dma_start3A_409, %dma_start3A_410] : memref<2x12x128xi32, #tpu.memory_space<vmem>> -> memref<1x12x128xi32, #tpu.memory_space<vmem>>
        %dma_start3A_412 = tpu.memref_squeeze %dma_start3A_411 : memref<1x12x128xi32, #tpu.memory_space<vmem>> -> memref<12x128xi32, #tpu.memory_space<vmem>>
        %dma_start3A_413 = arith.constant 0 : i32
        %dma_start3A_414 = arith.constant 0 : i32
        %dma_start3A_415 = tpu.memref_slice %arg4[%add3A, %add3A_384, %dma_start3A_413, %dma_start3A_414] : memref<32x7x12x128xi32, #tpu.memory_space<hbm>> -> memref<1x1x12x128xi32, #tpu.memory_space<hbm>>
        %dma_start3A_416 = tpu.memref_squeeze %dma_start3A_415 : memref<1x1x12x128xi32, #tpu.memory_space<hbm>> -> memref<12x128xi32, #tpu.memory_space<hbm>>
        tpu.enqueue_dma source(%dma_start3A_416 : memref<12x128xi32, #tpu.memory_space<hbm>>) target(%dma_start3A_412 : memref<12x128xi32, #tpu.memory_space<vmem>>) target_semaphore(%arg14 : memref<!tpu.dma_semaphore, #tpu.memory_space<semaphore_mem>>)
      } else {
      }
    }
    %scan3A_71 = arith.constant 7 : i32
    %barrier3A_72 = arith.constant 0 : index
    tpu.barrier barrier_id(%barrier3A_72)
    "tpu.region"() ({
      %run_scoped3A_73 = tpu.sem_alloc : memref<!tpu.dma_semaphore, #tpu.memory_space<semaphore_mem>>
      %dma_start3A_74 = arith.constant 0 : i32
      %dma_start3A_75 = tpu.memref_slice %arg6[%arg0, %mul3A_2, %dma_start3A_74] : memref<2x10240x128xf32, #tpu.memory_space<hbm>> -> memref<1x640x128xf32, #tpu.memory_space<hbm>>
      %dma_start3A_76 = tpu.memref_squeeze %dma_start3A_75 : memref<1x640x128xf32, #tpu.memory_space<hbm>> -> memref<640x128xf32, #tpu.memory_space<hbm>>
      %dma_start3A_77 = arith.constant 0 : i32
      %dma_start3A_78 = tpu.memref_slice %arg10[%mul3A_2, %dma_start3A_77] : memref<10240x128xf32, #tpu.memory_space<vmem_shared>> -> memref<640x128xf32, #tpu.memory_space<vmem_shared>>
      tpu.enqueue_dma source(%dma_start3A_78 : memref<640x128xf32, #tpu.memory_space<vmem_shared>>) target(%dma_start3A_76 : memref<640x128xf32, #tpu.memory_space<hbm>>) target_semaphore(%run_scoped3A_73 : memref<!tpu.dma_semaphore, #tpu.memory_space<semaphore_mem>>)
      %dma_wait3A = arith.constant 0 : i32
      %dma_wait3A_79 = tpu.memref_slice %arg6[%arg0, %mul3A_2, %dma_wait3A] : memref<2x10240x128xf32, #tpu.memory_space<hbm>> -> memref<1x640x128xf32, #tpu.memory_space<hbm>>
      %dma_wait3A_80 = tpu.memref_squeeze %dma_wait3A_79 : memref<1x640x128xf32, #tpu.memory_space<hbm>> -> memref<640x128xf32, #tpu.memory_space<hbm>>
      %dma_wait3A_81 = arith.constant 0 : i32
      %dma_wait3A_82 = tpu.memref_slice %arg10[%mul3A_2, %dma_wait3A_81] : memref<10240x128xf32, #tpu.memory_space<vmem_shared>> -> memref<640x128xf32, #tpu.memory_space<vmem_shared>>
      tpu.wait_dma2 semaphore(%run_scoped3A_73 : memref<!tpu.dma_semaphore, #tpu.memory_space<semaphore_mem>>) src(%dma_wait3A_82 : memref<640x128xf32, #tpu.memory_space<vmem_shared>>) dst(%dma_wait3A_80 : memref<640x128xf32, #tpu.memory_space<hbm>>)
      tpu.yield
    }) : () -> ()
    return
  }
}

#map = affine_map<(d0, d1) -> (0, 0)>
#map1 = affine_map<(d0, d1) -> (0, 0, 0, 0)>
#map2 = affine_map<(d0, d1) -> (0, 0, 0)>
module attributes {stable_mosaic.version = 14 : i64} {
  func.func @body(%arg0: i32, %arg1: i32, %arg2: memref<10240x128xf32, #tpu.memory_space<hbm>>, %arg3: memref<32x7x12x128xi32, #tpu.memory_space<hbm>>, %arg4: memref<32x7x12x128xi32, #tpu.memory_space<hbm>>, %arg5: memref<640x128xf32, #tpu.memory_space<hbm>>, %arg6: memref<2x10240x128xf32, #tpu.memory_space<hbm>>, %arg7: memref<2x12x128xi32, #tpu.memory_space<vmem>>, %arg8: memref<2x12x128xi32, #tpu.memory_space<vmem>>, %arg9: memref<2x128x128xf32, #tpu.memory_space<vmem>>, %arg10: memref<10240x128xf32, #tpu.memory_space<vmem_shared>>, %arg11: memref<!tpu.dma_semaphore, #tpu.memory_space<semaphore_mem>>, %arg12: memref<!tpu.dma_semaphore, #tpu.memory_space<semaphore_mem>>, %arg13: memref<!tpu.dma_semaphore, #tpu.memory_space<semaphore_mem>>, %arg14: memref<!tpu.dma_semaphore, #tpu.memory_space<semaphore_mem>>) attributes {dimension_semantics = [#tpu.dimension_semantics<core_parallel>, #tpu.dimension_semantics<subcore_parallel>], iteration_bounds = array<i64: 2, 16>, scalar_prefetch = 0 : i64, scratch_operands = 8 : i64, tpu.core_type = #tpu.core_type<sc_vector_subcore>, window_params = [{transform_indices = #map}, {transform_indices = #map1}, {transform_indices = #map1}, {transform_indices = #map}, {transform_indices = #map2}]} {
    %mul3A = arith.constant 2 : i32
    %mul3A_0 = arith.muli %arg1, %mul3A : i32
    %add3A = arith.addi %mul3A_0, %arg0 : i32
    %mul3A_1 = arith.constant 640 : i32
    %mul3A_2 = arith.muli %arg1, %mul3A_1 : i32
    "tpu.region"() ({
      %run_scoped3A_73 = tpu.sem_alloc : memref<!tpu.dma_semaphore, #tpu.memory_space<semaphore_mem>>
      %dma_start3A_74 = arith.constant 0 : i32
      %dma_start3A_75 = tpu.memref_slice %arg10[%mul3A_2, %dma_start3A_74] : memref<10240x128xf32, #tpu.memory_space<vmem_shared>> -> memref<640x128xf32, #tpu.memory_space<vmem_shared>>
      tpu.enqueue_dma source(%arg5 : memref<640x128xf32, #tpu.memory_space<hbm>>) target(%dma_start3A_75 : memref<640x128xf32, #tpu.memory_space<vmem_shared>>) target_semaphore(%run_scoped3A_73 : memref<!tpu.dma_semaphore, #tpu.memory_space<semaphore_mem>>)
      %dma_wait3A = arith.constant 0 : i32
      %dma_wait3A_76 = tpu.memref_slice %arg10[%mul3A_2, %dma_wait3A] : memref<10240x128xf32, #tpu.memory_space<vmem_shared>> -> memref<640x128xf32, #tpu.memory_space<vmem_shared>>
      tpu.wait_dma2 semaphore(%run_scoped3A_73 : memref<!tpu.dma_semaphore, #tpu.memory_space<semaphore_mem>>) src(%arg5 : memref<640x128xf32, #tpu.memory_space<hbm>>) dst(%dma_wait3A_76 : memref<640x128xf32, #tpu.memory_space<vmem_shared>>)
      tpu.yield
    }) : () -> ()
    %run_scoped3A = arith.constant 0 : i32
    %run_scoped3A_3 = arith.constant 0 : i32
    "tpu.region"() ({
      %run_scoped3A_73 = tpu.sem_alloc : memref<!tpu.dma_semaphore, #tpu.memory_space<semaphore_mem>>
      %dma_start3A_74 = arith.constant 0 : i32
      %dma_start3A_75 = arith.constant 0 : i32
      %dma_start3A_76 = tpu.memref_slice %arg7[%run_scoped3A_3, %dma_start3A_74, %dma_start3A_75] : memref<2x12x128xi32, #tpu.memory_space<vmem>> -> memref<1x12x128xi32, #tpu.memory_space<vmem>>
      %dma_start3A_77 = tpu.memref_squeeze %dma_start3A_76 : memref<1x12x128xi32, #tpu.memory_space<vmem>> -> memref<12x128xi32, #tpu.memory_space<vmem>>
      %dma_start3A_78 = arith.constant 0 : i32
      %dma_start3A_79 = arith.constant 0 : i32
      %dma_start3A_80 = tpu.memref_slice %arg3[%add3A, %run_scoped3A, %dma_start3A_78, %dma_start3A_79] : memref<32x7x12x128xi32, #tpu.memory_space<hbm>> -> memref<1x1x12x128xi32, #tpu.memory_space<hbm>>
      %dma_start3A_81 = tpu.memref_squeeze %dma_start3A_80 : memref<1x1x12x128xi32, #tpu.memory_space<hbm>> -> memref<12x128xi32, #tpu.memory_space<hbm>>
      %dma_start3A_82 = arith.constant 0 : i32
      %dma_start3A_83 = arith.constant 0 : i32
      %dma_start3A_84 = tpu.memref_slice %arg7[%run_scoped3A_3, %dma_start3A_82, %dma_start3A_83] : memref<2x12x128xi32, #tpu.memory_space<vmem>> -> memref<1x12x128xi32, #tpu.memory_space<vmem>>
      %dma_start3A_85 = tpu.memref_squeeze %dma_start3A_84 : memref<1x12x128xi32, #tpu.memory_space<vmem>> -> memref<12x128xi32, #tpu.memory_space<vmem>>
      %dma_start3A_86 = arith.constant 0 : i32
      %dma_start3A_87 = arith.constant 0 : i32
      %dma_start3A_88 = tpu.memref_slice %arg3[%add3A, %run_scoped3A, %dma_start3A_86, %dma_start3A_87] : memref<32x7x12x128xi32, #tpu.memory_space<hbm>> -> memref<1x1x12x128xi32, #tpu.memory_space<hbm>>
      %dma_start3A_89 = tpu.memref_squeeze %dma_start3A_88 : memref<1x1x12x128xi32, #tpu.memory_space<hbm>> -> memref<12x128xi32, #tpu.memory_space<hbm>>
      tpu.enqueue_dma source(%dma_start3A_89 : memref<12x128xi32, #tpu.memory_space<hbm>>) target(%dma_start3A_85 : memref<12x128xi32, #tpu.memory_space<vmem>>) target_semaphore(%run_scoped3A_73 : memref<!tpu.dma_semaphore, #tpu.memory_space<semaphore_mem>>)
      %dma_wait3A = arith.constant 0 : i32
      %dma_wait3A_90 = arith.constant 0 : i32
      %dma_wait3A_91 = tpu.memref_slice %arg7[%run_scoped3A_3, %dma_wait3A, %dma_wait3A_90] : memref<2x12x128xi32, #tpu.memory_space<vmem>> -> memref<1x12x128xi32, #tpu.memory_space<vmem>>
      %dma_wait3A_92 = tpu.memref_squeeze %dma_wait3A_91 : memref<1x12x128xi32, #tpu.memory_space<vmem>> -> memref<12x128xi32, #tpu.memory_space<vmem>>
      %dma_wait3A_93 = arith.constant 0 : i32
      %dma_wait3A_94 = arith.constant 0 : i32
      %dma_wait3A_95 = tpu.memref_slice %arg3[%add3A, %run_scoped3A, %dma_wait3A_93, %dma_wait3A_94] : memref<32x7x12x128xi32, #tpu.memory_space<hbm>> -> memref<1x1x12x128xi32, #tpu.memory_space<hbm>>
      %dma_wait3A_96 = tpu.memref_squeeze %dma_wait3A_95 : memref<1x1x12x128xi32, #tpu.memory_space<hbm>> -> memref<12x128xi32, #tpu.memory_space<hbm>>
      %dma_wait3A_97 = arith.constant 0 : i32
      %dma_wait3A_98 = arith.constant 0 : i32
      %dma_wait3A_99 = tpu.memref_slice %arg7[%run_scoped3A_3, %dma_wait3A_97, %dma_wait3A_98] : memref<2x12x128xi32, #tpu.memory_space<vmem>> -> memref<1x12x128xi32, #tpu.memory_space<vmem>>
      %dma_wait3A_100 = tpu.memref_squeeze %dma_wait3A_99 : memref<1x12x128xi32, #tpu.memory_space<vmem>> -> memref<12x128xi32, #tpu.memory_space<vmem>>
      %dma_wait3A_101 = arith.constant 0 : i32
      %dma_wait3A_102 = arith.constant 0 : i32
      %dma_wait3A_103 = tpu.memref_slice %arg3[%add3A, %run_scoped3A, %dma_wait3A_101, %dma_wait3A_102] : memref<32x7x12x128xi32, #tpu.memory_space<hbm>> -> memref<1x1x12x128xi32, #tpu.memory_space<hbm>>
      %dma_wait3A_104 = tpu.memref_squeeze %dma_wait3A_103 : memref<1x1x12x128xi32, #tpu.memory_space<hbm>> -> memref<12x128xi32, #tpu.memory_space<hbm>>
      tpu.wait_dma2 semaphore(%run_scoped3A_73 : memref<!tpu.dma_semaphore, #tpu.memory_space<semaphore_mem>>) src(%dma_wait3A_104 : memref<12x128xi32, #tpu.memory_space<hbm>>) dst(%dma_wait3A_100 : memref<12x128xi32, #tpu.memory_space<vmem>>)
      tpu.yield
    }) : () -> ()
    %run_scoped3A_4 = arith.constant 0 : i32
    %run_scoped3A_5 = arith.constant 0 : i32
    "tpu.region"() ({
      %run_scoped3A_73 = tpu.sem_alloc : memref<!tpu.dma_semaphore, #tpu.memory_space<semaphore_mem>>
      %dma_start3A_74 = arith.constant 0 : i32
      %dma_start3A_75 = arith.constant 0 : i32
      %dma_start3A_76 = tpu.memref_slice %arg8[%run_scoped3A_5, %dma_start3A_74, %dma_start3A_75] : memref<2x12x128xi32, #tpu.memory_space<vmem>> -> memref<1x12x128xi32, #tpu.memory_space<vmem>>
      %dma_start3A_77 = tpu.memref_squeeze %dma_start3A_76 : memref<1x12x128xi32, #tpu.memory_space<vmem>> -> memref<12x128xi32, #tpu.memory_space<vmem>>
      %dma_start3A_78 = arith.constant 0 : i32
      %dma_start3A_79 = arith.constant 0 : i32
      %dma_start3A_80 = tpu.memref_slice %arg4[%add3A, %run_scoped3A_4, %dma_start3A_78, %dma_start3A_79] : memref<32x7x12x128xi32, #tpu.memory_space<hbm>> -> memref<1x1x12x128xi32, #tpu.memory_space<hbm>>
      %dma_start3A_81 = tpu.memref_squeeze %dma_start3A_80 : memref<1x1x12x128xi32, #tpu.memory_space<hbm>> -> memref<12x128xi32, #tpu.memory_space<hbm>>
      %dma_start3A_82 = arith.constant 0 : i32
      %dma_start3A_83 = arith.constant 0 : i32
      %dma_start3A_84 = tpu.memref_slice %arg8[%run_scoped3A_5, %dma_start3A_82, %dma_start3A_83] : memref<2x12x128xi32, #tpu.memory_space<vmem>> -> memref<1x12x128xi32, #tpu.memory_space<vmem>>
      %dma_start3A_85 = tpu.memref_squeeze %dma_start3A_84 : memref<1x12x128xi32, #tpu.memory_space<vmem>> -> memref<12x128xi32, #tpu.memory_space<vmem>>
      %dma_start3A_86 = arith.constant 0 : i32
      %dma_start3A_87 = arith.constant 0 : i32
      %dma_start3A_88 = tpu.memref_slice %arg4[%add3A, %run_scoped3A_4, %dma_start3A_86, %dma_start3A_87] : memref<32x7x12x128xi32, #tpu.memory_space<hbm>> -> memref<1x1x12x128xi32, #tpu.memory_space<hbm>>
      %dma_start3A_89 = tpu.memref_squeeze %dma_start3A_88 : memref<1x1x12x128xi32, #tpu.memory_space<hbm>> -> memref<12x128xi32, #tpu.memory_space<hbm>>
      tpu.enqueue_dma source(%dma_start3A_89 : memref<12x128xi32, #tpu.memory_space<hbm>>) target(%dma_start3A_85 : memref<12x128xi32, #tpu.memory_space<vmem>>) target_semaphore(%run_scoped3A_73 : memref<!tpu.dma_semaphore, #tpu.memory_space<semaphore_mem>>)
      %dma_wait3A = arith.constant 0 : i32
      %dma_wait3A_90 = arith.constant 0 : i32
      %dma_wait3A_91 = tpu.memref_slice %arg8[%run_scoped3A_5, %dma_wait3A, %dma_wait3A_90] : memref<2x12x128xi32, #tpu.memory_space<vmem>> -> memref<1x12x128xi32, #tpu.memory_space<vmem>>
      %dma_wait3A_92 = tpu.memref_squeeze %dma_wait3A_91 : memref<1x12x128xi32, #tpu.memory_space<vmem>> -> memref<12x128xi32, #tpu.memory_space<vmem>>
      %dma_wait3A_93 = arith.constant 0 : i32
      %dma_wait3A_94 = arith.constant 0 : i32
      %dma_wait3A_95 = tpu.memref_slice %arg4[%add3A, %run_scoped3A_4, %dma_wait3A_93, %dma_wait3A_94] : memref<32x7x12x128xi32, #tpu.memory_space<hbm>> -> memref<1x1x12x128xi32, #tpu.memory_space<hbm>>
      %dma_wait3A_96 = tpu.memref_squeeze %dma_wait3A_95 : memref<1x1x12x128xi32, #tpu.memory_space<hbm>> -> memref<12x128xi32, #tpu.memory_space<hbm>>
      %dma_wait3A_97 = arith.constant 0 : i32
      %dma_wait3A_98 = arith.constant 0 : i32
      %dma_wait3A_99 = tpu.memref_slice %arg8[%run_scoped3A_5, %dma_wait3A_97, %dma_wait3A_98] : memref<2x12x128xi32, #tpu.memory_space<vmem>> -> memref<1x12x128xi32, #tpu.memory_space<vmem>>
      %dma_wait3A_100 = tpu.memref_squeeze %dma_wait3A_99 : memref<1x12x128xi32, #tpu.memory_space<vmem>> -> memref<12x128xi32, #tpu.memory_space<vmem>>
      %dma_wait3A_101 = arith.constant 0 : i32
      %dma_wait3A_102 = arith.constant 0 : i32
      %dma_wait3A_103 = tpu.memref_slice %arg4[%add3A, %run_scoped3A_4, %dma_wait3A_101, %dma_wait3A_102] : memref<32x7x12x128xi32, #tpu.memory_space<hbm>> -> memref<1x1x12x128xi32, #tpu.memory_space<hbm>>
      %dma_wait3A_104 = tpu.memref_squeeze %dma_wait3A_103 : memref<1x1x12x128xi32, #tpu.memory_space<hbm>> -> memref<12x128xi32, #tpu.memory_space<hbm>>
      tpu.wait_dma2 semaphore(%run_scoped3A_73 : memref<!tpu.dma_semaphore, #tpu.memory_space<semaphore_mem>>) src(%dma_wait3A_104 : memref<12x128xi32, #tpu.memory_space<hbm>>) dst(%dma_wait3A_100 : memref<12x128xi32, #tpu.memory_space<vmem>>)
      tpu.yield
    }) : () -> ()
    %dma_start3A = arith.constant 1 : i32
    %dma_start3A_6 = arith.constant 1 : i32
    %dma_start3A_7 = arith.constant 0 : i32
    %dma_start3A_8 = arith.constant 0 : i32
    %dma_start3A_9 = tpu.memref_slice %arg7[%dma_start3A_6, %dma_start3A_7, %dma_start3A_8] : memref<2x12x128xi32, #tpu.memory_space<vmem>> -> memref<1x12x128xi32, #tpu.memory_space<vmem>>
    %dma_start3A_10 = tpu.memref_squeeze %dma_start3A_9 : memref<1x12x128xi32, #tpu.memory_space<vmem>> -> memref<12x128xi32, #tpu.memory_space<vmem>>
    %dma_start3A_11 = arith.constant 0 : i32
    %dma_start3A_12 = arith.constant 0 : i32
    %dma_start3A_13 = tpu.memref_slice %arg3[%add3A, %dma_start3A, %dma_start3A_11, %dma_start3A_12] : memref<32x7x12x128xi32, #tpu.memory_space<hbm>> -> memref<1x1x12x128xi32, #tpu.memory_space<hbm>>
    %dma_start3A_14 = tpu.memref_squeeze %dma_start3A_13 : memref<1x1x12x128xi32, #tpu.memory_space<hbm>> -> memref<12x128xi32, #tpu.memory_space<hbm>>
    %dma_start3A_15 = arith.constant 0 : i32
    %dma_start3A_16 = arith.constant 0 : i32
    %dma_start3A_17 = tpu.memref_slice %arg7[%dma_start3A_6, %dma_start3A_15, %dma_start3A_16] : memref<2x12x128xi32, #tpu.memory_space<vmem>> -> memref<1x12x128xi32, #tpu.memory_space<vmem>>
    %dma_start3A_18 = tpu.memref_squeeze %dma_start3A_17 : memref<1x12x128xi32, #tpu.memory_space<vmem>> -> memref<12x128xi32, #tpu.memory_space<vmem>>
    %dma_start3A_19 = arith.constant 0 : i32
    %dma_start3A_20 = arith.constant 0 : i32
    %dma_start3A_21 = tpu.memref_slice %arg3[%add3A, %dma_start3A, %dma_start3A_19, %dma_start3A_20] : memref<32x7x12x128xi32, #tpu.memory_space<hbm>> -> memref<1x1x12x128xi32, #tpu.memory_space<hbm>>
    %dma_start3A_22 = tpu.memref_squeeze %dma_start3A_21 : memref<1x1x12x128xi32, #tpu.memory_space<hbm>> -> memref<12x128xi32, #tpu.memory_space<hbm>>
    tpu.enqueue_dma source(%dma_start3A_22 : memref<12x128xi32, #tpu.memory_space<hbm>>) target(%dma_start3A_18 : memref<12x128xi32, #tpu.memory_space<vmem>>) target_semaphore(%arg13 : memref<!tpu.dma_semaphore, #tpu.memory_space<semaphore_mem>>)
    %dma_start3A_23 = arith.constant 1 : i32
    %dma_start3A_24 = arith.constant 1 : i32
    %dma_start3A_25 = arith.constant 0 : i32
    %dma_start3A_26 = arith.constant 0 : i32
    %dma_start3A_27 = tpu.memref_slice %arg8[%dma_start3A_24, %dma_start3A_25, %dma_start3A_26] : memref<2x12x128xi32, #tpu.memory_space<vmem>> -> memref<1x12x128xi32, #tpu.memory_space<vmem>>
    %dma_start3A_28 = tpu.memref_squeeze %dma_start3A_27 : memref<1x12x128xi32, #tpu.memory_space<vmem>> -> memref<12x128xi32, #tpu.memory_space<vmem>>
    %dma_start3A_29 = arith.constant 0 : i32
    %dma_start3A_30 = arith.constant 0 : i32
    %dma_start3A_31 = tpu.memref_slice %arg4[%add3A, %dma_start3A_23, %dma_start3A_29, %dma_start3A_30] : memref<32x7x12x128xi32, #tpu.memory_space<hbm>> -> memref<1x1x12x128xi32, #tpu.memory_space<hbm>>
    %dma_start3A_32 = tpu.memref_squeeze %dma_start3A_31 : memref<1x1x12x128xi32, #tpu.memory_space<hbm>> -> memref<12x128xi32, #tpu.memory_space<hbm>>
    %dma_start3A_33 = arith.constant 0 : i32
    %dma_start3A_34 = arith.constant 0 : i32
    %dma_start3A_35 = tpu.memref_slice %arg8[%dma_start3A_24, %dma_start3A_33, %dma_start3A_34] : memref<2x12x128xi32, #tpu.memory_space<vmem>> -> memref<1x12x128xi32, #tpu.memory_space<vmem>>
    %dma_start3A_36 = tpu.memref_squeeze %dma_start3A_35 : memref<1x12x128xi32, #tpu.memory_space<vmem>> -> memref<12x128xi32, #tpu.memory_space<vmem>>
    %dma_start3A_37 = arith.constant 0 : i32
    %dma_start3A_38 = arith.constant 0 : i32
    %dma_start3A_39 = tpu.memref_slice %arg4[%add3A, %dma_start3A_23, %dma_start3A_37, %dma_start3A_38] : memref<32x7x12x128xi32, #tpu.memory_space<hbm>> -> memref<1x1x12x128xi32, #tpu.memory_space<hbm>>
    %dma_start3A_40 = tpu.memref_squeeze %dma_start3A_39 : memref<1x1x12x128xi32, #tpu.memory_space<hbm>> -> memref<12x128xi32, #tpu.memory_space<hbm>>
    tpu.enqueue_dma source(%dma_start3A_40 : memref<12x128xi32, #tpu.memory_space<hbm>>) target(%dma_start3A_36 : memref<12x128xi32, #tpu.memory_space<vmem>>) target_semaphore(%arg14 : memref<!tpu.dma_semaphore, #tpu.memory_space<semaphore_mem>>)
    %dma_start3A_41 = arith.constant 0 : i32
    %dma_start3A_42 = arith.constant 0 : i32
    %dma_start3A_43 = arith.constant 0 : i32
    %dma_start3A_44 = arith.constant 0 : i32
    %dma_start3A_45 = arith.constant 0 : i32
    %dma_start3A_46 = tpu.memref_slice %arg9[%dma_start3A_43, %dma_start3A_44, %dma_start3A_45] : memref<2x128x128xf32, #tpu.memory_space<vmem>> -> memref<1x128x128xf32, #tpu.memory_space<vmem>>
    %dma_start3A_47 = tpu.memref_squeeze %dma_start3A_46 : memref<1x128x128xf32, #tpu.memory_space<vmem>> -> memref<128x128xf32, #tpu.memory_space<vmem>>
    %dma_start3A_48 = arith.constant 0 : i32
    %dma_start3A_49 = tpu.memref_slice %arg7[%dma_start3A_41, %dma_start3A_42, %dma_start3A_48] : memref<2x12x128xi32, #tpu.memory_space<vmem>> -> memref<1x1x128xi32, #tpu.memory_space<vmem>>
    %dma_start3A_50 = tpu.memref_squeeze %dma_start3A_49 : memref<1x1x128xi32, #tpu.memory_space<vmem>> -> memref<128xi32, #tpu.memory_space<vmem>>
    %dma_start3A_51 = arith.constant 0 : i32
    %dma_start3A_52 = arith.constant 0 : i32
    %dma_start3A_53 = tpu.memref_slice %arg2[%dma_start3A_51, %dma_start3A_52] : memref<10240x128xf32, #tpu.memory_space<hbm>> -> memref<10240x128xf32, #tpu.memory_space<hbm>>
    tpu.enqueue_indirect_dma source(%dma_start3A_53 : memref<10240x128xf32, #tpu.memory_space<hbm>>) target(%dma_start3A_47 : memref<128x128xf32, #tpu.memory_space<vmem>>) offsets(%dma_start3A_50 : memref<128xi32, #tpu.memory_space<vmem>>) semaphore(%arg11 : memref<!tpu.dma_semaphore, #tpu.memory_space<semaphore_mem>>)
    %dma_start3A_54 = arith.constant 0 : i32
    %dma_start3A_55 = arith.constant 1 : i32
    %dma_start3A_56 = arith.constant 1 : i32
    %dma_start3A_57 = arith.constant 0 : i32
    %dma_start3A_58 = arith.constant 0 : i32
    %dma_start3A_59 = tpu.memref_slice %arg9[%dma_start3A_56, %dma_start3A_57, %dma_start3A_58] : memref<2x128x128xf32, #tpu.memory_space<vmem>> -> memref<1x128x128xf32, #tpu.memory_space<vmem>>
    %dma_start3A_60 = tpu.memref_squeeze %dma_start3A_59 : memref<1x128x128xf32, #tpu.memory_space<vmem>> -> memref<128x128xf32, #tpu.memory_space<vmem>>
    %dma_start3A_61 = arith.constant 0 : i32
    %dma_start3A_62 = tpu.memref_slice %arg7[%dma_start3A_54, %dma_start3A_55, %dma_start3A_61] : memref<2x12x128xi32, #tpu.memory_space<vmem>> -> memref<1x1x128xi32, #tpu.memory_space<vmem>>
    %dma_start3A_63 = tpu.memref_squeeze %dma_start3A_62 : memref<1x1x128xi32, #tpu.memory_space<vmem>> -> memref<128xi32, #tpu.memory_space<vmem>>
    %dma_start3A_64 = arith.constant 0 : i32
    %dma_start3A_65 = arith.constant 0 : i32
    %dma_start3A_66 = tpu.memref_slice %arg2[%dma_start3A_64, %dma_start3A_65] : memref<10240x128xf32, #tpu.memory_space<hbm>> -> memref<10240x128xf32, #tpu.memory_space<hbm>>
    tpu.enqueue_indirect_dma source(%dma_start3A_66 : memref<10240x128xf32, #tpu.memory_space<hbm>>) target(%dma_start3A_60 : memref<128x128xf32, #tpu.memory_space<vmem>>) offsets(%dma_start3A_63 : memref<128xi32, #tpu.memory_space<vmem>>) semaphore(%arg12 : memref<!tpu.dma_semaphore, #tpu.memory_space<semaphore_mem>>)
    %barrier3A = arith.constant 0 : index
    tpu.barrier barrier_id(%barrier3A)
    %scan3A = arith.constant 0 : i32
    %scan3A_67 = arith.constant 0 : i32
    %scan3A_68 = arith.constant 7 : i32
    %scan3A_69 = arith.addi %scan3A_67, %scan3A_68 : i32
    %scan3A_70 = arith.constant 1 : i32
    scf.for %scan3A_73 = %scan3A_67 to %scan3A_69 step %scan3A_70  : i32 {
      %rem3A = arith.constant 2 : i32
      %rem3A_74 = arith.remsi %scan3A_73, %rem3A : i32
      %add3A_75 = arith.constant 1 : i32
      %add3A_76 = arith.addi %scan3A_73, %add3A_75 : i32
      %rem3A_77 = arith.constant 2 : i32
      %rem3A_78 = arith.remsi %add3A_76, %rem3A_77 : i32
      %dma_wait3A = arith.constant 0 : i32
      %dma_wait3A_79 = arith.constant 0 : i32
      %dma_wait3A_80 = arith.constant 0 : i32
      %dma_wait3A_81 = arith.constant 0 : i32
      %dma_wait3A_82 = tpu.memref_slice %arg9[%dma_wait3A_79, %dma_wait3A_80, %dma_wait3A_81] : memref<2x128x128xf32, #tpu.memory_space<vmem>> -> memref<1x128x128xf32, #tpu.memory_space<vmem>>
      %dma_wait3A_83 = tpu.memref_squeeze %dma_wait3A_82 : memref<1x128x128xf32, #tpu.memory_space<vmem>> -> memref<128x128xf32, #tpu.memory_space<vmem>>
      %dma_wait3A_84 = arith.constant 0 : i32
      %dma_wait3A_85 = tpu.memref_slice %arg7[%rem3A_74, %dma_wait3A, %dma_wait3A_84] : memref<2x12x128xi32, #tpu.memory_space<vmem>> -> memref<1x1x128xi32, #tpu.memory_space<vmem>>
      %dma_wait3A_86 = tpu.memref_squeeze %dma_wait3A_85 : memref<1x1x128xi32, #tpu.memory_space<vmem>> -> memref<128xi32, #tpu.memory_space<vmem>>
      %dma_wait3A_87 = arith.constant 0 : i32
      %dma_wait3A_88 = arith.constant 0 : i32
      %dma_wait3A_89 = tpu.memref_slice %arg2[%dma_wait3A_87, %dma_wait3A_88] : memref<10240x128xf32, #tpu.memory_space<hbm>> -> memref<10240x128xf32, #tpu.memory_space<hbm>>
      tpu.wait_indirect_dma semaphore(%arg11 : memref<!tpu.dma_semaphore, #tpu.memory_space<semaphore_mem>>) src(%dma_wait3A_89 : memref<10240x128xf32, #tpu.memory_space<hbm>>) dst(%dma_wait3A_83 : memref<128x128xf32, #tpu.memory_space<vmem>>)
      %run_scoped3A_90 = arith.constant 0 : i32
      %run_scoped3A_91 = arith.constant 0 : i32
      "tpu.region"() ({
        %run_scoped3A_383 = tpu.sem_alloc : memref<!tpu.dma_semaphore, #tpu.memory_space<semaphore_mem>>
        %dma_start3A_384 = arith.constant 0 : i32
        %dma_start3A_385 = arith.constant 0 : i32
        %dma_start3A_386 = tpu.memref_slice %arg9[%run_scoped3A_90, %dma_start3A_384, %dma_start3A_385] : memref<2x128x128xf32, #tpu.memory_space<vmem>> -> memref<1x128x128xf32, #tpu.memory_space<vmem>>
        %dma_start3A_387 = tpu.memref_squeeze %dma_start3A_386 : memref<1x128x128xf32, #tpu.memory_space<vmem>> -> memref<128x128xf32, #tpu.memory_space<vmem>>
        %dma_start3A_388 = arith.constant 0 : i32
        %dma_start3A_389 = tpu.memref_slice %arg8[%rem3A_74, %run_scoped3A_91, %dma_start3A_388] : memref<2x12x128xi32, #tpu.memory_space<vmem>> -> memref<1x1x128xi32, #tpu.memory_space<vmem>>
        %dma_start3A_390 = tpu.memref_squeeze %dma_start3A_389 : memref<1x1x128xi32, #tpu.memory_space<vmem>> -> memref<128xi32, #tpu.memory_space<vmem>>
        %dma_start3A_391 = arith.constant 0 : i32
        %dma_start3A_392 = arith.constant 0 : i32
        %dma_start3A_393 = tpu.memref_slice %arg10[%dma_start3A_391, %dma_start3A_392] : memref<10240x128xf32, #tpu.memory_space<vmem_shared>> -> memref<10240x128xf32, #tpu.memory_space<vmem_shared>>
        tpu.enqueue_indirect_dma source(%dma_start3A_387 : memref<128x128xf32, #tpu.memory_space<vmem>>) target(%dma_start3A_393 : memref<10240x128xf32, #tpu.memory_space<vmem_shared>>) offsets(%dma_start3A_390 : memref<128xi32, #tpu.memory_space<vmem>>) semaphore(%run_scoped3A_383 : memref<!tpu.dma_semaphore, #tpu.memory_space<semaphore_mem>>) {add = true}
        %dma_wait3A_394 = arith.constant 0 : i32
        %dma_wait3A_395 = arith.constant 0 : i32
        %dma_wait3A_396 = tpu.memref_slice %arg9[%run_scoped3A_90, %dma_wait3A_394, %dma_wait3A_395] : memref<2x128x128xf32, #tpu.memory_space<vmem>> -> memref<1x128x128xf32, #tpu.memory_space<vmem>>
        %dma_wait3A_397 = tpu.memref_squeeze %dma_wait3A_396 : memref<1x128x128xf32, #tpu.memory_space<vmem>> -> memref<128x128xf32, #tpu.memory_space<vmem>>
        %dma_wait3A_398 = arith.constant 0 : i32
        %dma_wait3A_399 = tpu.memref_slice %arg8[%rem3A_74, %run_scoped3A_91, %dma_wait3A_398] : memref<2x12x128xi32, #tpu.memory_space<vmem>> -> memref<1x1x128xi32, #tpu.memory_space<vmem>>
        %dma_wait3A_400 = tpu.memref_squeeze %dma_wait3A_399 : memref<1x1x128xi32, #tpu.memory_space<vmem>> -> memref<128xi32, #tpu.memory_space<vmem>>
        %dma_wait3A_401 = arith.constant 0 : i32
        %dma_wait3A_402 = arith.constant 0 : i32
        %dma_wait3A_403 = tpu.memref_slice %arg10[%dma_wait3A_401, %dma_wait3A_402] : memref<10240x128xf32, #tpu.memory_space<vmem_shared>> -> memref<10240x128xf32, #tpu.memory_space<vmem_shared>>
        tpu.wait_indirect_dma semaphore(%run_scoped3A_383 : memref<!tpu.dma_semaphore, #tpu.memory_space<semaphore_mem>>) src(%dma_wait3A_397 : memref<128x128xf32, #tpu.memory_space<vmem>>) dst(%dma_wait3A_403 : memref<10240x128xf32, #tpu.memory_space<vmem_shared>>)
        tpu.yield
      }) : () -> ()
      %dma_start3A_92 = arith.constant 2 : i32
      %dma_start3A_93 = arith.constant 0 : i32
      %dma_start3A_94 = arith.constant 0 : i32
      %dma_start3A_95 = arith.constant 0 : i32
      %dma_start3A_96 = tpu.memref_slice %arg9[%dma_start3A_93, %dma_start3A_94, %dma_start3A_95] : memref<2x128x128xf32, #tpu.memory_space<vmem>> -> memref<1x128x128xf32, #tpu.memory_space<vmem>>
      %dma_start3A_97 = tpu.memref_squeeze %dma_start3A_96 : memref<1x128x128xf32, #tpu.memory_space<vmem>> -> memref<128x128xf32, #tpu.memory_space<vmem>>
      %dma_start3A_98 = arith.constant 0 : i32
      %dma_start3A_99 = tpu.memref_slice %arg7[%rem3A_74, %dma_start3A_92, %dma_start3A_98] : memref<2x12x128xi32, #tpu.memory_space<vmem>> -> memref<1x1x128xi32, #tpu.memory_space<vmem>>
      %dma_start3A_100 = tpu.memref_squeeze %dma_start3A_99 : memref<1x1x128xi32, #tpu.memory_space<vmem>> -> memref<128xi32, #tpu.memory_space<vmem>>
      %dma_start3A_101 = arith.constant 0 : i32
      %dma_start3A_102 = arith.constant 0 : i32
      %dma_start3A_103 = tpu.memref_slice %arg2[%dma_start3A_101, %dma_start3A_102] : memref<10240x128xf32, #tpu.memory_space<hbm>> -> memref<10240x128xf32, #tpu.memory_space<hbm>>
      tpu.enqueue_indirect_dma source(%dma_start3A_103 : memref<10240x128xf32, #tpu.memory_space<hbm>>) target(%dma_start3A_97 : memref<128x128xf32, #tpu.memory_space<vmem>>) offsets(%dma_start3A_100 : memref<128xi32, #tpu.memory_space<vmem>>) semaphore(%arg11 : memref<!tpu.dma_semaphore, #tpu.memory_space<semaphore_mem>>)
      %dma_wait3A_104 = arith.constant 1 : i32
      %dma_wait3A_105 = arith.constant 1 : i32
      %dma_wait3A_106 = arith.constant 0 : i32
      %dma_wait3A_107 = arith.constant 0 : i32
      %dma_wait3A_108 = tpu.memref_slice %arg9[%dma_wait3A_105, %dma_wait3A_106, %dma_wait3A_107] : memref<2x128x128xf32, #tpu.memory_space<vmem>> -> memref<1x128x128xf32, #tpu.memory_space<vmem>>
      %dma_wait3A_109 = tpu.memref_squeeze %dma_wait3A_108 : memref<1x128x128xf32, #tpu.memory_space<vmem>> -> memref<128x128xf32, #tpu.memory_space<vmem>>
      %dma_wait3A_110 = arith.constant 0 : i32
      %dma_wait3A_111 = tpu.memref_slice %arg7[%rem3A_74, %dma_wait3A_104, %dma_wait3A_110] : memref<2x12x128xi32, #tpu.memory_space<vmem>> -> memref<1x1x128xi32, #tpu.memory_space<vmem>>
      %dma_wait3A_112 = tpu.memref_squeeze %dma_wait3A_111 : memref<1x1x128xi32, #tpu.memory_space<vmem>> -> memref<128xi32, #tpu.memory_space<vmem>>
      %dma_wait3A_113 = arith.constant 0 : i32
      %dma_wait3A_114 = arith.constant 0 : i32
      %dma_wait3A_115 = tpu.memref_slice %arg2[%dma_wait3A_113, %dma_wait3A_114] : memref<10240x128xf32, #tpu.memory_space<hbm>> -> memref<10240x128xf32, #tpu.memory_space<hbm>>
      tpu.wait_indirect_dma semaphore(%arg12 : memref<!tpu.dma_semaphore, #tpu.memory_space<semaphore_mem>>) src(%dma_wait3A_115 : memref<10240x128xf32, #tpu.memory_space<hbm>>) dst(%dma_wait3A_109 : memref<128x128xf32, #tpu.memory_space<vmem>>)
      %run_scoped3A_116 = arith.constant 1 : i32
      %run_scoped3A_117 = arith.constant 1 : i32
      "tpu.region"() ({
        %run_scoped3A_383 = tpu.sem_alloc : memref<!tpu.dma_semaphore, #tpu.memory_space<semaphore_mem>>
        %dma_start3A_384 = arith.constant 0 : i32
        %dma_start3A_385 = arith.constant 0 : i32
        %dma_start3A_386 = tpu.memref_slice %arg9[%run_scoped3A_116, %dma_start3A_384, %dma_start3A_385] : memref<2x128x128xf32, #tpu.memory_space<vmem>> -> memref<1x128x128xf32, #tpu.memory_space<vmem>>
        %dma_start3A_387 = tpu.memref_squeeze %dma_start3A_386 : memref<1x128x128xf32, #tpu.memory_space<vmem>> -> memref<128x128xf32, #tpu.memory_space<vmem>>
        %dma_start3A_388 = arith.constant 0 : i32
        %dma_start3A_389 = tpu.memref_slice %arg8[%rem3A_74, %run_scoped3A_117, %dma_start3A_388] : memref<2x12x128xi32, #tpu.memory_space<vmem>> -> memref<1x1x128xi32, #tpu.memory_space<vmem>>
        %dma_start3A_390 = tpu.memref_squeeze %dma_start3A_389 : memref<1x1x128xi32, #tpu.memory_space<vmem>> -> memref<128xi32, #tpu.memory_space<vmem>>
        %dma_start3A_391 = arith.constant 0 : i32
        %dma_start3A_392 = arith.constant 0 : i32
        %dma_start3A_393 = tpu.memref_slice %arg10[%dma_start3A_391, %dma_start3A_392] : memref<10240x128xf32, #tpu.memory_space<vmem_shared>> -> memref<10240x128xf32, #tpu.memory_space<vmem_shared>>
        tpu.enqueue_indirect_dma source(%dma_start3A_387 : memref<128x128xf32, #tpu.memory_space<vmem>>) target(%dma_start3A_393 : memref<10240x128xf32, #tpu.memory_space<vmem_shared>>) offsets(%dma_start3A_390 : memref<128xi32, #tpu.memory_space<vmem>>) semaphore(%run_scoped3A_383 : memref<!tpu.dma_semaphore, #tpu.memory_space<semaphore_mem>>) {add = true}
        %dma_wait3A_394 = arith.constant 0 : i32
        %dma_wait3A_395 = arith.constant 0 : i32
        %dma_wait3A_396 = tpu.memref_slice %arg9[%run_scoped3A_116, %dma_wait3A_394, %dma_wait3A_395] : memref<2x128x128xf32, #tpu.memory_space<vmem>> -> memref<1x128x128xf32, #tpu.memory_space<vmem>>
        %dma_wait3A_397 = tpu.memref_squeeze %dma_wait3A_396 : memref<1x128x128xf32, #tpu.memory_space<vmem>> -> memref<128x128xf32, #tpu.memory_space<vmem>>
        %dma_wait3A_398 = arith.constant 0 : i32
        %dma_wait3A_399 = tpu.memref_slice %arg8[%rem3A_74, %run_scoped3A_117, %dma_wait3A_398] : memref<2x12x128xi32, #tpu.memory_space<vmem>> -> memref<1x1x128xi32, #tpu.memory_space<vmem>>
        %dma_wait3A_400 = tpu.memref_squeeze %dma_wait3A_399 : memref<1x1x128xi32, #tpu.memory_space<vmem>> -> memref<128xi32, #tpu.memory_space<vmem>>
        %dma_wait3A_401 = arith.constant 0 : i32
        %dma_wait3A_402 = arith.constant 0 : i32
        %dma_wait3A_403 = tpu.memref_slice %arg10[%dma_wait3A_401, %dma_wait3A_402] : memref<10240x128xf32, #tpu.memory_space<vmem_shared>> -> memref<10240x128xf32, #tpu.memory_space<vmem_shared>>
        tpu.wait_indirect_dma semaphore(%run_scoped3A_383 : memref<!tpu.dma_semaphore, #tpu.memory_space<semaphore_mem>>) src(%dma_wait3A_397 : memref<128x128xf32, #tpu.memory_space<vmem>>) dst(%dma_wait3A_403 : memref<10240x128xf32, #tpu.memory_space<vmem_shared>>)
        tpu.yield
      }) : () -> ()
      %dma_start3A_118 = arith.constant 3 : i32
      %dma_start3A_119 = arith.constant 1 : i32
      %dma_start3A_120 = arith.constant 0 : i32
      %dma_start3A_121 = arith.constant 0 : i32
      %dma_start3A_122 = tpu.memref_slice %arg9[%dma_start3A_119, %dma_start3A_120, %dma_start3A_121] : memref<2x128x128xf32, #tpu.memory_space<vmem>> -> memref<1x128x128xf32, #tpu.memory_space<vmem>>
      %dma_start3A_123 = tpu.memref_squeeze %dma_start3A_122 : memref<1x128x128xf32, #tpu.memory_space<vmem>> -> memref<128x128xf32, #tpu.memory_space<vmem>>
      %dma_start3A_124 = arith.constant 0 : i32
      %dma_start3A_125 = tpu.memref_slice %arg7[%rem3A_74, %dma_start3A_118, %dma_start3A_124] : memref<2x12x128xi32, #tpu.memory_space<vmem>> -> memref<1x1x128xi32, #tpu.memory_space<vmem>>
      %dma_start3A_126 = tpu.memref_squeeze %dma_start3A_125 : memref<1x1x128xi32, #tpu.memory_space<vmem>> -> memref<128xi32, #tpu.memory_space<vmem>>
      %dma_start3A_127 = arith.constant 0 : i32
      %dma_start3A_128 = arith.constant 0 : i32
      %dma_start3A_129 = tpu.memref_slice %arg2[%dma_start3A_127, %dma_start3A_128] : memref<10240x128xf32, #tpu.memory_space<hbm>> -> memref<10240x128xf32, #tpu.memory_space<hbm>>
      tpu.enqueue_indirect_dma source(%dma_start3A_129 : memref<10240x128xf32, #tpu.memory_space<hbm>>) target(%dma_start3A_123 : memref<128x128xf32, #tpu.memory_space<vmem>>) offsets(%dma_start3A_126 : memref<128xi32, #tpu.memory_space<vmem>>) semaphore(%arg12 : memref<!tpu.dma_semaphore, #tpu.memory_space<semaphore_mem>>)
      %dma_wait3A_130 = arith.constant 2 : i32
      %dma_wait3A_131 = arith.constant 0 : i32
      %dma_wait3A_132 = arith.constant 0 : i32
      %dma_wait3A_133 = arith.constant 0 : i32
      %dma_wait3A_134 = tpu.memref_slice %arg9[%dma_wait3A_131, %dma_wait3A_132, %dma_wait3A_133] : memref<2x128x128xf32, #tpu.memory_space<vmem>> -> memref<1x128x128xf32, #tpu.memory_space<vmem>>
      %dma_wait3A_135 = tpu.memref_squeeze %dma_wait3A_134 : memref<1x128x128xf32, #tpu.memory_space<vmem>> -> memref<128x128xf32, #tpu.memory_space<vmem>>
      %dma_wait3A_136 = arith.constant 0 : i32
      %dma_wait3A_137 = tpu.memref_slice %arg7[%rem3A_74, %dma_wait3A_130, %dma_wait3A_136] : memref<2x12x128xi32, #tpu.memory_space<vmem>> -> memref<1x1x128xi32, #tpu.memory_space<vmem>>
      %dma_wait3A_138 = tpu.memref_squeeze %dma_wait3A_137 : memref<1x1x128xi32, #tpu.memory_space<vmem>> -> memref<128xi32, #tpu.memory_space<vmem>>
      %dma_wait3A_139 = arith.constant 0 : i32
      %dma_wait3A_140 = arith.constant 0 : i32
      %dma_wait3A_141 = tpu.memref_slice %arg2[%dma_wait3A_139, %dma_wait3A_140] : memref<10240x128xf32, #tpu.memory_space<hbm>> -> memref<10240x128xf32, #tpu.memory_space<hbm>>
      tpu.wait_indirect_dma semaphore(%arg11 : memref<!tpu.dma_semaphore, #tpu.memory_space<semaphore_mem>>) src(%dma_wait3A_141 : memref<10240x128xf32, #tpu.memory_space<hbm>>) dst(%dma_wait3A_135 : memref<128x128xf32, #tpu.memory_space<vmem>>)
      %run_scoped3A_142 = arith.constant 0 : i32
      %run_scoped3A_143 = arith.constant 2 : i32
      "tpu.region"() ({
        %run_scoped3A_383 = tpu.sem_alloc : memref<!tpu.dma_semaphore, #tpu.memory_space<semaphore_mem>>
        %dma_start3A_384 = arith.constant 0 : i32
        %dma_start3A_385 = arith.constant 0 : i32
        %dma_start3A_386 = tpu.memref_slice %arg9[%run_scoped3A_142, %dma_start3A_384, %dma_start3A_385] : memref<2x128x128xf32, #tpu.memory_space<vmem>> -> memref<1x128x128xf32, #tpu.memory_space<vmem>>
        %dma_start3A_387 = tpu.memref_squeeze %dma_start3A_386 : memref<1x128x128xf32, #tpu.memory_space<vmem>> -> memref<128x128xf32, #tpu.memory_space<vmem>>
        %dma_start3A_388 = arith.constant 0 : i32
        %dma_start3A_389 = tpu.memref_slice %arg8[%rem3A_74, %run_scoped3A_143, %dma_start3A_388] : memref<2x12x128xi32, #tpu.memory_space<vmem>> -> memref<1x1x128xi32, #tpu.memory_space<vmem>>
        %dma_start3A_390 = tpu.memref_squeeze %dma_start3A_389 : memref<1x1x128xi32, #tpu.memory_space<vmem>> -> memref<128xi32, #tpu.memory_space<vmem>>
        %dma_start3A_391 = arith.constant 0 : i32
        %dma_start3A_392 = arith.constant 0 : i32
        %dma_start3A_393 = tpu.memref_slice %arg10[%dma_start3A_391, %dma_start3A_392] : memref<10240x128xf32, #tpu.memory_space<vmem_shared>> -> memref<10240x128xf32, #tpu.memory_space<vmem_shared>>
        tpu.enqueue_indirect_dma source(%dma_start3A_387 : memref<128x128xf32, #tpu.memory_space<vmem>>) target(%dma_start3A_393 : memref<10240x128xf32, #tpu.memory_space<vmem_shared>>) offsets(%dma_start3A_390 : memref<128xi32, #tpu.memory_space<vmem>>) semaphore(%run_scoped3A_383 : memref<!tpu.dma_semaphore, #tpu.memory_space<semaphore_mem>>) {add = true}
        %dma_wait3A_394 = arith.constant 0 : i32
        %dma_wait3A_395 = arith.constant 0 : i32
        %dma_wait3A_396 = tpu.memref_slice %arg9[%run_scoped3A_142, %dma_wait3A_394, %dma_wait3A_395] : memref<2x128x128xf32, #tpu.memory_space<vmem>> -> memref<1x128x128xf32, #tpu.memory_space<vmem>>
        %dma_wait3A_397 = tpu.memref_squeeze %dma_wait3A_396 : memref<1x128x128xf32, #tpu.memory_space<vmem>> -> memref<128x128xf32, #tpu.memory_space<vmem>>
        %dma_wait3A_398 = arith.constant 0 : i32
        %dma_wait3A_399 = tpu.memref_slice %arg8[%rem3A_74, %run_scoped3A_143, %dma_wait3A_398] : memref<2x12x128xi32, #tpu.memory_space<vmem>> -> memref<1x1x128xi32, #tpu.memory_space<vmem>>
        %dma_wait3A_400 = tpu.memref_squeeze %dma_wait3A_399 : memref<1x1x128xi32, #tpu.memory_space<vmem>> -> memref<128xi32, #tpu.memory_space<vmem>>
        %dma_wait3A_401 = arith.constant 0 : i32
        %dma_wait3A_402 = arith.constant 0 : i32
        %dma_wait3A_403 = tpu.memref_slice %arg10[%dma_wait3A_401, %dma_wait3A_402] : memref<10240x128xf32, #tpu.memory_space<vmem_shared>> -> memref<10240x128xf32, #tpu.memory_space<vmem_shared>>
        tpu.wait_indirect_dma semaphore(%run_scoped3A_383 : memref<!tpu.dma_semaphore, #tpu.memory_space<semaphore_mem>>) src(%dma_wait3A_397 : memref<128x128xf32, #tpu.memory_space<vmem>>) dst(%dma_wait3A_403 : memref<10240x128xf32, #tpu.memory_space<vmem_shared>>)
        tpu.yield
      }) : () -> ()
      %dma_start3A_144 = arith.constant 4 : i32
      %dma_start3A_145 = arith.constant 0 : i32
      %dma_start3A_146 = arith.constant 0 : i32
      %dma_start3A_147 = arith.constant 0 : i32
      %dma_start3A_148 = tpu.memref_slice %arg9[%dma_start3A_145, %dma_start3A_146, %dma_start3A_147] : memref<2x128x128xf32, #tpu.memory_space<vmem>> -> memref<1x128x128xf32, #tpu.memory_space<vmem>>
      %dma_start3A_149 = tpu.memref_squeeze %dma_start3A_148 : memref<1x128x128xf32, #tpu.memory_space<vmem>> -> memref<128x128xf32, #tpu.memory_space<vmem>>
      %dma_start3A_150 = arith.constant 0 : i32
      %dma_start3A_151 = tpu.memref_slice %arg7[%rem3A_74, %dma_start3A_144, %dma_start3A_150] : memref<2x12x128xi32, #tpu.memory_space<vmem>> -> memref<1x1x128xi32, #tpu.memory_space<vmem>>
      %dma_start3A_152 = tpu.memref_squeeze %dma_start3A_151 : memref<1x1x128xi32, #tpu.memory_space<vmem>> -> memref<128xi32, #tpu.memory_space<vmem>>
      %dma_start3A_153 = arith.constant 0 : i32
      %dma_start3A_154 = arith.constant 0 : i32
      %dma_start3A_155 = tpu.memref_slice %arg2[%dma_start3A_153, %dma_start3A_154] : memref<10240x128xf32, #tpu.memory_space<hbm>> -> memref<10240x128xf32, #tpu.memory_space<hbm>>
      tpu.enqueue_indirect_dma source(%dma_start3A_155 : memref<10240x128xf32, #tpu.memory_space<hbm>>) target(%dma_start3A_149 : memref<128x128xf32, #tpu.memory_space<vmem>>) offsets(%dma_start3A_152 : memref<128xi32, #tpu.memory_space<vmem>>) semaphore(%arg11 : memref<!tpu.dma_semaphore, #tpu.memory_space<semaphore_mem>>)
      %dma_wait3A_156 = arith.constant 3 : i32
      %dma_wait3A_157 = arith.constant 1 : i32
      %dma_wait3A_158 = arith.constant 0 : i32
      %dma_wait3A_159 = arith.constant 0 : i32
      %dma_wait3A_160 = tpu.memref_slice %arg9[%dma_wait3A_157, %dma_wait3A_158, %dma_wait3A_159] : memref<2x128x128xf32, #tpu.memory_space<vmem>> -> memref<1x128x128xf32, #tpu.memory_space<vmem>>
      %dma_wait3A_161 = tpu.memref_squeeze %dma_wait3A_160 : memref<1x128x128xf32, #tpu.memory_space<vmem>> -> memref<128x128xf32, #tpu.memory_space<vmem>>
      %dma_wait3A_162 = arith.constant 0 : i32
      %dma_wait3A_163 = tpu.memref_slice %arg7[%rem3A_74, %dma_wait3A_156, %dma_wait3A_162] : memref<2x12x128xi32, #tpu.memory_space<vmem>> -> memref<1x1x128xi32, #tpu.memory_space<vmem>>
      %dma_wait3A_164 = tpu.memref_squeeze %dma_wait3A_163 : memref<1x1x128xi32, #tpu.memory_space<vmem>> -> memref<128xi32, #tpu.memory_space<vmem>>
      %dma_wait3A_165 = arith.constant 0 : i32
      %dma_wait3A_166 = arith.constant 0 : i32
      %dma_wait3A_167 = tpu.memref_slice %arg2[%dma_wait3A_165, %dma_wait3A_166] : memref<10240x128xf32, #tpu.memory_space<hbm>> -> memref<10240x128xf32, #tpu.memory_space<hbm>>
      tpu.wait_indirect_dma semaphore(%arg12 : memref<!tpu.dma_semaphore, #tpu.memory_space<semaphore_mem>>) src(%dma_wait3A_167 : memref<10240x128xf32, #tpu.memory_space<hbm>>) dst(%dma_wait3A_161 : memref<128x128xf32, #tpu.memory_space<vmem>>)
      %run_scoped3A_168 = arith.constant 1 : i32
      %run_scoped3A_169 = arith.constant 3 : i32
      "tpu.region"() ({
        %run_scoped3A_383 = tpu.sem_alloc : memref<!tpu.dma_semaphore, #tpu.memory_space<semaphore_mem>>
        %dma_start3A_384 = arith.constant 0 : i32
        %dma_start3A_385 = arith.constant 0 : i32
        %dma_start3A_386 = tpu.memref_slice %arg9[%run_scoped3A_168, %dma_start3A_384, %dma_start3A_385] : memref<2x128x128xf32, #tpu.memory_space<vmem>> -> memref<1x128x128xf32, #tpu.memory_space<vmem>>
        %dma_start3A_387 = tpu.memref_squeeze %dma_start3A_386 : memref<1x128x128xf32, #tpu.memory_space<vmem>> -> memref<128x128xf32, #tpu.memory_space<vmem>>
        %dma_start3A_388 = arith.constant 0 : i32
        %dma_start3A_389 = tpu.memref_slice %arg8[%rem3A_74, %run_scoped3A_169, %dma_start3A_388] : memref<2x12x128xi32, #tpu.memory_space<vmem>> -> memref<1x1x128xi32, #tpu.memory_space<vmem>>
        %dma_start3A_390 = tpu.memref_squeeze %dma_start3A_389 : memref<1x1x128xi32, #tpu.memory_space<vmem>> -> memref<128xi32, #tpu.memory_space<vmem>>
        %dma_start3A_391 = arith.constant 0 : i32
        %dma_start3A_392 = arith.constant 0 : i32
        %dma_start3A_393 = tpu.memref_slice %arg10[%dma_start3A_391, %dma_start3A_392] : memref<10240x128xf32, #tpu.memory_space<vmem_shared>> -> memref<10240x128xf32, #tpu.memory_space<vmem_shared>>
        tpu.enqueue_indirect_dma source(%dma_start3A_387 : memref<128x128xf32, #tpu.memory_space<vmem>>) target(%dma_start3A_393 : memref<10240x128xf32, #tpu.memory_space<vmem_shared>>) offsets(%dma_start3A_390 : memref<128xi32, #tpu.memory_space<vmem>>) semaphore(%run_scoped3A_383 : memref<!tpu.dma_semaphore, #tpu.memory_space<semaphore_mem>>) {add = true}
        %dma_wait3A_394 = arith.constant 0 : i32
        %dma_wait3A_395 = arith.constant 0 : i32
        %dma_wait3A_396 = tpu.memref_slice %arg9[%run_scoped3A_168, %dma_wait3A_394, %dma_wait3A_395] : memref<2x128x128xf32, #tpu.memory_space<vmem>> -> memref<1x128x128xf32, #tpu.memory_space<vmem>>
        %dma_wait3A_397 = tpu.memref_squeeze %dma_wait3A_396 : memref<1x128x128xf32, #tpu.memory_space<vmem>> -> memref<128x128xf32, #tpu.memory_space<vmem>>
        %dma_wait3A_398 = arith.constant 0 : i32
        %dma_wait3A_399 = tpu.memref_slice %arg8[%rem3A_74, %run_scoped3A_169, %dma_wait3A_398] : memref<2x12x128xi32, #tpu.memory_space<vmem>> -> memref<1x1x128xi32, #tpu.memory_space<vmem>>
        %dma_wait3A_400 = tpu.memref_squeeze %dma_wait3A_399 : memref<1x1x128xi32, #tpu.memory_space<vmem>> -> memref<128xi32, #tpu.memory_space<vmem>>
        %dma_wait3A_401 = arith.constant 0 : i32
        %dma_wait3A_402 = arith.constant 0 : i32
        %dma_wait3A_403 = tpu.memref_slice %arg10[%dma_wait3A_401, %dma_wait3A_402] : memref<10240x128xf32, #tpu.memory_space<vmem_shared>> -> memref<10240x128xf32, #tpu.memory_space<vmem_shared>>
        tpu.wait_indirect_dma semaphore(%run_scoped3A_383 : memref<!tpu.dma_semaphore, #tpu.memory_space<semaphore_mem>>) src(%dma_wait3A_397 : memref<128x128xf32, #tpu.memory_space<vmem>>) dst(%dma_wait3A_403 : memref<10240x128xf32, #tpu.memory_space<vmem_shared>>)
        tpu.yield
      }) : () -> ()
      %dma_start3A_170 = arith.constant 5 : i32
      %dma_start3A_171 = arith.constant 1 : i32
      %dma_start3A_172 = arith.constant 0 : i32
      %dma_start3A_173 = arith.constant 0 : i32
      %dma_start3A_174 = tpu.memref_slice %arg9[%dma_start3A_171, %dma_start3A_172, %dma_start3A_173] : memref<2x128x128xf32, #tpu.memory_space<vmem>> -> memref<1x128x128xf32, #tpu.memory_space<vmem>>
      %dma_start3A_175 = tpu.memref_squeeze %dma_start3A_174 : memref<1x128x128xf32, #tpu.memory_space<vmem>> -> memref<128x128xf32, #tpu.memory_space<vmem>>
      %dma_start3A_176 = arith.constant 0 : i32
      %dma_start3A_177 = tpu.memref_slice %arg7[%rem3A_74, %dma_start3A_170, %dma_start3A_176] : memref<2x12x128xi32, #tpu.memory_space<vmem>> -> memref<1x1x128xi32, #tpu.memory_space<vmem>>
      %dma_start3A_178 = tpu.memref_squeeze %dma_start3A_177 : memref<1x1x128xi32, #tpu.memory_space<vmem>> -> memref<128xi32, #tpu.memory_space<vmem>>
      %dma_start3A_179 = arith.constant 0 : i32
      %dma_start3A_180 = arith.constant 0 : i32
      %dma_start3A_181 = tpu.memref_slice %arg2[%dma_start3A_179, %dma_start3A_180] : memref<10240x128xf32, #tpu.memory_space<hbm>> -> memref<10240x128xf32, #tpu.memory_space<hbm>>
      tpu.enqueue_indirect_dma source(%dma_start3A_181 : memref<10240x128xf32, #tpu.memory_space<hbm>>) target(%dma_start3A_175 : memref<128x128xf32, #tpu.memory_space<vmem>>) offsets(%dma_start3A_178 : memref<128xi32, #tpu.memory_space<vmem>>) semaphore(%arg12 : memref<!tpu.dma_semaphore, #tpu.memory_space<semaphore_mem>>)
      %dma_wait3A_182 = arith.constant 4 : i32
      %dma_wait3A_183 = arith.constant 0 : i32
      %dma_wait3A_184 = arith.constant 0 : i32
      %dma_wait3A_185 = arith.constant 0 : i32
      %dma_wait3A_186 = tpu.memref_slice %arg9[%dma_wait3A_183, %dma_wait3A_184, %dma_wait3A_185] : memref<2x128x128xf32, #tpu.memory_space<vmem>> -> memref<1x128x128xf32, #tpu.memory_space<vmem>>
      %dma_wait3A_187 = tpu.memref_squeeze %dma_wait3A_186 : memref<1x128x128xf32, #tpu.memory_space<vmem>> -> memref<128x128xf32, #tpu.memory_space<vmem>>
      %dma_wait3A_188 = arith.constant 0 : i32
      %dma_wait3A_189 = tpu.memref_slice %arg7[%rem3A_74, %dma_wait3A_182, %dma_wait3A_188] : memref<2x12x128xi32, #tpu.memory_space<vmem>> -> memref<1x1x128xi32, #tpu.memory_space<vmem>>
      %dma_wait3A_190 = tpu.memref_squeeze %dma_wait3A_189 : memref<1x1x128xi32, #tpu.memory_space<vmem>> -> memref<128xi32, #tpu.memory_space<vmem>>
      %dma_wait3A_191 = arith.constant 0 : i32
      %dma_wait3A_192 = arith.constant 0 : i32
      %dma_wait3A_193 = tpu.memref_slice %arg2[%dma_wait3A_191, %dma_wait3A_192] : memref<10240x128xf32, #tpu.memory_space<hbm>> -> memref<10240x128xf32, #tpu.memory_space<hbm>>
      tpu.wait_indirect_dma semaphore(%arg11 : memref<!tpu.dma_semaphore, #tpu.memory_space<semaphore_mem>>) src(%dma_wait3A_193 : memref<10240x128xf32, #tpu.memory_space<hbm>>) dst(%dma_wait3A_187 : memref<128x128xf32, #tpu.memory_space<vmem>>)
      %run_scoped3A_194 = arith.constant 0 : i32
      %run_scoped3A_195 = arith.constant 4 : i32
      "tpu.region"() ({
        %run_scoped3A_383 = tpu.sem_alloc : memref<!tpu.dma_semaphore, #tpu.memory_space<semaphore_mem>>
        %dma_start3A_384 = arith.constant 0 : i32
        %dma_start3A_385 = arith.constant 0 : i32
        %dma_start3A_386 = tpu.memref_slice %arg9[%run_scoped3A_194, %dma_start3A_384, %dma_start3A_385] : memref<2x128x128xf32, #tpu.memory_space<vmem>> -> memref<1x128x128xf32, #tpu.memory_space<vmem>>
        %dma_start3A_387 = tpu.memref_squeeze %dma_start3A_386 : memref<1x128x128xf32, #tpu.memory_space<vmem>> -> memref<128x128xf32, #tpu.memory_space<vmem>>
        %dma_start3A_388 = arith.constant 0 : i32
        %dma_start3A_389 = tpu.memref_slice %arg8[%rem3A_74, %run_scoped3A_195, %dma_start3A_388] : memref<2x12x128xi32, #tpu.memory_space<vmem>> -> memref<1x1x128xi32, #tpu.memory_space<vmem>>
        %dma_start3A_390 = tpu.memref_squeeze %dma_start3A_389 : memref<1x1x128xi32, #tpu.memory_space<vmem>> -> memref<128xi32, #tpu.memory_space<vmem>>
        %dma_start3A_391 = arith.constant 0 : i32
        %dma_start3A_392 = arith.constant 0 : i32
        %dma_start3A_393 = tpu.memref_slice %arg10[%dma_start3A_391, %dma_start3A_392] : memref<10240x128xf32, #tpu.memory_space<vmem_shared>> -> memref<10240x128xf32, #tpu.memory_space<vmem_shared>>
        tpu.enqueue_indirect_dma source(%dma_start3A_387 : memref<128x128xf32, #tpu.memory_space<vmem>>) target(%dma_start3A_393 : memref<10240x128xf32, #tpu.memory_space<vmem_shared>>) offsets(%dma_start3A_390 : memref<128xi32, #tpu.memory_space<vmem>>) semaphore(%run_scoped3A_383 : memref<!tpu.dma_semaphore, #tpu.memory_space<semaphore_mem>>) {add = true}
        %dma_wait3A_394 = arith.constant 0 : i32
        %dma_wait3A_395 = arith.constant 0 : i32
        %dma_wait3A_396 = tpu.memref_slice %arg9[%run_scoped3A_194, %dma_wait3A_394, %dma_wait3A_395] : memref<2x128x128xf32, #tpu.memory_space<vmem>> -> memref<1x128x128xf32, #tpu.memory_space<vmem>>
        %dma_wait3A_397 = tpu.memref_squeeze %dma_wait3A_396 : memref<1x128x128xf32, #tpu.memory_space<vmem>> -> memref<128x128xf32, #tpu.memory_space<vmem>>
        %dma_wait3A_398 = arith.constant 0 : i32
        %dma_wait3A_399 = tpu.memref_slice %arg8[%rem3A_74, %run_scoped3A_195, %dma_wait3A_398] : memref<2x12x128xi32, #tpu.memory_space<vmem>> -> memref<1x1x128xi32, #tpu.memory_space<vmem>>
        %dma_wait3A_400 = tpu.memref_squeeze %dma_wait3A_399 : memref<1x1x128xi32, #tpu.memory_space<vmem>> -> memref<128xi32, #tpu.memory_space<vmem>>
        %dma_wait3A_401 = arith.constant 0 : i32
        %dma_wait3A_402 = arith.constant 0 : i32
        %dma_wait3A_403 = tpu.memref_slice %arg10[%dma_wait3A_401, %dma_wait3A_402] : memref<10240x128xf32, #tpu.memory_space<vmem_shared>> -> memref<10240x128xf32, #tpu.memory_space<vmem_shared>>
        tpu.wait_indirect_dma semaphore(%run_scoped3A_383 : memref<!tpu.dma_semaphore, #tpu.memory_space<semaphore_mem>>) src(%dma_wait3A_397 : memref<128x128xf32, #tpu.memory_space<vmem>>) dst(%dma_wait3A_403 : memref<10240x128xf32, #tpu.memory_space<vmem_shared>>)
        tpu.yield
      }) : () -> ()
      %dma_start3A_196 = arith.constant 6 : i32
      %dma_start3A_197 = arith.constant 0 : i32
      %dma_start3A_198 = arith.constant 0 : i32
      %dma_start3A_199 = arith.constant 0 : i32
      %dma_start3A_200 = tpu.memref_slice %arg9[%dma_start3A_197, %dma_start3A_198, %dma_start3A_199] : memref<2x128x128xf32, #tpu.memory_space<vmem>> -> memref<1x128x128xf32, #tpu.memory_space<vmem>>
      %dma_start3A_201 = tpu.memref_squeeze %dma_start3A_200 : memref<1x128x128xf32, #tpu.memory_space<vmem>> -> memref<128x128xf32, #tpu.memory_space<vmem>>
      %dma_start3A_202 = arith.constant 0 : i32
      %dma_start3A_203 = tpu.memref_slice %arg7[%rem3A_74, %dma_start3A_196, %dma_start3A_202] : memref<2x12x128xi32, #tpu.memory_space<vmem>> -> memref<1x1x128xi32, #tpu.memory_space<vmem>>
      %dma_start3A_204 = tpu.memref_squeeze %dma_start3A_203 : memref<1x1x128xi32, #tpu.memory_space<vmem>> -> memref<128xi32, #tpu.memory_space<vmem>>
      %dma_start3A_205 = arith.constant 0 : i32
      %dma_start3A_206 = arith.constant 0 : i32
      %dma_start3A_207 = tpu.memref_slice %arg2[%dma_start3A_205, %dma_start3A_206] : memref<10240x128xf32, #tpu.memory_space<hbm>> -> memref<10240x128xf32, #tpu.memory_space<hbm>>
      tpu.enqueue_indirect_dma source(%dma_start3A_207 : memref<10240x128xf32, #tpu.memory_space<hbm>>) target(%dma_start3A_201 : memref<128x128xf32, #tpu.memory_space<vmem>>) offsets(%dma_start3A_204 : memref<128xi32, #tpu.memory_space<vmem>>) semaphore(%arg11 : memref<!tpu.dma_semaphore, #tpu.memory_space<semaphore_mem>>)
      %dma_wait3A_208 = arith.constant 5 : i32
      %dma_wait3A_209 = arith.constant 1 : i32
      %dma_wait3A_210 = arith.constant 0 : i32
      %dma_wait3A_211 = arith.constant 0 : i32
      %dma_wait3A_212 = tpu.memref_slice %arg9[%dma_wait3A_209, %dma_wait3A_210, %dma_wait3A_211] : memref<2x128x128xf32, #tpu.memory_space<vmem>> -> memref<1x128x128xf32, #tpu.memory_space<vmem>>
      %dma_wait3A_213 = tpu.memref_squeeze %dma_wait3A_212 : memref<1x128x128xf32, #tpu.memory_space<vmem>> -> memref<128x128xf32, #tpu.memory_space<vmem>>
      %dma_wait3A_214 = arith.constant 0 : i32
      %dma_wait3A_215 = tpu.memref_slice %arg7[%rem3A_74, %dma_wait3A_208, %dma_wait3A_214] : memref<2x12x128xi32, #tpu.memory_space<vmem>> -> memref<1x1x128xi32, #tpu.memory_space<vmem>>
      %dma_wait3A_216 = tpu.memref_squeeze %dma_wait3A_215 : memref<1x1x128xi32, #tpu.memory_space<vmem>> -> memref<128xi32, #tpu.memory_space<vmem>>
      %dma_wait3A_217 = arith.constant 0 : i32
      %dma_wait3A_218 = arith.constant 0 : i32
      %dma_wait3A_219 = tpu.memref_slice %arg2[%dma_wait3A_217, %dma_wait3A_218] : memref<10240x128xf32, #tpu.memory_space<hbm>> -> memref<10240x128xf32, #tpu.memory_space<hbm>>
      tpu.wait_indirect_dma semaphore(%arg12 : memref<!tpu.dma_semaphore, #tpu.memory_space<semaphore_mem>>) src(%dma_wait3A_219 : memref<10240x128xf32, #tpu.memory_space<hbm>>) dst(%dma_wait3A_213 : memref<128x128xf32, #tpu.memory_space<vmem>>)
      %run_scoped3A_220 = arith.constant 1 : i32
      %run_scoped3A_221 = arith.constant 5 : i32
      "tpu.region"() ({
        %run_scoped3A_383 = tpu.sem_alloc : memref<!tpu.dma_semaphore, #tpu.memory_space<semaphore_mem>>
        %dma_start3A_384 = arith.constant 0 : i32
        %dma_start3A_385 = arith.constant 0 : i32
        %dma_start3A_386 = tpu.memref_slice %arg9[%run_scoped3A_220, %dma_start3A_384, %dma_start3A_385] : memref<2x128x128xf32, #tpu.memory_space<vmem>> -> memref<1x128x128xf32, #tpu.memory_space<vmem>>
        %dma_start3A_387 = tpu.memref_squeeze %dma_start3A_386 : memref<1x128x128xf32, #tpu.memory_space<vmem>> -> memref<128x128xf32, #tpu.memory_space<vmem>>
        %dma_start3A_388 = arith.constant 0 : i32
        %dma_start3A_389 = tpu.memref_slice %arg8[%rem3A_74, %run_scoped3A_221, %dma_start3A_388] : memref<2x12x128xi32, #tpu.memory_space<vmem>> -> memref<1x1x128xi32, #tpu.memory_space<vmem>>
        %dma_start3A_390 = tpu.memref_squeeze %dma_start3A_389 : memref<1x1x128xi32, #tpu.memory_space<vmem>> -> memref<128xi32, #tpu.memory_space<vmem>>
        %dma_start3A_391 = arith.constant 0 : i32
        %dma_start3A_392 = arith.constant 0 : i32
        %dma_start3A_393 = tpu.memref_slice %arg10[%dma_start3A_391, %dma_start3A_392] : memref<10240x128xf32, #tpu.memory_space<vmem_shared>> -> memref<10240x128xf32, #tpu.memory_space<vmem_shared>>
        tpu.enqueue_indirect_dma source(%dma_start3A_387 : memref<128x128xf32, #tpu.memory_space<vmem>>) target(%dma_start3A_393 : memref<10240x128xf32, #tpu.memory_space<vmem_shared>>) offsets(%dma_start3A_390 : memref<128xi32, #tpu.memory_space<vmem>>) semaphore(%run_scoped3A_383 : memref<!tpu.dma_semaphore, #tpu.memory_space<semaphore_mem>>) {add = true}
        %dma_wait3A_394 = arith.constant 0 : i32
        %dma_wait3A_395 = arith.constant 0 : i32
        %dma_wait3A_396 = tpu.memref_slice %arg9[%run_scoped3A_220, %dma_wait3A_394, %dma_wait3A_395] : memref<2x128x128xf32, #tpu.memory_space<vmem>> -> memref<1x128x128xf32, #tpu.memory_space<vmem>>
        %dma_wait3A_397 = tpu.memref_squeeze %dma_wait3A_396 : memref<1x128x128xf32, #tpu.memory_space<vmem>> -> memref<128x128xf32, #tpu.memory_space<vmem>>
        %dma_wait3A_398 = arith.constant 0 : i32
        %dma_wait3A_399 = tpu.memref_slice %arg8[%rem3A_74, %run_scoped3A_221, %dma_wait3A_398] : memref<2x12x128xi32, #tpu.memory_space<vmem>> -> memref<1x1x128xi32, #tpu.memory_space<vmem>>
        %dma_wait3A_400 = tpu.memref_squeeze %dma_wait3A_399 : memref<1x1x128xi32, #tpu.memory_space<vmem>> -> memref<128xi32, #tpu.memory_space<vmem>>
        %dma_wait3A_401 = arith.constant 0 : i32
        %dma_wait3A_402 = arith.constant 0 : i32
        %dma_wait3A_403 = tpu.memref_slice %arg10[%dma_wait3A_401, %dma_wait3A_402] : memref<10240x128xf32, #tpu.memory_space<vmem_shared>> -> memref<10240x128xf32, #tpu.memory_space<vmem_shared>>
        tpu.wait_indirect_dma semaphore(%run_scoped3A_383 : memref<!tpu.dma_semaphore, #tpu.memory_space<semaphore_mem>>) src(%dma_wait3A_397 : memref<128x128xf32, #tpu.memory_space<vmem>>) dst(%dma_wait3A_403 : memref<10240x128xf32, #tpu.memory_space<vmem_shared>>)
        tpu.yield
      }) : () -> ()
      %dma_start3A_222 = arith.constant 7 : i32
      %dma_start3A_223 = arith.constant 1 : i32
      %dma_start3A_224 = arith.constant 0 : i32
      %dma_start3A_225 = arith.constant 0 : i32
      %dma_start3A_226 = tpu.memref_slice %arg9[%dma_start3A_223, %dma_start3A_224, %dma_start3A_225] : memref<2x128x128xf32, #tpu.memory_space<vmem>> -> memref<1x128x128xf32, #tpu.memory_space<vmem>>
      %dma_start3A_227 = tpu.memref_squeeze %dma_start3A_226 : memref<1x128x128xf32, #tpu.memory_space<vmem>> -> memref<128x128xf32, #tpu.memory_space<vmem>>
      %dma_start3A_228 = arith.constant 0 : i32
      %dma_start3A_229 = tpu.memref_slice %arg7[%rem3A_74, %dma_start3A_222, %dma_start3A_228] : memref<2x12x128xi32, #tpu.memory_space<vmem>> -> memref<1x1x128xi32, #tpu.memory_space<vmem>>
      %dma_start3A_230 = tpu.memref_squeeze %dma_start3A_229 : memref<1x1x128xi32, #tpu.memory_space<vmem>> -> memref<128xi32, #tpu.memory_space<vmem>>
      %dma_start3A_231 = arith.constant 0 : i32
      %dma_start3A_232 = arith.constant 0 : i32
      %dma_start3A_233 = tpu.memref_slice %arg2[%dma_start3A_231, %dma_start3A_232] : memref<10240x128xf32, #tpu.memory_space<hbm>> -> memref<10240x128xf32, #tpu.memory_space<hbm>>
      tpu.enqueue_indirect_dma source(%dma_start3A_233 : memref<10240x128xf32, #tpu.memory_space<hbm>>) target(%dma_start3A_227 : memref<128x128xf32, #tpu.memory_space<vmem>>) offsets(%dma_start3A_230 : memref<128xi32, #tpu.memory_space<vmem>>) semaphore(%arg12 : memref<!tpu.dma_semaphore, #tpu.memory_space<semaphore_mem>>)
      %dma_wait3A_234 = arith.constant 6 : i32
      %dma_wait3A_235 = arith.constant 0 : i32
      %dma_wait3A_236 = arith.constant 0 : i32
      %dma_wait3A_237 = arith.constant 0 : i32
      %dma_wait3A_238 = tpu.memref_slice %arg9[%dma_wait3A_235, %dma_wait3A_236, %dma_wait3A_237] : memref<2x128x128xf32, #tpu.memory_space<vmem>> -> memref<1x128x128xf32, #tpu.memory_space<vmem>>
      %dma_wait3A_239 = tpu.memref_squeeze %dma_wait3A_238 : memref<1x128x128xf32, #tpu.memory_space<vmem>> -> memref<128x128xf32, #tpu.memory_space<vmem>>
      %dma_wait3A_240 = arith.constant 0 : i32
      %dma_wait3A_241 = tpu.memref_slice %arg7[%rem3A_74, %dma_wait3A_234, %dma_wait3A_240] : memref<2x12x128xi32, #tpu.memory_space<vmem>> -> memref<1x1x128xi32, #tpu.memory_space<vmem>>
      %dma_wait3A_242 = tpu.memref_squeeze %dma_wait3A_241 : memref<1x1x128xi32, #tpu.memory_space<vmem>> -> memref<128xi32, #tpu.memory_space<vmem>>
      %dma_wait3A_243 = arith.constant 0 : i32
      %dma_wait3A_244 = arith.constant 0 : i32
      %dma_wait3A_245 = tpu.memref_slice %arg2[%dma_wait3A_243, %dma_wait3A_244] : memref<10240x128xf32, #tpu.memory_space<hbm>> -> memref<10240x128xf32, #tpu.memory_space<hbm>>
      tpu.wait_indirect_dma semaphore(%arg11 : memref<!tpu.dma_semaphore, #tpu.memory_space<semaphore_mem>>) src(%dma_wait3A_245 : memref<10240x128xf32, #tpu.memory_space<hbm>>) dst(%dma_wait3A_239 : memref<128x128xf32, #tpu.memory_space<vmem>>)
      %run_scoped3A_246 = arith.constant 0 : i32
      %run_scoped3A_247 = arith.constant 6 : i32
      "tpu.region"() ({
        %run_scoped3A_383 = tpu.sem_alloc : memref<!tpu.dma_semaphore, #tpu.memory_space<semaphore_mem>>
        %dma_start3A_384 = arith.constant 0 : i32
        %dma_start3A_385 = arith.constant 0 : i32
        %dma_start3A_386 = tpu.memref_slice %arg9[%run_scoped3A_246, %dma_start3A_384, %dma_start3A_385] : memref<2x128x128xf32, #tpu.memory_space<vmem>> -> memref<1x128x128xf32, #tpu.memory_space<vmem>>
        %dma_start3A_387 = tpu.memref_squeeze %dma_start3A_386 : memref<1x128x128xf32, #tpu.memory_space<vmem>> -> memref<128x128xf32, #tpu.memory_space<vmem>>
        %dma_start3A_388 = arith.constant 0 : i32
        %dma_start3A_389 = tpu.memref_slice %arg8[%rem3A_74, %run_scoped3A_247, %dma_start3A_388] : memref<2x12x128xi32, #tpu.memory_space<vmem>> -> memref<1x1x128xi32, #tpu.memory_space<vmem>>
        %dma_start3A_390 = tpu.memref_squeeze %dma_start3A_389 : memref<1x1x128xi32, #tpu.memory_space<vmem>> -> memref<128xi32, #tpu.memory_space<vmem>>
        %dma_start3A_391 = arith.constant 0 : i32
        %dma_start3A_392 = arith.constant 0 : i32
        %dma_start3A_393 = tpu.memref_slice %arg10[%dma_start3A_391, %dma_start3A_392] : memref<10240x128xf32, #tpu.memory_space<vmem_shared>> -> memref<10240x128xf32, #tpu.memory_space<vmem_shared>>
        tpu.enqueue_indirect_dma source(%dma_start3A_387 : memref<128x128xf32, #tpu.memory_space<vmem>>) target(%dma_start3A_393 : memref<10240x128xf32, #tpu.memory_space<vmem_shared>>) offsets(%dma_start3A_390 : memref<128xi32, #tpu.memory_space<vmem>>) semaphore(%run_scoped3A_383 : memref<!tpu.dma_semaphore, #tpu.memory_space<semaphore_mem>>) {add = true}
        %dma_wait3A_394 = arith.constant 0 : i32
        %dma_wait3A_395 = arith.constant 0 : i32
        %dma_wait3A_396 = tpu.memref_slice %arg9[%run_scoped3A_246, %dma_wait3A_394, %dma_wait3A_395] : memref<2x128x128xf32, #tpu.memory_space<vmem>> -> memref<1x128x128xf32, #tpu.memory_space<vmem>>
        %dma_wait3A_397 = tpu.memref_squeeze %dma_wait3A_396 : memref<1x128x128xf32, #tpu.memory_space<vmem>> -> memref<128x128xf32, #tpu.memory_space<vmem>>
        %dma_wait3A_398 = arith.constant 0 : i32
        %dma_wait3A_399 = tpu.memref_slice %arg8[%rem3A_74, %run_scoped3A_247, %dma_wait3A_398] : memref<2x12x128xi32, #tpu.memory_space<vmem>> -> memref<1x1x128xi32, #tpu.memory_space<vmem>>
        %dma_wait3A_400 = tpu.memref_squeeze %dma_wait3A_399 : memref<1x1x128xi32, #tpu.memory_space<vmem>> -> memref<128xi32, #tpu.memory_space<vmem>>
        %dma_wait3A_401 = arith.constant 0 : i32
        %dma_wait3A_402 = arith.constant 0 : i32
        %dma_wait3A_403 = tpu.memref_slice %arg10[%dma_wait3A_401, %dma_wait3A_402] : memref<10240x128xf32, #tpu.memory_space<vmem_shared>> -> memref<10240x128xf32, #tpu.memory_space<vmem_shared>>
        tpu.wait_indirect_dma semaphore(%run_scoped3A_383 : memref<!tpu.dma_semaphore, #tpu.memory_space<semaphore_mem>>) src(%dma_wait3A_397 : memref<128x128xf32, #tpu.memory_space<vmem>>) dst(%dma_wait3A_403 : memref<10240x128xf32, #tpu.memory_space<vmem_shared>>)
        tpu.yield
      }) : () -> ()
      %dma_start3A_248 = arith.constant 8 : i32
      %dma_start3A_249 = arith.constant 0 : i32
      %dma_start3A_250 = arith.constant 0 : i32
      %dma_start3A_251 = arith.constant 0 : i32
      %dma_start3A_252 = tpu.memref_slice %arg9[%dma_start3A_249, %dma_start3A_250, %dma_start3A_251] : memref<2x128x128xf32, #tpu.memory_space<vmem>> -> memref<1x128x128xf32, #tpu.memory_space<vmem>>
      %dma_start3A_253 = tpu.memref_squeeze %dma_start3A_252 : memref<1x128x128xf32, #tpu.memory_space<vmem>> -> memref<128x128xf32, #tpu.memory_space<vmem>>
      %dma_start3A_254 = arith.constant 0 : i32
      %dma_start3A_255 = tpu.memref_slice %arg7[%rem3A_74, %dma_start3A_248, %dma_start3A_254] : memref<2x12x128xi32, #tpu.memory_space<vmem>> -> memref<1x1x128xi32, #tpu.memory_space<vmem>>
      %dma_start3A_256 = tpu.memref_squeeze %dma_start3A_255 : memref<1x1x128xi32, #tpu.memory_space<vmem>> -> memref<128xi32, #tpu.memory_space<vmem>>
      %dma_start3A_257 = arith.constant 0 : i32
      %dma_start3A_258 = arith.constant 0 : i32
      %dma_start3A_259 = tpu.memref_slice %arg2[%dma_start3A_257, %dma_start3A_258] : memref<10240x128xf32, #tpu.memory_space<hbm>> -> memref<10240x128xf32, #tpu.memory_space<hbm>>
      tpu.enqueue_indirect_dma source(%dma_start3A_259 : memref<10240x128xf32, #tpu.memory_space<hbm>>) target(%dma_start3A_253 : memref<128x128xf32, #tpu.memory_space<vmem>>) offsets(%dma_start3A_256 : memref<128xi32, #tpu.memory_space<vmem>>) semaphore(%arg11 : memref<!tpu.dma_semaphore, #tpu.memory_space<semaphore_mem>>)
      %dma_wait3A_260 = arith.constant 7 : i32
      %dma_wait3A_261 = arith.constant 1 : i32
      %dma_wait3A_262 = arith.constant 0 : i32
      %dma_wait3A_263 = arith.constant 0 : i32
      %dma_wait3A_264 = tpu.memref_slice %arg9[%dma_wait3A_261, %dma_wait3A_262, %dma_wait3A_263] : memref<2x128x128xf32, #tpu.memory_space<vmem>> -> memref<1x128x128xf32, #tpu.memory_space<vmem>>
      %dma_wait3A_265 = tpu.memref_squeeze %dma_wait3A_264 : memref<1x128x128xf32, #tpu.memory_space<vmem>> -> memref<128x128xf32, #tpu.memory_space<vmem>>
      %dma_wait3A_266 = arith.constant 0 : i32
      %dma_wait3A_267 = tpu.memref_slice %arg7[%rem3A_74, %dma_wait3A_260, %dma_wait3A_266] : memref<2x12x128xi32, #tpu.memory_space<vmem>> -> memref<1x1x128xi32, #tpu.memory_space<vmem>>
      %dma_wait3A_268 = tpu.memref_squeeze %dma_wait3A_267 : memref<1x1x128xi32, #tpu.memory_space<vmem>> -> memref<128xi32, #tpu.memory_space<vmem>>
      %dma_wait3A_269 = arith.constant 0 : i32
      %dma_wait3A_270 = arith.constant 0 : i32
      %dma_wait3A_271 = tpu.memref_slice %arg2[%dma_wait3A_269, %dma_wait3A_270] : memref<10240x128xf32, #tpu.memory_space<hbm>> -> memref<10240x128xf32, #tpu.memory_space<hbm>>
      tpu.wait_indirect_dma semaphore(%arg12 : memref<!tpu.dma_semaphore, #tpu.memory_space<semaphore_mem>>) src(%dma_wait3A_271 : memref<10240x128xf32, #tpu.memory_space<hbm>>) dst(%dma_wait3A_265 : memref<128x128xf32, #tpu.memory_space<vmem>>)
      %run_scoped3A_272 = arith.constant 1 : i32
      %run_scoped3A_273 = arith.constant 7 : i32
      "tpu.region"() ({
        %run_scoped3A_383 = tpu.sem_alloc : memref<!tpu.dma_semaphore, #tpu.memory_space<semaphore_mem>>
        %dma_start3A_384 = arith.constant 0 : i32
        %dma_start3A_385 = arith.constant 0 : i32
        %dma_start3A_386 = tpu.memref_slice %arg9[%run_scoped3A_272, %dma_start3A_384, %dma_start3A_385] : memref<2x128x128xf32, #tpu.memory_space<vmem>> -> memref<1x128x128xf32, #tpu.memory_space<vmem>>
        %dma_start3A_387 = tpu.memref_squeeze %dma_start3A_386 : memref<1x128x128xf32, #tpu.memory_space<vmem>> -> memref<128x128xf32, #tpu.memory_space<vmem>>
        %dma_start3A_388 = arith.constant 0 : i32
        %dma_start3A_389 = tpu.memref_slice %arg8[%rem3A_74, %run_scoped3A_273, %dma_start3A_388] : memref<2x12x128xi32, #tpu.memory_space<vmem>> -> memref<1x1x128xi32, #tpu.memory_space<vmem>>
        %dma_start3A_390 = tpu.memref_squeeze %dma_start3A_389 : memref<1x1x128xi32, #tpu.memory_space<vmem>> -> memref<128xi32, #tpu.memory_space<vmem>>
        %dma_start3A_391 = arith.constant 0 : i32
        %dma_start3A_392 = arith.constant 0 : i32
        %dma_start3A_393 = tpu.memref_slice %arg10[%dma_start3A_391, %dma_start3A_392] : memref<10240x128xf32, #tpu.memory_space<vmem_shared>> -> memref<10240x128xf32, #tpu.memory_space<vmem_shared>>
        tpu.enqueue_indirect_dma source(%dma_start3A_387 : memref<128x128xf32, #tpu.memory_space<vmem>>) target(%dma_start3A_393 : memref<10240x128xf32, #tpu.memory_space<vmem_shared>>) offsets(%dma_start3A_390 : memref<128xi32, #tpu.memory_space<vmem>>) semaphore(%run_scoped3A_383 : memref<!tpu.dma_semaphore, #tpu.memory_space<semaphore_mem>>) {add = true}
        %dma_wait3A_394 = arith.constant 0 : i32
        %dma_wait3A_395 = arith.constant 0 : i32
        %dma_wait3A_396 = tpu.memref_slice %arg9[%run_scoped3A_272, %dma_wait3A_394, %dma_wait3A_395] : memref<2x128x128xf32, #tpu.memory_space<vmem>> -> memref<1x128x128xf32, #tpu.memory_space<vmem>>
        %dma_wait3A_397 = tpu.memref_squeeze %dma_wait3A_396 : memref<1x128x128xf32, #tpu.memory_space<vmem>> -> memref<128x128xf32, #tpu.memory_space<vmem>>
        %dma_wait3A_398 = arith.constant 0 : i32
        %dma_wait3A_399 = tpu.memref_slice %arg8[%rem3A_74, %run_scoped3A_273, %dma_wait3A_398] : memref<2x12x128xi32, #tpu.memory_space<vmem>> -> memref<1x1x128xi32, #tpu.memory_space<vmem>>
        %dma_wait3A_400 = tpu.memref_squeeze %dma_wait3A_399 : memref<1x1x128xi32, #tpu.memory_space<vmem>> -> memref<128xi32, #tpu.memory_space<vmem>>
        %dma_wait3A_401 = arith.constant 0 : i32
        %dma_wait3A_402 = arith.constant 0 : i32
        %dma_wait3A_403 = tpu.memref_slice %arg10[%dma_wait3A_401, %dma_wait3A_402] : memref<10240x128xf32, #tpu.memory_space<vmem_shared>> -> memref<10240x128xf32, #tpu.memory_space<vmem_shared>>
        tpu.wait_indirect_dma semaphore(%run_scoped3A_383 : memref<!tpu.dma_semaphore, #tpu.memory_space<semaphore_mem>>) src(%dma_wait3A_397 : memref<128x128xf32, #tpu.memory_space<vmem>>) dst(%dma_wait3A_403 : memref<10240x128xf32, #tpu.memory_space<vmem_shared>>)
        tpu.yield
      }) : () -> ()
      %dma_start3A_274 = arith.constant 9 : i32
      %dma_start3A_275 = arith.constant 1 : i32
      %dma_start3A_276 = arith.constant 0 : i32
      %dma_start3A_277 = arith.constant 0 : i32
      %dma_start3A_278 = tpu.memref_slice %arg9[%dma_start3A_275, %dma_start3A_276, %dma_start3A_277] : memref<2x128x128xf32, #tpu.memory_space<vmem>> -> memref<1x128x128xf32, #tpu.memory_space<vmem>>
      %dma_start3A_279 = tpu.memref_squeeze %dma_start3A_278 : memref<1x128x128xf32, #tpu.memory_space<vmem>> -> memref<128x128xf32, #tpu.memory_space<vmem>>
      %dma_start3A_280 = arith.constant 0 : i32
      %dma_start3A_281 = tpu.memref_slice %arg7[%rem3A_74, %dma_start3A_274, %dma_start3A_280] : memref<2x12x128xi32, #tpu.memory_space<vmem>> -> memref<1x1x128xi32, #tpu.memory_space<vmem>>
      %dma_start3A_282 = tpu.memref_squeeze %dma_start3A_281 : memref<1x1x128xi32, #tpu.memory_space<vmem>> -> memref<128xi32, #tpu.memory_space<vmem>>
      %dma_start3A_283 = arith.constant 0 : i32
      %dma_start3A_284 = arith.constant 0 : i32
      %dma_start3A_285 = tpu.memref_slice %arg2[%dma_start3A_283, %dma_start3A_284] : memref<10240x128xf32, #tpu.memory_space<hbm>> -> memref<10240x128xf32, #tpu.memory_space<hbm>>
      tpu.enqueue_indirect_dma source(%dma_start3A_285 : memref<10240x128xf32, #tpu.memory_space<hbm>>) target(%dma_start3A_279 : memref<128x128xf32, #tpu.memory_space<vmem>>) offsets(%dma_start3A_282 : memref<128xi32, #tpu.memory_space<vmem>>) semaphore(%arg12 : memref<!tpu.dma_semaphore, #tpu.memory_space<semaphore_mem>>)
      %dma_wait3A_286 = arith.constant 8 : i32
      %dma_wait3A_287 = arith.constant 0 : i32
      %dma_wait3A_288 = arith.constant 0 : i32
      %dma_wait3A_289 = arith.constant 0 : i32
      %dma_wait3A_290 = tpu.memref_slice %arg9[%dma_wait3A_287, %dma_wait3A_288, %dma_wait3A_289] : memref<2x128x128xf32, #tpu.memory_space<vmem>> -> memref<1x128x128xf32, #tpu.memory_space<vmem>>
      %dma_wait3A_291 = tpu.memref_squeeze %dma_wait3A_290 : memref<1x128x128xf32, #tpu.memory_space<vmem>> -> memref<128x128xf32, #tpu.memory_space<vmem>>
      %dma_wait3A_292 = arith.constant 0 : i32
      %dma_wait3A_293 = tpu.memref_slice %arg7[%rem3A_74, %dma_wait3A_286, %dma_wait3A_292] : memref<2x12x128xi32, #tpu.memory_space<vmem>> -> memref<1x1x128xi32, #tpu.memory_space<vmem>>
      %dma_wait3A_294 = tpu.memref_squeeze %dma_wait3A_293 : memref<1x1x128xi32, #tpu.memory_space<vmem>> -> memref<128xi32, #tpu.memory_space<vmem>>
      %dma_wait3A_295 = arith.constant 0 : i32
      %dma_wait3A_296 = arith.constant 0 : i32
      %dma_wait3A_297 = tpu.memref_slice %arg2[%dma_wait3A_295, %dma_wait3A_296] : memref<10240x128xf32, #tpu.memory_space<hbm>> -> memref<10240x128xf32, #tpu.memory_space<hbm>>
      tpu.wait_indirect_dma semaphore(%arg11 : memref<!tpu.dma_semaphore, #tpu.memory_space<semaphore_mem>>) src(%dma_wait3A_297 : memref<10240x128xf32, #tpu.memory_space<hbm>>) dst(%dma_wait3A_291 : memref<128x128xf32, #tpu.memory_space<vmem>>)
      %run_scoped3A_298 = arith.constant 0 : i32
      %run_scoped3A_299 = arith.constant 8 : i32
      "tpu.region"() ({
        %run_scoped3A_383 = tpu.sem_alloc : memref<!tpu.dma_semaphore, #tpu.memory_space<semaphore_mem>>
        %dma_start3A_384 = arith.constant 0 : i32
        %dma_start3A_385 = arith.constant 0 : i32
        %dma_start3A_386 = tpu.memref_slice %arg9[%run_scoped3A_298, %dma_start3A_384, %dma_start3A_385] : memref<2x128x128xf32, #tpu.memory_space<vmem>> -> memref<1x128x128xf32, #tpu.memory_space<vmem>>
        %dma_start3A_387 = tpu.memref_squeeze %dma_start3A_386 : memref<1x128x128xf32, #tpu.memory_space<vmem>> -> memref<128x128xf32, #tpu.memory_space<vmem>>
        %dma_start3A_388 = arith.constant 0 : i32
        %dma_start3A_389 = tpu.memref_slice %arg8[%rem3A_74, %run_scoped3A_299, %dma_start3A_388] : memref<2x12x128xi32, #tpu.memory_space<vmem>> -> memref<1x1x128xi32, #tpu.memory_space<vmem>>
        %dma_start3A_390 = tpu.memref_squeeze %dma_start3A_389 : memref<1x1x128xi32, #tpu.memory_space<vmem>> -> memref<128xi32, #tpu.memory_space<vmem>>
        %dma_start3A_391 = arith.constant 0 : i32
        %dma_start3A_392 = arith.constant 0 : i32
        %dma_start3A_393 = tpu.memref_slice %arg10[%dma_start3A_391, %dma_start3A_392] : memref<10240x128xf32, #tpu.memory_space<vmem_shared>> -> memref<10240x128xf32, #tpu.memory_space<vmem_shared>>
        tpu.enqueue_indirect_dma source(%dma_start3A_387 : memref<128x128xf32, #tpu.memory_space<vmem>>) target(%dma_start3A_393 : memref<10240x128xf32, #tpu.memory_space<vmem_shared>>) offsets(%dma_start3A_390 : memref<128xi32, #tpu.memory_space<vmem>>) semaphore(%run_scoped3A_383 : memref<!tpu.dma_semaphore, #tpu.memory_space<semaphore_mem>>) {add = true}
        %dma_wait3A_394 = arith.constant 0 : i32
        %dma_wait3A_395 = arith.constant 0 : i32
        %dma_wait3A_396 = tpu.memref_slice %arg9[%run_scoped3A_298, %dma_wait3A_394, %dma_wait3A_395] : memref<2x128x128xf32, #tpu.memory_space<vmem>> -> memref<1x128x128xf32, #tpu.memory_space<vmem>>
        %dma_wait3A_397 = tpu.memref_squeeze %dma_wait3A_396 : memref<1x128x128xf32, #tpu.memory_space<vmem>> -> memref<128x128xf32, #tpu.memory_space<vmem>>
        %dma_wait3A_398 = arith.constant 0 : i32
        %dma_wait3A_399 = tpu.memref_slice %arg8[%rem3A_74, %run_scoped3A_299, %dma_wait3A_398] : memref<2x12x128xi32, #tpu.memory_space<vmem>> -> memref<1x1x128xi32, #tpu.memory_space<vmem>>
        %dma_wait3A_400 = tpu.memref_squeeze %dma_wait3A_399 : memref<1x1x128xi32, #tpu.memory_space<vmem>> -> memref<128xi32, #tpu.memory_space<vmem>>
        %dma_wait3A_401 = arith.constant 0 : i32
        %dma_wait3A_402 = arith.constant 0 : i32
        %dma_wait3A_403 = tpu.memref_slice %arg10[%dma_wait3A_401, %dma_wait3A_402] : memref<10240x128xf32, #tpu.memory_space<vmem_shared>> -> memref<10240x128xf32, #tpu.memory_space<vmem_shared>>
        tpu.wait_indirect_dma semaphore(%run_scoped3A_383 : memref<!tpu.dma_semaphore, #tpu.memory_space<semaphore_mem>>) src(%dma_wait3A_397 : memref<128x128xf32, #tpu.memory_space<vmem>>) dst(%dma_wait3A_403 : memref<10240x128xf32, #tpu.memory_space<vmem_shared>>)
        tpu.yield
      }) : () -> ()
      %dma_start3A_300 = arith.constant 10 : i32
      %dma_start3A_301 = arith.constant 0 : i32
      %dma_start3A_302 = arith.constant 0 : i32
      %dma_start3A_303 = arith.constant 0 : i32
      %dma_start3A_304 = tpu.memref_slice %arg9[%dma_start3A_301, %dma_start3A_302, %dma_start3A_303] : memref<2x128x128xf32, #tpu.memory_space<vmem>> -> memref<1x128x128xf32, #tpu.memory_space<vmem>>
      %dma_start3A_305 = tpu.memref_squeeze %dma_start3A_304 : memref<1x128x128xf32, #tpu.memory_space<vmem>> -> memref<128x128xf32, #tpu.memory_space<vmem>>
      %dma_start3A_306 = arith.constant 0 : i32
      %dma_start3A_307 = tpu.memref_slice %arg7[%rem3A_74, %dma_start3A_300, %dma_start3A_306] : memref<2x12x128xi32, #tpu.memory_space<vmem>> -> memref<1x1x128xi32, #tpu.memory_space<vmem>>
      %dma_start3A_308 = tpu.memref_squeeze %dma_start3A_307 : memref<1x1x128xi32, #tpu.memory_space<vmem>> -> memref<128xi32, #tpu.memory_space<vmem>>
      %dma_start3A_309 = arith.constant 0 : i32
      %dma_start3A_310 = arith.constant 0 : i32
      %dma_start3A_311 = tpu.memref_slice %arg2[%dma_start3A_309, %dma_start3A_310] : memref<10240x128xf32, #tpu.memory_space<hbm>> -> memref<10240x128xf32, #tpu.memory_space<hbm>>
      tpu.enqueue_indirect_dma source(%dma_start3A_311 : memref<10240x128xf32, #tpu.memory_space<hbm>>) target(%dma_start3A_305 : memref<128x128xf32, #tpu.memory_space<vmem>>) offsets(%dma_start3A_308 : memref<128xi32, #tpu.memory_space<vmem>>) semaphore(%arg11 : memref<!tpu.dma_semaphore, #tpu.memory_space<semaphore_mem>>)
      %dma_wait3A_312 = arith.constant 9 : i32
      %dma_wait3A_313 = arith.constant 1 : i32
      %dma_wait3A_314 = arith.constant 0 : i32
      %dma_wait3A_315 = arith.constant 0 : i32
      %dma_wait3A_316 = tpu.memref_slice %arg9[%dma_wait3A_313, %dma_wait3A_314, %dma_wait3A_315] : memref<2x128x128xf32, #tpu.memory_space<vmem>> -> memref<1x128x128xf32, #tpu.memory_space<vmem>>
      %dma_wait3A_317 = tpu.memref_squeeze %dma_wait3A_316 : memref<1x128x128xf32, #tpu.memory_space<vmem>> -> memref<128x128xf32, #tpu.memory_space<vmem>>
      %dma_wait3A_318 = arith.constant 0 : i32
      %dma_wait3A_319 = tpu.memref_slice %arg7[%rem3A_74, %dma_wait3A_312, %dma_wait3A_318] : memref<2x12x128xi32, #tpu.memory_space<vmem>> -> memref<1x1x128xi32, #tpu.memory_space<vmem>>
      %dma_wait3A_320 = tpu.memref_squeeze %dma_wait3A_319 : memref<1x1x128xi32, #tpu.memory_space<vmem>> -> memref<128xi32, #tpu.memory_space<vmem>>
      %dma_wait3A_321 = arith.constant 0 : i32
      %dma_wait3A_322 = arith.constant 0 : i32
      %dma_wait3A_323 = tpu.memref_slice %arg2[%dma_wait3A_321, %dma_wait3A_322] : memref<10240x128xf32, #tpu.memory_space<hbm>> -> memref<10240x128xf32, #tpu.memory_space<hbm>>
      tpu.wait_indirect_dma semaphore(%arg12 : memref<!tpu.dma_semaphore, #tpu.memory_space<semaphore_mem>>) src(%dma_wait3A_323 : memref<10240x128xf32, #tpu.memory_space<hbm>>) dst(%dma_wait3A_317 : memref<128x128xf32, #tpu.memory_space<vmem>>)
      %run_scoped3A_324 = arith.constant 1 : i32
      %run_scoped3A_325 = arith.constant 9 : i32
      "tpu.region"() ({
        %run_scoped3A_383 = tpu.sem_alloc : memref<!tpu.dma_semaphore, #tpu.memory_space<semaphore_mem>>
        %dma_start3A_384 = arith.constant 0 : i32
        %dma_start3A_385 = arith.constant 0 : i32
        %dma_start3A_386 = tpu.memref_slice %arg9[%run_scoped3A_324, %dma_start3A_384, %dma_start3A_385] : memref<2x128x128xf32, #tpu.memory_space<vmem>> -> memref<1x128x128xf32, #tpu.memory_space<vmem>>
        %dma_start3A_387 = tpu.memref_squeeze %dma_start3A_386 : memref<1x128x128xf32, #tpu.memory_space<vmem>> -> memref<128x128xf32, #tpu.memory_space<vmem>>
        %dma_start3A_388 = arith.constant 0 : i32
        %dma_start3A_389 = tpu.memref_slice %arg8[%rem3A_74, %run_scoped3A_325, %dma_start3A_388] : memref<2x12x128xi32, #tpu.memory_space<vmem>> -> memref<1x1x128xi32, #tpu.memory_space<vmem>>
        %dma_start3A_390 = tpu.memref_squeeze %dma_start3A_389 : memref<1x1x128xi32, #tpu.memory_space<vmem>> -> memref<128xi32, #tpu.memory_space<vmem>>
        %dma_start3A_391 = arith.constant 0 : i32
        %dma_start3A_392 = arith.constant 0 : i32
        %dma_start3A_393 = tpu.memref_slice %arg10[%dma_start3A_391, %dma_start3A_392] : memref<10240x128xf32, #tpu.memory_space<vmem_shared>> -> memref<10240x128xf32, #tpu.memory_space<vmem_shared>>
        tpu.enqueue_indirect_dma source(%dma_start3A_387 : memref<128x128xf32, #tpu.memory_space<vmem>>) target(%dma_start3A_393 : memref<10240x128xf32, #tpu.memory_space<vmem_shared>>) offsets(%dma_start3A_390 : memref<128xi32, #tpu.memory_space<vmem>>) semaphore(%run_scoped3A_383 : memref<!tpu.dma_semaphore, #tpu.memory_space<semaphore_mem>>) {add = true}
        %dma_wait3A_394 = arith.constant 0 : i32
        %dma_wait3A_395 = arith.constant 0 : i32
        %dma_wait3A_396 = tpu.memref_slice %arg9[%run_scoped3A_324, %dma_wait3A_394, %dma_wait3A_395] : memref<2x128x128xf32, #tpu.memory_space<vmem>> -> memref<1x128x128xf32, #tpu.memory_space<vmem>>
        %dma_wait3A_397 = tpu.memref_squeeze %dma_wait3A_396 : memref<1x128x128xf32, #tpu.memory_space<vmem>> -> memref<128x128xf32, #tpu.memory_space<vmem>>
        %dma_wait3A_398 = arith.constant 0 : i32
        %dma_wait3A_399 = tpu.memref_slice %arg8[%rem3A_74, %run_scoped3A_325, %dma_wait3A_398] : memref<2x12x128xi32, #tpu.memory_space<vmem>> -> memref<1x1x128xi32, #tpu.memory_space<vmem>>
        %dma_wait3A_400 = tpu.memref_squeeze %dma_wait3A_399 : memref<1x1x128xi32, #tpu.memory_space<vmem>> -> memref<128xi32, #tpu.memory_space<vmem>>
        %dma_wait3A_401 = arith.constant 0 : i32
        %dma_wait3A_402 = arith.constant 0 : i32
        %dma_wait3A_403 = tpu.memref_slice %arg10[%dma_wait3A_401, %dma_wait3A_402] : memref<10240x128xf32, #tpu.memory_space<vmem_shared>> -> memref<10240x128xf32, #tpu.memory_space<vmem_shared>>
        tpu.wait_indirect_dma semaphore(%run_scoped3A_383 : memref<!tpu.dma_semaphore, #tpu.memory_space<semaphore_mem>>) src(%dma_wait3A_397 : memref<128x128xf32, #tpu.memory_space<vmem>>) dst(%dma_wait3A_403 : memref<10240x128xf32, #tpu.memory_space<vmem_shared>>)
        tpu.yield
      }) : () -> ()
      %dma_start3A_326 = arith.constant 11 : i32
      %dma_start3A_327 = arith.constant 1 : i32
      %dma_start3A_328 = arith.constant 0 : i32
      %dma_start3A_329 = arith.constant 0 : i32
      %dma_start3A_330 = tpu.memref_slice %arg9[%dma_start3A_327, %dma_start3A_328, %dma_start3A_329] : memref<2x128x128xf32, #tpu.memory_space<vmem>> -> memref<1x128x128xf32, #tpu.memory_space<vmem>>
      %dma_start3A_331 = tpu.memref_squeeze %dma_start3A_330 : memref<1x128x128xf32, #tpu.memory_space<vmem>> -> memref<128x128xf32, #tpu.memory_space<vmem>>
      %dma_start3A_332 = arith.constant 0 : i32
      %dma_start3A_333 = tpu.memref_slice %arg7[%rem3A_74, %dma_start3A_326, %dma_start3A_332] : memref<2x12x128xi32, #tpu.memory_space<vmem>> -> memref<1x1x128xi32, #tpu.memory_space<vmem>>
      %dma_start3A_334 = tpu.memref_squeeze %dma_start3A_333 : memref<1x1x128xi32, #tpu.memory_space<vmem>> -> memref<128xi32, #tpu.memory_space<vmem>>
      %dma_start3A_335 = arith.constant 0 : i32
      %dma_start3A_336 = arith.constant 0 : i32
      %dma_start3A_337 = tpu.memref_slice %arg2[%dma_start3A_335, %dma_start3A_336] : memref<10240x128xf32, #tpu.memory_space<hbm>> -> memref<10240x128xf32, #tpu.memory_space<hbm>>
      tpu.enqueue_indirect_dma source(%dma_start3A_337 : memref<10240x128xf32, #tpu.memory_space<hbm>>) target(%dma_start3A_331 : memref<128x128xf32, #tpu.memory_space<vmem>>) offsets(%dma_start3A_334 : memref<128xi32, #tpu.memory_space<vmem>>) semaphore(%arg12 : memref<!tpu.dma_semaphore, #tpu.memory_space<semaphore_mem>>)
      %lt3A = arith.constant 6 : i32
      %lt3A_338 = arith.cmpi slt, %scan3A_73, %lt3A : i32
      %convert_element_type3A = arith.extui %lt3A_338 : i1 to i32
      %cond3A = arith.constant 0 : i32
      %cond3A_339 = arith.cmpi ne, %convert_element_type3A, %cond3A : i32
      scf.if %cond3A_339 {
        %add3A_383 = arith.constant 1 : i32
        %add3A_384 = arith.addi %scan3A_73, %add3A_383 : i32
        %dma_wait3A_385 = arith.constant 0 : i32
        %dma_wait3A_386 = arith.constant 0 : i32
        %dma_wait3A_387 = tpu.memref_slice %arg7[%rem3A_78, %dma_wait3A_385, %dma_wait3A_386] : memref<2x12x128xi32, #tpu.memory_space<vmem>> -> memref<1x12x128xi32, #tpu.memory_space<vmem>>
        %dma_wait3A_388 = tpu.memref_squeeze %dma_wait3A_387 : memref<1x12x128xi32, #tpu.memory_space<vmem>> -> memref<12x128xi32, #tpu.memory_space<vmem>>
        %dma_wait3A_389 = arith.constant 0 : i32
        %dma_wait3A_390 = arith.constant 0 : i32
        %dma_wait3A_391 = tpu.memref_slice %arg3[%add3A, %add3A_384, %dma_wait3A_389, %dma_wait3A_390] : memref<32x7x12x128xi32, #tpu.memory_space<hbm>> -> memref<1x1x12x128xi32, #tpu.memory_space<hbm>>
        %dma_wait3A_392 = tpu.memref_squeeze %dma_wait3A_391 : memref<1x1x12x128xi32, #tpu.memory_space<hbm>> -> memref<12x128xi32, #tpu.memory_space<hbm>>
        %dma_wait3A_393 = arith.constant 0 : i32
        %dma_wait3A_394 = arith.constant 0 : i32
        %dma_wait3A_395 = tpu.memref_slice %arg7[%rem3A_78, %dma_wait3A_393, %dma_wait3A_394] : memref<2x12x128xi32, #tpu.memory_space<vmem>> -> memref<1x12x128xi32, #tpu.memory_space<vmem>>
        %dma_wait3A_396 = tpu.memref_squeeze %dma_wait3A_395 : memref<1x12x128xi32, #tpu.memory_space<vmem>> -> memref<12x128xi32, #tpu.memory_space<vmem>>
        %dma_wait3A_397 = arith.constant 0 : i32
        %dma_wait3A_398 = arith.constant 0 : i32
        %dma_wait3A_399 = tpu.memref_slice %arg3[%add3A, %add3A_384, %dma_wait3A_397, %dma_wait3A_398] : memref<32x7x12x128xi32, #tpu.memory_space<hbm>> -> memref<1x1x12x128xi32, #tpu.memory_space<hbm>>
        %dma_wait3A_400 = tpu.memref_squeeze %dma_wait3A_399 : memref<1x1x12x128xi32, #tpu.memory_space<hbm>> -> memref<12x128xi32, #tpu.memory_space<hbm>>
        tpu.wait_dma2 semaphore(%arg13 : memref<!tpu.dma_semaphore, #tpu.memory_space<semaphore_mem>>) src(%dma_wait3A_400 : memref<12x128xi32, #tpu.memory_space<hbm>>) dst(%dma_wait3A_396 : memref<12x128xi32, #tpu.memory_space<vmem>>)
        %dma_wait3A_401 = arith.constant 0 : i32
        %dma_wait3A_402 = arith.constant 0 : i32
        %dma_wait3A_403 = tpu.memref_slice %arg8[%rem3A_78, %dma_wait3A_401, %dma_wait3A_402] : memref<2x12x128xi32, #tpu.memory_space<vmem>> -> memref<1x12x128xi32, #tpu.memory_space<vmem>>
        %dma_wait3A_404 = tpu.memref_squeeze %dma_wait3A_403 : memref<1x12x128xi32, #tpu.memory_space<vmem>> -> memref<12x128xi32, #tpu.memory_space<vmem>>
        %dma_wait3A_405 = arith.constant 0 : i32
        %dma_wait3A_406 = arith.constant 0 : i32
        %dma_wait3A_407 = tpu.memref_slice %arg4[%add3A, %add3A_384, %dma_wait3A_405, %dma_wait3A_406] : memref<32x7x12x128xi32, #tpu.memory_space<hbm>> -> memref<1x1x12x128xi32, #tpu.memory_space<hbm>>
        %dma_wait3A_408 = tpu.memref_squeeze %dma_wait3A_407 : memref<1x1x12x128xi32, #tpu.memory_space<hbm>> -> memref<12x128xi32, #tpu.memory_space<hbm>>
        %dma_wait3A_409 = arith.constant 0 : i32
        %dma_wait3A_410 = arith.constant 0 : i32
        %dma_wait3A_411 = tpu.memref_slice %arg8[%rem3A_78, %dma_wait3A_409, %dma_wait3A_410] : memref<2x12x128xi32, #tpu.memory_space<vmem>> -> memref<1x12x128xi32, #tpu.memory_space<vmem>>
        %dma_wait3A_412 = tpu.memref_squeeze %dma_wait3A_411 : memref<1x12x128xi32, #tpu.memory_space<vmem>> -> memref<12x128xi32, #tpu.memory_space<vmem>>
        %dma_wait3A_413 = arith.constant 0 : i32
        %dma_wait3A_414 = arith.constant 0 : i32
        %dma_wait3A_415 = tpu.memref_slice %arg4[%add3A, %add3A_384, %dma_wait3A_413, %dma_wait3A_414] : memref<32x7x12x128xi32, #tpu.memory_space<hbm>> -> memref<1x1x12x128xi32, #tpu.memory_space<hbm>>
        %dma_wait3A_416 = tpu.memref_squeeze %dma_wait3A_415 : memref<1x1x12x128xi32, #tpu.memory_space<hbm>> -> memref<12x128xi32, #tpu.memory_space<hbm>>
        tpu.wait_dma2 semaphore(%arg14 : memref<!tpu.dma_semaphore, #tpu.memory_space<semaphore_mem>>) src(%dma_wait3A_416 : memref<12x128xi32, #tpu.memory_space<hbm>>) dst(%dma_wait3A_412 : memref<12x128xi32, #tpu.memory_space<vmem>>)
      } else {
      }
      %dma_wait3A_340 = arith.constant 10 : i32
      %dma_wait3A_341 = arith.constant 0 : i32
      %dma_wait3A_342 = arith.constant 0 : i32
      %dma_wait3A_343 = arith.constant 0 : i32
      %dma_wait3A_344 = tpu.memref_slice %arg9[%dma_wait3A_341, %dma_wait3A_342, %dma_wait3A_343] : memref<2x128x128xf32, #tpu.memory_space<vmem>> -> memref<1x128x128xf32, #tpu.memory_space<vmem>>
      %dma_wait3A_345 = tpu.memref_squeeze %dma_wait3A_344 : memref<1x128x128xf32, #tpu.memory_space<vmem>> -> memref<128x128xf32, #tpu.memory_space<vmem>>
      %dma_wait3A_346 = arith.constant 0 : i32
      %dma_wait3A_347 = tpu.memref_slice %arg7[%rem3A_74, %dma_wait3A_340, %dma_wait3A_346] : memref<2x12x128xi32, #tpu.memory_space<vmem>> -> memref<1x1x128xi32, #tpu.memory_space<vmem>>
      %dma_wait3A_348 = tpu.memref_squeeze %dma_wait3A_347 : memref<1x1x128xi32, #tpu.memory_space<vmem>> -> memref<128xi32, #tpu.memory_space<vmem>>
      %dma_wait3A_349 = arith.constant 0 : i32
      %dma_wait3A_350 = arith.constant 0 : i32
      %dma_wait3A_351 = tpu.memref_slice %arg2[%dma_wait3A_349, %dma_wait3A_350] : memref<10240x128xf32, #tpu.memory_space<hbm>> -> memref<10240x128xf32, #tpu.memory_space<hbm>>
      tpu.wait_indirect_dma semaphore(%arg11 : memref<!tpu.dma_semaphore, #tpu.memory_space<semaphore_mem>>) src(%dma_wait3A_351 : memref<10240x128xf32, #tpu.memory_space<hbm>>) dst(%dma_wait3A_345 : memref<128x128xf32, #tpu.memory_space<vmem>>)
      %run_scoped3A_352 = arith.constant 0 : i32
      %run_scoped3A_353 = arith.constant 10 : i32
      "tpu.region"() ({
        %run_scoped3A_383 = tpu.sem_alloc : memref<!tpu.dma_semaphore, #tpu.memory_space<semaphore_mem>>
        %dma_start3A_384 = arith.constant 0 : i32
        %dma_start3A_385 = arith.constant 0 : i32
        %dma_start3A_386 = tpu.memref_slice %arg9[%run_scoped3A_352, %dma_start3A_384, %dma_start3A_385] : memref<2x128x128xf32, #tpu.memory_space<vmem>> -> memref<1x128x128xf32, #tpu.memory_space<vmem>>
        %dma_start3A_387 = tpu.memref_squeeze %dma_start3A_386 : memref<1x128x128xf32, #tpu.memory_space<vmem>> -> memref<128x128xf32, #tpu.memory_space<vmem>>
        %dma_start3A_388 = arith.constant 0 : i32
        %dma_start3A_389 = tpu.memref_slice %arg8[%rem3A_74, %run_scoped3A_353, %dma_start3A_388] : memref<2x12x128xi32, #tpu.memory_space<vmem>> -> memref<1x1x128xi32, #tpu.memory_space<vmem>>
        %dma_start3A_390 = tpu.memref_squeeze %dma_start3A_389 : memref<1x1x128xi32, #tpu.memory_space<vmem>> -> memref<128xi32, #tpu.memory_space<vmem>>
        %dma_start3A_391 = arith.constant 0 : i32
        %dma_start3A_392 = arith.constant 0 : i32
        %dma_start3A_393 = tpu.memref_slice %arg10[%dma_start3A_391, %dma_start3A_392] : memref<10240x128xf32, #tpu.memory_space<vmem_shared>> -> memref<10240x128xf32, #tpu.memory_space<vmem_shared>>
        tpu.enqueue_indirect_dma source(%dma_start3A_387 : memref<128x128xf32, #tpu.memory_space<vmem>>) target(%dma_start3A_393 : memref<10240x128xf32, #tpu.memory_space<vmem_shared>>) offsets(%dma_start3A_390 : memref<128xi32, #tpu.memory_space<vmem>>) semaphore(%run_scoped3A_383 : memref<!tpu.dma_semaphore, #tpu.memory_space<semaphore_mem>>) {add = true}
        %dma_wait3A_394 = arith.constant 0 : i32
        %dma_wait3A_395 = arith.constant 0 : i32
        %dma_wait3A_396 = tpu.memref_slice %arg9[%run_scoped3A_352, %dma_wait3A_394, %dma_wait3A_395] : memref<2x128x128xf32, #tpu.memory_space<vmem>> -> memref<1x128x128xf32, #tpu.memory_space<vmem>>
        %dma_wait3A_397 = tpu.memref_squeeze %dma_wait3A_396 : memref<1x128x128xf32, #tpu.memory_space<vmem>> -> memref<128x128xf32, #tpu.memory_space<vmem>>
        %dma_wait3A_398 = arith.constant 0 : i32
        %dma_wait3A_399 = tpu.memref_slice %arg8[%rem3A_74, %run_scoped3A_353, %dma_wait3A_398] : memref<2x12x128xi32, #tpu.memory_space<vmem>> -> memref<1x1x128xi32, #tpu.memory_space<vmem>>
        %dma_wait3A_400 = tpu.memref_squeeze %dma_wait3A_399 : memref<1x1x128xi32, #tpu.memory_space<vmem>> -> memref<128xi32, #tpu.memory_space<vmem>>
        %dma_wait3A_401 = arith.constant 0 : i32
        %dma_wait3A_402 = arith.constant 0 : i32
        %dma_wait3A_403 = tpu.memref_slice %arg10[%dma_wait3A_401, %dma_wait3A_402] : memref<10240x128xf32, #tpu.memory_space<vmem_shared>> -> memref<10240x128xf32, #tpu.memory_space<vmem_shared>>
        tpu.wait_indirect_dma semaphore(%run_scoped3A_383 : memref<!tpu.dma_semaphore, #tpu.memory_space<semaphore_mem>>) src(%dma_wait3A_397 : memref<128x128xf32, #tpu.memory_space<vmem>>) dst(%dma_wait3A_403 : memref<10240x128xf32, #tpu.memory_space<vmem_shared>>)
        tpu.yield
      }) : () -> ()
      %lt3A_354 = arith.constant 6 : i32
      %lt3A_355 = arith.cmpi slt, %scan3A_73, %lt3A_354 : i32
      %convert_element_type3A_356 = arith.extui %lt3A_355 : i1 to i32
      %cond3A_357 = arith.constant 0 : i32
      %cond3A_358 = arith.cmpi ne, %convert_element_type3A_356, %cond3A_357 : i32
      scf.if %cond3A_358 {
        %dma_start3A_383 = arith.constant 0 : i32
        %dma_start3A_384 = arith.constant 0 : i32
        %dma_start3A_385 = arith.constant 0 : i32
        %dma_start3A_386 = arith.constant 0 : i32
        %dma_start3A_387 = tpu.memref_slice %arg9[%dma_start3A_384, %dma_start3A_385, %dma_start3A_386] : memref<2x128x128xf32, #tpu.memory_space<vmem>> -> memref<1x128x128xf32, #tpu.memory_space<vmem>>
        %dma_start3A_388 = tpu.memref_squeeze %dma_start3A_387 : memref<1x128x128xf32, #tpu.memory_space<vmem>> -> memref<128x128xf32, #tpu.memory_space<vmem>>
        %dma_start3A_389 = arith.constant 0 : i32
        %dma_start3A_390 = tpu.memref_slice %arg7[%rem3A_78, %dma_start3A_383, %dma_start3A_389] : memref<2x12x128xi32, #tpu.memory_space<vmem>> -> memref<1x1x128xi32, #tpu.memory_space<vmem>>
        %dma_start3A_391 = tpu.memref_squeeze %dma_start3A_390 : memref<1x1x128xi32, #tpu.memory_space<vmem>> -> memref<128xi32, #tpu.memory_space<vmem>>
        %dma_start3A_392 = arith.constant 0 : i32
        %dma_start3A_393 = arith.constant 0 : i32
        %dma_start3A_394 = tpu.memref_slice %arg2[%dma_start3A_392, %dma_start3A_393] : memref<10240x128xf32, #tpu.memory_space<hbm>> -> memref<10240x128xf32, #tpu.memory_space<hbm>>
        tpu.enqueue_indirect_dma source(%dma_start3A_394 : memref<10240x128xf32, #tpu.memory_space<hbm>>) target(%dma_start3A_388 : memref<128x128xf32, #tpu.memory_space<vmem>>) offsets(%dma_start3A_391 : memref<128xi32, #tpu.memory_space<vmem>>) semaphore(%arg11 : memref<!tpu.dma_semaphore, #tpu.memory_space<semaphore_mem>>)
      } else {
      }
      %dma_wait3A_359 = arith.constant 11 : i32
      %dma_wait3A_360 = arith.constant 1 : i32
      %dma_wait3A_361 = arith.constant 0 : i32
      %dma_wait3A_362 = arith.constant 0 : i32
      %dma_wait3A_363 = tpu.memref_slice %arg9[%dma_wait3A_360, %dma_wait3A_361, %dma_wait3A_362] : memref<2x128x128xf32, #tpu.memory_space<vmem>> -> memref<1x128x128xf32, #tpu.memory_space<vmem>>
      %dma_wait3A_364 = tpu.memref_squeeze %dma_wait3A_363 : memref<1x128x128xf32, #tpu.memory_space<vmem>> -> memref<128x128xf32, #tpu.memory_space<vmem>>
      %dma_wait3A_365 = arith.constant 0 : i32
      %dma_wait3A_366 = tpu.memref_slice %arg7[%rem3A_74, %dma_wait3A_359, %dma_wait3A_365] : memref<2x12x128xi32, #tpu.memory_space<vmem>> -> memref<1x1x128xi32, #tpu.memory_space<vmem>>
      %dma_wait3A_367 = tpu.memref_squeeze %dma_wait3A_366 : memref<1x1x128xi32, #tpu.memory_space<vmem>> -> memref<128xi32, #tpu.memory_space<vmem>>
      %dma_wait3A_368 = arith.constant 0 : i32
      %dma_wait3A_369 = arith.constant 0 : i32
      %dma_wait3A_370 = tpu.memref_slice %arg2[%dma_wait3A_368, %dma_wait3A_369] : memref<10240x128xf32, #tpu.memory_space<hbm>> -> memref<10240x128xf32, #tpu.memory_space<hbm>>
      tpu.wait_indirect_dma semaphore(%arg12 : memref<!tpu.dma_semaphore, #tpu.memory_space<semaphore_mem>>) src(%dma_wait3A_370 : memref<10240x128xf32, #tpu.memory_space<hbm>>) dst(%dma_wait3A_364 : memref<128x128xf32, #tpu.memory_space<vmem>>)
      %run_scoped3A_371 = arith.constant 1 : i32
      %run_scoped3A_372 = arith.constant 11 : i32
      "tpu.region"() ({
        %run_scoped3A_383 = tpu.sem_alloc : memref<!tpu.dma_semaphore, #tpu.memory_space<semaphore_mem>>
        %dma_start3A_384 = arith.constant 0 : i32
        %dma_start3A_385 = arith.constant 0 : i32
        %dma_start3A_386 = tpu.memref_slice %arg9[%run_scoped3A_371, %dma_start3A_384, %dma_start3A_385] : memref<2x128x128xf32, #tpu.memory_space<vmem>> -> memref<1x128x128xf32, #tpu.memory_space<vmem>>
        %dma_start3A_387 = tpu.memref_squeeze %dma_start3A_386 : memref<1x128x128xf32, #tpu.memory_space<vmem>> -> memref<128x128xf32, #tpu.memory_space<vmem>>
        %dma_start3A_388 = arith.constant 0 : i32
        %dma_start3A_389 = tpu.memref_slice %arg8[%rem3A_74, %run_scoped3A_372, %dma_start3A_388] : memref<2x12x128xi32, #tpu.memory_space<vmem>> -> memref<1x1x128xi32, #tpu.memory_space<vmem>>
        %dma_start3A_390 = tpu.memref_squeeze %dma_start3A_389 : memref<1x1x128xi32, #tpu.memory_space<vmem>> -> memref<128xi32, #tpu.memory_space<vmem>>
        %dma_start3A_391 = arith.constant 0 : i32
        %dma_start3A_392 = arith.constant 0 : i32
        %dma_start3A_393 = tpu.memref_slice %arg10[%dma_start3A_391, %dma_start3A_392] : memref<10240x128xf32, #tpu.memory_space<vmem_shared>> -> memref<10240x128xf32, #tpu.memory_space<vmem_shared>>
        tpu.enqueue_indirect_dma source(%dma_start3A_387 : memref<128x128xf32, #tpu.memory_space<vmem>>) target(%dma_start3A_393 : memref<10240x128xf32, #tpu.memory_space<vmem_shared>>) offsets(%dma_start3A_390 : memref<128xi32, #tpu.memory_space<vmem>>) semaphore(%run_scoped3A_383 : memref<!tpu.dma_semaphore, #tpu.memory_space<semaphore_mem>>) {add = true}
        %dma_wait3A_394 = arith.constant 0 : i32
        %dma_wait3A_395 = arith.constant 0 : i32
        %dma_wait3A_396 = tpu.memref_slice %arg9[%run_scoped3A_371, %dma_wait3A_394, %dma_wait3A_395] : memref<2x128x128xf32, #tpu.memory_space<vmem>> -> memref<1x128x128xf32, #tpu.memory_space<vmem>>
        %dma_wait3A_397 = tpu.memref_squeeze %dma_wait3A_396 : memref<1x128x128xf32, #tpu.memory_space<vmem>> -> memref<128x128xf32, #tpu.memory_space<vmem>>
        %dma_wait3A_398 = arith.constant 0 : i32
        %dma_wait3A_399 = tpu.memref_slice %arg8[%rem3A_74, %run_scoped3A_372, %dma_wait3A_398] : memref<2x12x128xi32, #tpu.memory_space<vmem>> -> memref<1x1x128xi32, #tpu.memory_space<vmem>>
        %dma_wait3A_400 = tpu.memref_squeeze %dma_wait3A_399 : memref<1x1x128xi32, #tpu.memory_space<vmem>> -> memref<128xi32, #tpu.memory_space<vmem>>
        %dma_wait3A_401 = arith.constant 0 : i32
        %dma_wait3A_402 = arith.constant 0 : i32
        %dma_wait3A_403 = tpu.memref_slice %arg10[%dma_wait3A_401, %dma_wait3A_402] : memref<10240x128xf32, #tpu.memory_space<vmem_shared>> -> memref<10240x128xf32, #tpu.memory_space<vmem_shared>>
        tpu.wait_indirect_dma semaphore(%run_scoped3A_383 : memref<!tpu.dma_semaphore, #tpu.memory_space<semaphore_mem>>) src(%dma_wait3A_397 : memref<128x128xf32, #tpu.memory_space<vmem>>) dst(%dma_wait3A_403 : memref<10240x128xf32, #tpu.memory_space<vmem_shared>>)
        tpu.yield
      }) : () -> ()
      %lt3A_373 = arith.constant 6 : i32
      %lt3A_374 = arith.cmpi slt, %scan3A_73, %lt3A_373 : i32
      %convert_element_type3A_375 = arith.extui %lt3A_374 : i1 to i32
      %cond3A_376 = arith.constant 0 : i32
      %cond3A_377 = arith.cmpi ne, %convert_element_type3A_375, %cond3A_376 : i32
      scf.if %cond3A_377 {
        %dma_start3A_383 = arith.constant 1 : i32
        %dma_start3A_384 = arith.constant 1 : i32
        %dma_start3A_385 = arith.constant 0 : i32
        %dma_start3A_386 = arith.constant 0 : i32
        %dma_start3A_387 = tpu.memref_slice %arg9[%dma_start3A_384, %dma_start3A_385, %dma_start3A_386] : memref<2x128x128xf32, #tpu.memory_space<vmem>> -> memref<1x128x128xf32, #tpu.memory_space<vmem>>
        %dma_start3A_388 = tpu.memref_squeeze %dma_start3A_387 : memref<1x128x128xf32, #tpu.memory_space<vmem>> -> memref<128x128xf32, #tpu.memory_space<vmem>>
        %dma_start3A_389 = arith.constant 0 : i32
        %dma_start3A_390 = tpu.memref_slice %arg7[%rem3A_78, %dma_start3A_383, %dma_start3A_389] : memref<2x12x128xi32, #tpu.memory_space<vmem>> -> memref<1x1x128xi32, #tpu.memory_space<vmem>>
        %dma_start3A_391 = tpu.memref_squeeze %dma_start3A_390 : memref<1x1x128xi32, #tpu.memory_space<vmem>> -> memref<128xi32, #tpu.memory_space<vmem>>
        %dma_start3A_392 = arith.constant 0 : i32
        %dma_start3A_393 = arith.constant 0 : i32
        %dma_start3A_394 = tpu.memref_slice %arg2[%dma_start3A_392, %dma_start3A_393] : memref<10240x128xf32, #tpu.memory_space<hbm>> -> memref<10240x128xf32, #tpu.memory_space<hbm>>
        tpu.enqueue_indirect_dma source(%dma_start3A_394 : memref<10240x128xf32, #tpu.memory_space<hbm>>) target(%dma_start3A_388 : memref<128x128xf32, #tpu.memory_space<vmem>>) offsets(%dma_start3A_391 : memref<128xi32, #tpu.memory_space<vmem>>) semaphore(%arg12 : memref<!tpu.dma_semaphore, #tpu.memory_space<semaphore_mem>>)
      } else {
      }
      %lt3A_378 = arith.constant 5 : i32
      %lt3A_379 = arith.cmpi slt, %scan3A_73, %lt3A_378 : i32
      %convert_element_type3A_380 = arith.extui %lt3A_379 : i1 to i32
      %cond3A_381 = arith.constant 0 : i32
      %cond3A_382 = arith.cmpi ne, %convert_element_type3A_380, %cond3A_381 : i32
      scf.if %cond3A_382 {
        %add3A_383 = arith.constant 2 : i32
        %add3A_384 = arith.addi %scan3A_73, %add3A_383 : i32
        %dma_start3A_385 = arith.constant 0 : i32
        %dma_start3A_386 = arith.constant 0 : i32
        %dma_start3A_387 = tpu.memref_slice %arg7[%rem3A_74, %dma_start3A_385, %dma_start3A_386] : memref<2x12x128xi32, #tpu.memory_space<vmem>> -> memref<1x12x128xi32, #tpu.memory_space<vmem>>
        %dma_start3A_388 = tpu.memref_squeeze %dma_start3A_387 : memref<1x12x128xi32, #tpu.memory_space<vmem>> -> memref<12x128xi32, #tpu.memory_space<vmem>>
        %dma_start3A_389 = arith.constant 0 : i32
        %dma_start3A_390 = arith.constant 0 : i32
        %dma_start3A_391 = tpu.memref_slice %arg3[%add3A, %add3A_384, %dma_start3A_389, %dma_start3A_390] : memref<32x7x12x128xi32, #tpu.memory_space<hbm>> -> memref<1x1x12x128xi32, #tpu.memory_space<hbm>>
        %dma_start3A_392 = tpu.memref_squeeze %dma_start3A_391 : memref<1x1x12x128xi32, #tpu.memory_space<hbm>> -> memref<12x128xi32, #tpu.memory_space<hbm>>
        %dma_start3A_393 = arith.constant 0 : i32
        %dma_start3A_394 = arith.constant 0 : i32
        %dma_start3A_395 = tpu.memref_slice %arg7[%rem3A_74, %dma_start3A_393, %dma_start3A_394] : memref<2x12x128xi32, #tpu.memory_space<vmem>> -> memref<1x12x128xi32, #tpu.memory_space<vmem>>
        %dma_start3A_396 = tpu.memref_squeeze %dma_start3A_395 : memref<1x12x128xi32, #tpu.memory_space<vmem>> -> memref<12x128xi32, #tpu.memory_space<vmem>>
        %dma_start3A_397 = arith.constant 0 : i32
        %dma_start3A_398 = arith.constant 0 : i32
        %dma_start3A_399 = tpu.memref_slice %arg3[%add3A, %add3A_384, %dma_start3A_397, %dma_start3A_398] : memref<32x7x12x128xi32, #tpu.memory_space<hbm>> -> memref<1x1x12x128xi32, #tpu.memory_space<hbm>>
        %dma_start3A_400 = tpu.memref_squeeze %dma_start3A_399 : memref<1x1x12x128xi32, #tpu.memory_space<hbm>> -> memref<12x128xi32, #tpu.memory_space<hbm>>
        tpu.enqueue_dma source(%dma_start3A_400 : memref<12x128xi32, #tpu.memory_space<hbm>>) target(%dma_start3A_396 : memref<12x128xi32, #tpu.memory_space<vmem>>) target_semaphore(%arg13 : memref<!tpu.dma_semaphore, #tpu.memory_space<semaphore_mem>>)
        %dma_start3A_401 = arith.constant 0 : i32
        %dma_start3A_402 = arith.constant 0 : i32
        %dma_start3A_403 = tpu.memref_slice %arg8[%rem3A_74, %dma_start3A_401, %dma_start3A_402] : memref<2x12x128xi32, #tpu.memory_space<vmem>> -> memref<1x12x128xi32, #tpu.memory_space<vmem>>
        %dma_start3A_404 = tpu.memref_squeeze %dma_start3A_403 : memref<1x12x128xi32, #tpu.memory_space<vmem>> -> memref<12x128xi32, #tpu.memory_space<vmem>>
        %dma_start3A_405 = arith.constant 0 : i32
        %dma_start3A_406 = arith.constant 0 : i32
        %dma_start3A_407 = tpu.memref_slice %arg4[%add3A, %add3A_384, %dma_start3A_405, %dma_start3A_406] : memref<32x7x12x128xi32, #tpu.memory_space<hbm>> -> memref<1x1x12x128xi32, #tpu.memory_space<hbm>>
        %dma_start3A_408 = tpu.memref_squeeze %dma_start3A_407 : memref<1x1x12x128xi32, #tpu.memory_space<hbm>> -> memref<12x128xi32, #tpu.memory_space<hbm>>
        %dma_start3A_409 = arith.constant 0 : i32
        %dma_start3A_410 = arith.constant 0 : i32
        %dma_start3A_411 = tpu.memref_slice %arg8[%rem3A_74, %dma_start3A_409, %dma_start3A_410] : memref<2x12x128xi32, #tpu.memory_space<vmem>> -> memref<1x12x128xi32, #tpu.memory_space<vmem>>
        %dma_start3A_412 = tpu.memref_squeeze %dma_start3A_411 : memref<1x12x128xi32, #tpu.memory_space<vmem>> -> memref<12x128xi32, #tpu.memory_space<vmem>>
        %dma_start3A_413 = arith.constant 0 : i32
        %dma_start3A_414 = arith.constant 0 : i32
        %dma_start3A_415 = tpu.memref_slice %arg4[%add3A, %add3A_384, %dma_start3A_413, %dma_start3A_414] : memref<32x7x12x128xi32, #tpu.memory_space<hbm>> -> memref<1x1x12x128xi32, #tpu.memory_space<hbm>>
        %dma_start3A_416 = tpu.memref_squeeze %dma_start3A_415 : memref<1x1x12x128xi32, #tpu.memory_space<hbm>> -> memref<12x128xi32, #tpu.memory_space<hbm>>
        tpu.enqueue_dma source(%dma_start3A_416 : memref<12x128xi32, #tpu.memory_space<hbm>>) target(%dma_start3A_412 : memref<12x128xi32, #tpu.memory_space<vmem>>) target_semaphore(%arg14 : memref<!tpu.dma_semaphore, #tpu.memory_space<semaphore_mem>>)
      } else {
      }
    }
    %scan3A_71 = arith.constant 7 : i32
    %barrier3A_72 = arith.constant 0 : index
    tpu.barrier barrier_id(%barrier3A_72)
    "tpu.region"() ({
      %run_scoped3A_73 = tpu.sem_alloc : memref<!tpu.dma_semaphore, #tpu.memory_space<semaphore_mem>>
      %dma_start3A_74 = arith.constant 0 : i32
      %dma_start3A_75 = tpu.memref_slice %arg6[%arg0, %mul3A_2, %dma_start3A_74] : memref<2x10240x128xf32, #tpu.memory_space<hbm>> -> memref<1x640x128xf32, #tpu.memory_space<hbm>>
      %dma_start3A_76 = tpu.memref_squeeze %dma_start3A_75 : memref<1x640x128xf32, #tpu.memory_space<hbm>> -> memref<640x128xf32, #tpu.memory_space<hbm>>
      %dma_start3A_77 = arith.constant 0 : i32
      %dma_start3A_78 = tpu.memref_slice %arg10[%mul3A_2, %dma_start3A_77] : memref<10240x128xf32, #tpu.memory_space<vmem_shared>> -> memref<640x128xf32, #tpu.memory_space<vmem_shared>>
      tpu.enqueue_dma source(%dma_start3A_78 : memref<640x128xf32, #tpu.memory_space<vmem_shared>>) target(%dma_start3A_76 : memref<640x128xf32, #tpu.memory_space<hbm>>) target_semaphore(%run_scoped3A_73 : memref<!tpu.dma_semaphore, #tpu.memory_space<semaphore_mem>>)
      %dma_wait3A = arith.constant 0 : i32
      %dma_wait3A_79 = tpu.memref_slice %arg6[%arg0, %mul3A_2, %dma_wait3A] : memref<2x10240x128xf32, #tpu.memory_space<hbm>> -> memref<1x640x128xf32, #tpu.memory_space<hbm>>
      %dma_wait3A_80 = tpu.memref_squeeze %dma_wait3A_79 : memref<1x640x128xf32, #tpu.memory_space<hbm>> -> memref<640x128xf32, #tpu.memory_space<hbm>>
      %dma_wait3A_81 = arith.constant 0 : i32
      %dma_wait3A_82 = tpu.memref_slice %arg10[%mul3A_2, %dma_wait3A_81] : memref<10240x128xf32, #tpu.memory_space<vmem_shared>> -> memref<640x128xf32, #tpu.memory_space<vmem_shared>>
      tpu.wait_dma2 semaphore(%run_scoped3A_73 : memref<!tpu.dma_semaphore, #tpu.memory_space<semaphore_mem>>) src(%dma_wait3A_82 : memref<640x128xf32, #tpu.memory_space<vmem_shared>>) dst(%dma_wait3A_80 : memref<640x128xf32, #tpu.memory_space<hbm>>)
      tpu.yield
    }) : () -> ()
    return
  }
}

module attributes {stable_mosaic.version = 14 : i64} {
  func.func @_tc_pre(%arg0: i32, %arg1: memref<2048x128xf32, #tpu.memory_space<vmem>>, %arg2: memref<128x128xf32, #tpu.memory_space<vmem>>, %arg3: memref<2x2048x1xf32, #tpu.memory_space<vmem>>, %arg4: memref<2048x128xf32, #tpu.memory_space<vmem>>) attributes {dimension_semantics = [#tpu.dimension_semantics<arbitrary>], iteration_bounds = array<i64: 5>, scalar_prefetch = 0 : i64, scratch_operands = 0 : i64, tpu.core_type = #tpu.core_type<tc>, window_params = [{transform_indices = @transform_0, window_bounds = array<i64: 2048, 128>}, {pipeline_mode = #tpu.pipeline_mode<synchronous>, transform_indices = @transform_1, window_bounds = array<i64: 128, 128>}, {transform_indices = @transform_2, window_bounds = array<i64: 2, 2048, 1>}, {transform_indices = @transform_3, window_bounds = array<i64: 2048, 128>}]} {
    %get3A = arith.constant 0 : index
    %get3A_0 = arith.constant 0 : index
    %get3A_1 = vector.load %arg1[%get3A, %get3A_0] : memref<2048x128xf32, #tpu.memory_space<vmem>>, vector<2048x128xf32>
    %get3A_2 = arith.constant 0 : index
    %get3A_3 = arith.constant 0 : index
    %get3A_4 = vector.load %arg2[%get3A_2, %get3A_3] : memref<128x128xf32, #tpu.memory_space<vmem>>, vector<128x128xf32>
    %dot_general3A = arith.constant dense<0.000000e+00> : vector<2048x128xf32>
    %dot_general3A_5 = tpu.matmul %get3A_1, %get3A_4, %dot_general3A {dimension_numbers = #tpu.dot_dimension_numbers<[1], [0], [0], [1], [0, 0, 1, 1], [], []>, transpose_lhs_hint = false} : vector<2048x128xf32>, vector<128x128xf32>, vector<2048x128xf32> -> vector<2048x128xf32>
    %get3A_6 = arith.constant 0 : index
    %get3A_7 = arith.constant 0 : index
    %get3A_8 = arith.constant 0 : index
    %get3A_9 = vector.load %arg3[%get3A_6, %get3A_7, %get3A_8] : memref<2x2048x1xf32, #tpu.memory_space<vmem>>, vector<1x2048x1xf32>
    %get3A_10 = vector.shape_cast %get3A_9 : vector<1x2048x1xf32> to vector<2048x1xf32>
    %get3A_11 = arith.constant 1 : index
    %get3A_12 = arith.constant 0 : index
    %get3A_13 = arith.constant 0 : index
    %get3A_14 = vector.load %arg3[%get3A_11, %get3A_12, %get3A_13] : memref<2x2048x1xf32, #tpu.memory_space<vmem>>, vector<1x2048x1xf32>
    %get3A_15 = vector.shape_cast %get3A_14 : vector<1x2048x1xf32> to vector<2048x1xf32>
    %add3A = arith.addf %get3A_10, %get3A_15 : vector<2048x1xf32>
    %gt3A = arith.constant 0.000000e+00 : f32
    %gt3A_16 = vector.broadcast %gt3A : f32 to vector<2048x1xf32>
    %gt3A_17 = arith.cmpf ogt, %add3A, %gt3A_16 : vector<2048x1xf32>
    %rsqrt3A = math.rsqrt %add3A : vector<2048x1xf32>
    %jit3A = arith.constant 0.000000e+00 : f32
    %broadcast_in_dim3A = vector.broadcast %jit3A : f32 to vector<2048x1xf32>
    %select_n3A = arith.select %gt3A_17, %rsqrt3A, %broadcast_in_dim3A : vector<2048x1xi1>, vector<2048x1xf32>
    %mul3A = vector.broadcast %select_n3A : vector<2048x1xf32> to vector<2048x128xf32>
    %mul3A_18 = arith.mulf %mul3A, %dot_general3A_5 : vector<2048x128xf32>
    %swap3A = arith.constant 0 : index
    %swap3A_19 = arith.constant 0 : index
    %swap3A_20 = vector.load %arg4[%swap3A, %swap3A_19] : memref<2048x128xf32, #tpu.memory_space<vmem>>, vector<2048x128xf32>
    tpu.vector_store %arg4[%swap3A, %swap3A_19], %mul3A_18 {strides = array<i32>} : memref<2048x128xf32, #tpu.memory_space<vmem>>, vector<2048x128xf32>,
    return
  }
  func.func @transform_0(%arg0: i32) -> (i32, i32) {
    %c0_i32 = arith.constant 0 : i32
    %c0_i32_0 = arith.constant 0 : i32
    return %arg0, %c0_i32 : i32, i32
  }
  func.func @transform_1(%arg0: i32) -> (i32, i32) {
    %c0_i32 = arith.constant 0 : i32
    %c0_i32_0 = arith.constant 0 : i32
    %c0_i32_1 = arith.constant 0 : i32
    return %c0_i32, %c0_i32_0 : i32, i32
  }
  func.func @transform_2(%arg0: i32) -> (i32, i32, i32) {
    %c0_i32 = arith.constant 0 : i32
    %c0_i32_0 = arith.constant 0 : i32
    %c0_i32_1 = arith.constant 0 : i32
    return %c0_i32, %arg0, %c0_i32_0 : i32, i32, i32
  }
  func.func @transform_3(%arg0: i32) -> (i32, i32) {
    %c0_i32 = arith.constant 0 : i32
    %c0_i32_0 = arith.constant 0 : i32
    return %arg0, %c0_i32 : i32, i32
  }
}

module attributes {stable_mosaic.version = 14 : i64} {
  func.func @_tc_post(%arg0: i32, %arg1: memref<2x2048x128xf32, #tpu.memory_space<vmem>>, %arg2: memref<2x2048x1xf32, #tpu.memory_space<vmem>>, %arg3: memref<1x64xf32, #tpu.memory_space<vmem>>, %arg4: memref<2048x64xf32, #tpu.memory_space<vmem>>) attributes {dimension_semantics = [#tpu.dimension_semantics<arbitrary>], iteration_bounds = array<i64: 5>, scalar_prefetch = 0 : i64, scratch_operands = 0 : i64, tpu.core_type = #tpu.core_type<tc>, window_params = [{transform_indices = @transform_0, window_bounds = array<i64: 2, 2048, 128>}, {transform_indices = @transform_1, window_bounds = array<i64: 2, 2048, 1>}, {pipeline_mode = #tpu.pipeline_mode<synchronous>, transform_indices = @transform_2, window_bounds = array<i64: 1, 64>}, {transform_indices = @transform_3, window_bounds = array<i64: 2048, 64>}]} {
    %get3A = arith.constant 0 : index
    %get3A_0 = arith.constant 0 : index
    %get3A_1 = arith.constant 0 : index
    %get3A_2 = vector.load %arg2[%get3A, %get3A_0, %get3A_1] : memref<2x2048x1xf32, #tpu.memory_space<vmem>>, vector<1x2048x1xf32>
    %get3A_3 = vector.shape_cast %get3A_2 : vector<1x2048x1xf32> to vector<2048x1xf32>
    %get3A_4 = arith.constant 1 : index
    %get3A_5 = arith.constant 0 : index
    %get3A_6 = arith.constant 0 : index
    %get3A_7 = vector.load %arg2[%get3A_4, %get3A_5, %get3A_6] : memref<2x2048x1xf32, #tpu.memory_space<vmem>>, vector<1x2048x1xf32>
    %get3A_8 = vector.shape_cast %get3A_7 : vector<1x2048x1xf32> to vector<2048x1xf32>
    %add3A = arith.addf %get3A_3, %get3A_8 : vector<2048x1xf32>
    %gt3A = arith.constant 0.000000e+00 : f32
    %gt3A_9 = vector.broadcast %gt3A : f32 to vector<2048x1xf32>
    %gt3A_10 = arith.cmpf ogt, %add3A, %gt3A_9 : vector<2048x1xf32>
    %rsqrt3A = math.rsqrt %add3A : vector<2048x1xf32>
    %jit3A = arith.constant 0.000000e+00 : f32
    %broadcast_in_dim3A = vector.broadcast %jit3A : f32 to vector<2048x1xf32>
    %select_n3A = arith.select %gt3A_10, %rsqrt3A, %broadcast_in_dim3A : vector<2048x1xi1>, vector<2048x1xf32>
    %get3A_11 = arith.constant 0 : index
    %get3A_12 = arith.constant 0 : index
    %get3A_13 = arith.constant 0 : index
    %get3A_14 = vector.load %arg1[%get3A_11, %get3A_12, %get3A_13] : memref<2x2048x128xf32, #tpu.memory_space<vmem>>, vector<1x2048x64xf32>
    %get3A_15 = vector.shape_cast %get3A_14 : vector<1x2048x64xf32> to vector<2048x64xf32>
    %get3A_16 = arith.constant 1 : index
    %get3A_17 = arith.constant 0 : index
    %get3A_18 = arith.constant 0 : index
    %get3A_19 = vector.load %arg1[%get3A_16, %get3A_17, %get3A_18] : memref<2x2048x128xf32, #tpu.memory_space<vmem>>, vector<1x2048x64xf32>
    %get3A_20 = vector.shape_cast %get3A_19 : vector<1x2048x64xf32> to vector<2048x64xf32>
    %add3A_21 = arith.addf %get3A_15, %get3A_20 : vector<2048x64xf32>
    %mul3A = vector.broadcast %select_n3A : vector<2048x1xf32> to vector<2048x64xf32>
    %mul3A_22 = arith.mulf %mul3A, %add3A_21 : vector<2048x64xf32>
    %get3A_23 = arith.constant 0 : index
    %get3A_24 = arith.constant 0 : index
    %get3A_25 = vector.load %arg3[%get3A_23, %get3A_24] : memref<1x64xf32, #tpu.memory_space<vmem>>, vector<1x64xf32>
    %add3A_26 = vector.broadcast %get3A_25 : vector<1x64xf32> to vector<2048x64xf32>
    %add3A_27 = arith.addf %mul3A_22, %add3A_26 : vector<2048x64xf32>
    %reduce_max3A = arith.constant dense<0xFF800000> : vector<2048xf32>
    %reduce_max3A_28 = vector.multi_reduction <maximumf>, %add3A_27, %reduce_max3A [1] : vector<2048x64xf32> to vector<2048xf32>
    %broadcast_in_dim3A_29 = vector.shape_cast %reduce_max3A_28 : vector<2048xf32> to vector<2048x1xf32>
    %sub3A = vector.broadcast %broadcast_in_dim3A_29 : vector<2048x1xf32> to vector<2048x64xf32>
    %sub3A_30 = arith.subf %add3A_27, %sub3A : vector<2048x64xf32>
    %exp3A = math.exp %sub3A_30 : vector<2048x64xf32>
    %reduce_sum3A = arith.constant dense<0.000000e+00> : vector<2048xf32>
    %reduce_sum3A_31 = vector.multi_reduction <add>, %exp3A, %reduce_sum3A [1] : vector<2048x64xf32> to vector<2048xf32>
    %broadcast_in_dim3A_32 = vector.shape_cast %reduce_sum3A_31 : vector<2048xf32> to vector<2048x1xf32>
    %log3A = math.log %broadcast_in_dim3A_32 : vector<2048x1xf32>
    %add3A_33 = arith.addf %broadcast_in_dim3A_29, %log3A : vector<2048x1xf32>
    %sub3A_34 = vector.broadcast %add3A_33 : vector<2048x1xf32> to vector<2048x64xf32>
    %sub3A_35 = arith.subf %add3A_27, %sub3A_34 : vector<2048x64xf32>
    %swap3A = arith.constant 0 : index
    %swap3A_36 = arith.constant 0 : index
    %swap3A_37 = vector.load %arg4[%swap3A, %swap3A_36] : memref<2048x64xf32, #tpu.memory_space<vmem>>, vector<2048x64xf32>
    tpu.vector_store %arg4[%swap3A, %swap3A_36], %sub3A_35 {strides = array<i32>} : memref<2048x64xf32, #tpu.memory_space<vmem>>, vector<2048x64xf32>,
    return
  }
  func.func @transform_0(%arg0: i32) -> (i32, i32, i32) {
    %c0_i32 = arith.constant 0 : i32
    %c0_i32_0 = arith.constant 0 : i32
    %c0_i32_1 = arith.constant 0 : i32
    return %c0_i32, %arg0, %c0_i32_0 : i32, i32, i32
  }
  func.func @transform_1(%arg0: i32) -> (i32, i32, i32) {
    %c0_i32 = arith.constant 0 : i32
    %c0_i32_0 = arith.constant 0 : i32
    %c0_i32_1 = arith.constant 0 : i32
    return %c0_i32, %arg0, %c0_i32_0 : i32, i32, i32
  }
  func.func @transform_2(%arg0: i32) -> (i32, i32) {
    %c0_i32 = arith.constant 0 : i32
    %c0_i32_0 = arith.constant 0 : i32
    %c0_i32_1 = arith.constant 0 : i32
    return %c0_i32, %c0_i32_0 : i32, i32
  }
  func.func @transform_3(%arg0: i32) -> (i32, i32) {
    %c0_i32 = arith.constant 0 : i32
    %c0_i32_0 = arith.constant 0 : i32
    return %arg0, %c0_i32 : i32, i32
  }
}

module attributes {stable_mosaic.version = 14 : i64} {
  func.func @_tc_mid(%arg0: i32, %arg1: memref<2x2048x128xf32, #tpu.memory_space<vmem>>, %arg2: memref<2x2048x1xf32, #tpu.memory_space<vmem>>, %arg3: memref<1x128xf32, #tpu.memory_space<vmem>>, %arg4: memref<128x64xf32, #tpu.memory_space<vmem>>, %arg5: memref<2048x128xf32, #tpu.memory_space<vmem>>) attributes {dimension_semantics = [#tpu.dimension_semantics<arbitrary>], iteration_bounds = array<i64: 5>, scalar_prefetch = 0 : i64, scratch_operands = 0 : i64, tpu.core_type = #tpu.core_type<tc>, window_params = [{transform_indices = @transform_0, window_bounds = array<i64: 2, 2048, 128>}, {transform_indices = @transform_1, window_bounds = array<i64: 2, 2048, 1>}, {pipeline_mode = #tpu.pipeline_mode<synchronous>, transform_indices = @transform_2, window_bounds = array<i64: 1, 128>}, {pipeline_mode = #tpu.pipeline_mode<synchronous>, transform_indices = @transform_3, window_bounds = array<i64: 128, 64>}, {transform_indices = @transform_4, window_bounds = array<i64: 2048, 128>}]} {
    %get3A = arith.constant 0 : index
    %get3A_0 = arith.constant 0 : index
    %get3A_1 = arith.constant 0 : index
    %get3A_2 = vector.load %arg2[%get3A, %get3A_0, %get3A_1] : memref<2x2048x1xf32, #tpu.memory_space<vmem>>, vector<1x2048x1xf32>
    %get3A_3 = vector.shape_cast %get3A_2 : vector<1x2048x1xf32> to vector<2048x1xf32>
    %get3A_4 = arith.constant 1 : index
    %get3A_5 = arith.constant 0 : index
    %get3A_6 = arith.constant 0 : index
    %get3A_7 = vector.load %arg2[%get3A_4, %get3A_5, %get3A_6] : memref<2x2048x1xf32, #tpu.memory_space<vmem>>, vector<1x2048x1xf32>
    %get3A_8 = vector.shape_cast %get3A_7 : vector<1x2048x1xf32> to vector<2048x1xf32>
    %add3A = arith.addf %get3A_3, %get3A_8 : vector<2048x1xf32>
    %gt3A = arith.constant 0.000000e+00 : f32
    %gt3A_9 = vector.broadcast %gt3A : f32 to vector<2048x1xf32>
    %gt3A_10 = arith.cmpf ogt, %add3A, %gt3A_9 : vector<2048x1xf32>
    %rsqrt3A = math.rsqrt %add3A : vector<2048x1xf32>
    %jit3A = arith.constant 0.000000e+00 : f32
    %broadcast_in_dim3A = vector.broadcast %jit3A : f32 to vector<2048x1xf32>
    %select_n3A = arith.select %gt3A_10, %rsqrt3A, %broadcast_in_dim3A : vector<2048x1xi1>, vector<2048x1xf32>
    %get3A_11 = arith.constant 0 : index
    %get3A_12 = arith.constant 0 : index
    %get3A_13 = arith.constant 0 : index
    %get3A_14 = vector.load %arg1[%get3A_11, %get3A_12, %get3A_13] : memref<2x2048x128xf32, #tpu.memory_space<vmem>>, vector<1x2048x128xf32>
    %get3A_15 = vector.shape_cast %get3A_14 : vector<1x2048x128xf32> to vector<2048x128xf32>
    %get3A_16 = arith.constant 1 : index
    %get3A_17 = arith.constant 0 : index
    %get3A_18 = arith.constant 0 : index
    %get3A_19 = vector.load %arg1[%get3A_16, %get3A_17, %get3A_18] : memref<2x2048x128xf32, #tpu.memory_space<vmem>>, vector<1x2048x128xf32>
    %get3A_20 = vector.shape_cast %get3A_19 : vector<1x2048x128xf32> to vector<2048x128xf32>
    %add3A_21 = arith.addf %get3A_15, %get3A_20 : vector<2048x128xf32>
    %mul3A = vector.broadcast %select_n3A : vector<2048x1xf32> to vector<2048x128xf32>
    %mul3A_22 = arith.mulf %mul3A, %add3A_21 : vector<2048x128xf32>
    %get3A_23 = arith.constant 0 : index
    %get3A_24 = arith.constant 0 : index
    %get3A_25 = vector.load %arg3[%get3A_23, %get3A_24] : memref<1x128xf32, #tpu.memory_space<vmem>>, vector<1x128xf32>
    %add3A_26 = vector.broadcast %get3A_25 : vector<1x128xf32> to vector<2048x128xf32>
    %add3A_27 = arith.addf %mul3A_22, %add3A_26 : vector<2048x128xf32>
    %max3A = arith.constant 0.000000e+00 : f32
    %max3A_28 = vector.broadcast %max3A : f32 to vector<2048x128xf32>
    %max3A_29 = arith.maximumf %add3A_27, %max3A_28 : vector<2048x128xf32>
    %get3A_30 = arith.constant 0 : index
    %get3A_31 = arith.constant 0 : index
    %get3A_32 = vector.load %arg4[%get3A_30, %get3A_31] : memref<128x64xf32, #tpu.memory_space<vmem>>, vector<128x64xf32>
    %dot_general3A = arith.constant dense<0.000000e+00> : vector<2048x64xf32>
    %dot_general3A_33 = tpu.matmul %max3A_29, %get3A_32, %dot_general3A {dimension_numbers = #tpu.dot_dimension_numbers<[1], [0], [0], [1], [0, 0, 1, 1], [], []>, transpose_lhs_hint = false} : vector<2048x128xf32>, vector<128x64xf32>, vector<2048x64xf32> -> vector<2048x64xf32>
    %mul3A_34 = vector.broadcast %select_n3A : vector<2048x1xf32> to vector<2048x64xf32>
    %mul3A_35 = arith.mulf %mul3A_34, %dot_general3A_33 : vector<2048x64xf32>
    %broadcast_in_dim3A_36 = arith.constant 0.000000e+00 : f32
    %broadcast_in_dim3A_37 = vector.broadcast %broadcast_in_dim3A_36 : f32 to vector<2048x64xf32>
    %concatenate3A = tpu.concatenate %mul3A_35, %broadcast_in_dim3A_37 in 1 : vector<2048x64xf32>, vector<2048x64xf32> -> vector<2048x128xf32>
    %swap3A = arith.constant 0 : index
    %swap3A_38 = arith.constant 0 : index
    %swap3A_39 = vector.load %arg5[%swap3A, %swap3A_38] : memref<2048x128xf32, #tpu.memory_space<vmem>>, vector<2048x128xf32>
    tpu.vector_store %arg5[%swap3A, %swap3A_38], %concatenate3A {strides = array<i32>} : memref<2048x128xf32, #tpu.memory_space<vmem>>, vector<2048x128xf32>,
    return
  }
  func.func @transform_0(%arg0: i32) -> (i32, i32, i32) {
    %c0_i32 = arith.constant 0 : i32
    %c0_i32_0 = arith.constant 0 : i32
    %c0_i32_1 = arith.constant 0 : i32
    return %c0_i32, %arg0, %c0_i32_0 : i32, i32, i32
  }
  func.func @transform_1(%arg0: i32) -> (i32, i32, i32) {
    %c0_i32 = arith.constant 0 : i32
    %c0_i32_0 = arith.constant 0 : i32
    %c0_i32_1 = arith.constant 0 : i32
    return %c0_i32, %arg0, %c0_i32_0 : i32, i32, i32
  }
  func.func @transform_2(%arg0: i32) -> (i32, i32) {
    %c0_i32 = arith.constant 0 : i32
    %c0_i32_0 = arith.constant 0 : i32
    %c0_i32_1 = arith.constant 0 : i32
    return %c0_i32, %c0_i32_0 : i32, i32
  }
  func.func @transform_3(%arg0: i32) -> (i32, i32) {
    %c0_i32 = arith.constant 0 : i32
    %c0_i32_0 = arith.constant 0 : i32
    %c0_i32_1 = arith.constant 0 : i32
    return %c0_i32, %c0_i32_0 : i32, i32
  }
  func.func @transform_4(%arg0: i32) -> (i32, i32) {
    %c0_i32 = arith.constant 0 : i32
    %c0_i32_0 = arith.constant 0 : i32
    return %arg0, %c0_i32 : i32, i32
  }
}

</mosaic_0001>

<sc_bundles>
// kernel: kernel.11.cloned.1.call-start
scs
__scs_entry_jumppad:
0x0: {  	(pc) =	sbr.rel $0x88, $3  }
0x1: {  	(tag) =	ssettag $0x0;
	lr =	simm.s32 $0x1  }
0x2: {  	[smem:$0x3F9B] =	sst lr;
	_ =	strace $0xD0000000  }
0x3: {  	_ = 	snop  }
0x4: {  	_ = 	snop  }
0x5: {  	_ = 	snop  }
0x6: {  	_ = 	snop  }
0x7: {  	_ = 	snop  }
__scs_overlays_trampoline_lowered:
0x8: {  	[smem:$0x3FAA] =	sst s0  }
0x9: {  	[smem:$0x3FAB] =	sst s1  }
0xa: {  	[smem:$0x3FAC] =	sst s2  }
0xb: {  	[smem:$0x3FAD] =	sst s3  }
0xc: {  	[smem:$0x3FAE] =	sst s4  }
0xd: {  	[smem:$0x3FAF] =	sst s5  }
0xe: {  	[smem:$0x3FB0] =	sst s6  }
0xf: {  	[smem:$0x3FB1] =	sst s7  }
0x10: {  	[smem:$0x3FB2] =	sst s8  }
0x11: {  	[smem:$0x3FB3] =	sst s9;
	s0 =	simm.s32 @!p0 $0x0  }
0x12: {  	s1 =	sld [smem:$0x3F99];
	s0 =	simm.s32 @p0 $0x1  }
0x13: {  	[smem:$0x3FB4] =	sst s0;
	s0 =	simm.s32 @!p1 $0x0  }
0x14: {  	s2 =	sld [smem:$0x3F98];
	s0 =	simm.s32 @p1 $0x1  }
0x15: {  	[smem:$0x3FB5] =	sst s0;
	s0 =	simm.s32 @!p2 $0x0  }
0x16: {  	s3 =	sld [smem:$0x3FDB];
	s0 =	simm.s32 @p2 $0x1  }
0x17: {  	s4 =	simm.s32 $0x1BF5;
	[smem:$0x3FB7] =	sst s0  }
0x18: {  	s0 =	sld [smem:$0x3F9A];
	_ =	swait.ge [sflag:s4], $0x0  }
0x19: {  	s7 =	sld [smem:$0x3F9B]  }
0x1a: {  	s8 =	sadd.s32 $0xFFFFE003, lr  }
0x1b: {  	s9 =	sadd.s32 $0xFFFFFEF7, lr;
	s5 =	simm.s32 $0xFFFFFFFF;
	p2 =	slt.u32 s8, $0xFFFFF086  }
0x1c: {  	p1 =	slt.u32 s9, $0xF7A;
	s5 =	simm.s32 @!p2 $0x0  }
0x1d: {  	s5 =	simm.s32 @p1 $0x1;
	p0 =	seq.s32 s7, s2  }
0x1e: {  	s7 =	smul.u32 @!p0 $0xF7A, s2;
	p2 =	seq.s32 @!p0 s5, $0x0  }
0x1f: {  	s9 =	smul.u32 $0xF7A, s1;
	s8 =	simm.s32 @!p0 $0x1BF5;
	p2 =	por !p2, p0  }
0x20: {  	[sflag:s8] =	ssyncset.s32 @!p0 $0xFFFFF086;
	s6 =	sadd.s32 @!p0 s3, s7;
	s7 =	simm.s32 @!p0 $0x108  }
0x21: {  	s3 =	sadd.s32 s3, s9;
	s6 =	sadd.s32 @!p0 $0x88, s6;
	s7 =	simm.s32 @p2 $0x1082  }
0x22: {  	[simem:s7], [sflag:s8] =	dma.local @!p0 [hbm:s6], $0xF7A  }
0x23: {  	s9 =	sor.u32 $0xD0000000, s2;
	s6 =	simm.s32 $0x108;
	_ =	swait.ge @!p0 [sflag:s8], $0x0  }
0x24: {  	s3 =	sadd.s32 $0x88, s3;
	s6 =	simm.s32 @!p1 $0x1082;
	[sflag:s4] =	ssyncset.s32 $0xFFFFF086  }
0x25: {  	[simem:s6], [sflag:s4] =	dma.local [hbm:s3], $0xF7A  }
0x26: {  	[smem:$0x3F9B] =	sst s1;
	(tag) =	ssettag s2;
	_ =	strace s9  }
0x27: {  	s1 =	sld [smem:$0x3FAB]  }
0x28: {  	s2 =	sld [smem:$0x3FAC]  }
0x29: {  	s4 =	sld [smem:$0x3FAE]  }
0x2a: {  	p0 =	seq.s32 s5, $0x0;
	s5 =	sld [smem:$0x3FAF]  }
0x2b: {  	s6 =	sld [smem:$0x3FB0]  }
0x2c: {  	s7 =	sld [smem:$0x3FB1]  }
0x2d: {  	s3 =	simm.s32 $0x108;
	s8 =	sld [smem:$0x3FB2]  }
0x2e: {  	s3 =	simm.s32 @!p0 $0x1082;
	s9 =	sld [smem:$0x3FB3]  }
0x2f: {  	lr =	sadd.s32 s0, s3;
	s0 =	sld [smem:$0x3FAA]  }
0x30: {  	s3 =	sld [smem:$0x3FAD]  }
0x31: {  	[smem:$0x3FB6] =	sst s10  }
0x32: {  	s10 =	sld [smem:$0x3FB4];
	_ =	sdelay $0x3  }
0x33: {  	p0 =	seq.s32 s10, $0x1;
	s10 =	sld [smem:$0x3FB6];
	_ =	sdelay $0x3  }
0x34: {  	[smem:$0x3FB6] =	sst s10  }
0x35: {  	s10 =	sld [smem:$0x3FB5];
	_ =	sdelay $0x3  }
0x36: {  	p1 =	seq.s32 s10, $0x1;
	s10 =	sld [smem:$0x3FB6];
	_ =	sdelay $0x3  }
0x37: {  	[smem:$0x3FB6] =	sst s10  }
0x38: {  	s10 =	sld [smem:$0x3FB7]  }
0x39: {  	_ = 	snop;
	(pc) =	sbr.ind lr, $3  }
0x3a: {  	_ = 	snop  }
0x3b: {  	_ = 	snop  }
0x3c: {  	p2 =	seq.s32 s10, $0x1;
	s10 =	sld [smem:$0x3FB6]  }
0x3d: {  	_ =	shalt  }
0x3e: {  	_ =	shalt  }
0x3f: {  	_ =	shalt  }
0x40: {  	_ =	shalt  }
0x41: {  	_ =	shalt  }
0x42: {  	_ =	shalt  }
0x43: {  	_ =	shalt  }
0x44: {  	_ =	shalt  }
0x45: {  	_ =	shalt  }
0x46: {  	_ =	shalt  }
0x47: {  	_ =	shalt  }
0x48: {  	_ =	shalt  }
0x49: {  	_ =	shalt  }
0x4a: {  	_ =	shalt  }
0x4b: {  	_ =	shalt  }
0x4c: {  	_ =	shalt  }
0x4d: {  	_ =	shalt  }
0x4e: {  	_ =	shalt  }
0x4f: {  	_ =	shalt  }
0x50: {  	_ =	shalt  }
0x51: {  	_ =	shalt  }
0x52: {  	_ =	shalt  }
0x53: {  	_ =	shalt  }
0x54: {  	_ =	shalt  }
0x55: {  	_ =	shalt  }
0x56: {  	_ =	shalt  }
0x57: {  	_ =	shalt  }
0x58: {  	_ =	shalt  }
0x59: {  	_ =	shalt  }
0x5a: {  	_ =	shalt  }
0x5b: {  	_ =	shalt  }
0x5c: {  	_ =	shalt  }
0x5d: {  	_ =	shalt  }
0x5e: {  	_ =	shalt  }
0x5f: {  	_ =	shalt  }
0x60: {  	_ =	shalt  }
0x61: {  	_ =	shalt  }
0x62: {  	_ =	shalt  }
0x63: {  	_ =	shalt  }
0x64: {  	_ =	shalt  }
0x65: {  	_ =	shalt  }
0x66: {  	_ =	shalt  }
0x67: {  	_ =	shalt  }
0x68: {  	_ =	shalt  }
0x69: {  	_ =	shalt  }
0x6a: {  	_ =	shalt  }
0x6b: {  	_ =	shalt  }
0x6c: {  	_ =	shalt  }
0x6d: {  	_ =	shalt  }
0x6e: {  	_ =	shalt  }
0x6f: {  	_ =	shalt  }
0x70: {  	_ =	shalt  }
0x71: {  	_ =	shalt  }
0x72: {  	_ =	shalt  }
0x73: {  	_ =	shalt  }
0x74: {  	_ =	shalt  }
0x75: {  	_ =	shalt  }
0x76: {  	_ =	shalt  }
0x77: {  	_ =	shalt  }
0x78: {  	_ =	shalt  }
0x79: {  	_ =	shalt  }
0x7a: {  	_ =	shalt  }
0x7b: {  	_ =	shalt  }
0x7c: {  	_ =	shalt  }
0x7d: {  	_ =	shalt  }
0x7e: {  	_ =	shalt  }
0x7f: {  	_ =	shalt  }
0x80: {  	_ =	shalt  }
0x81: {  	_ =	shalt  }
0x82: {  	_ =	shalt  }
0x83: {  	_ =	shalt  }
0x84: {  	_ =	shalt  }
0x85: {  	_ =	shalt  }
0x86: {  	_ =	shalt  }
0x87: {  	_ =	shalt  }
.Lfunc_end0:
.L_simem_size_0:
called_computation.1_lowered:
.L_overlay_start_0:
0x88: {  	s2 =	sld [smem:$0x3FD9]  }
0x89: {  	s3 =	sld [smem:$0x3FFE];
	_ =	sdelay $0x1  }
0x8a: {  	s1 =	srdreg.scid  }
0x8b: {  	s0 =	sand.u32 $0x1, s1  }
0x8c: {  	s17 =	sshll.u32 s0, $0xA;
	s2 =	sadd.s32 s3, s2  }
0x8d: {  	s2 =	sadd.s32 s2, s17  }
0x8e: {  	[smem:$0x3FC2] =	sst s2  }
0x8f: {  	_ = 	snop  }
0x90: {  	s2 =	sld [smem:$0x3FD0];
	(tm) =	ssettm $0x1  }
0x91: {  	s18 =	sld [smem:$0x3FFB];
	_ =	sdelay $0x3  }
0x92: {  	_ =	strace s18  }
0x93: {  	s3 =	sld [smem:$0x3FFC];
	_ =	sdelay $0x3  }
0x94: {  	_ =	strace s3  }
0x95: {  	s3 =	sld [smem:$0x3FFD];
	_ =	sdelay $0x3  }
0x96: {  	_ =	strace s3  }
0x97: {  	_ =	strace $0x8FFFFFFF  }
0x98: {  	s19 =	sld [smem:$0x3FDB];
	_ =	sdelay $0x1  }
0x99: {  	s4 =	simm.s32 $_scs_section_size  }
0x9a: {  	s5 =	simm.s32 $_size__tile_overlayer_lowered;
	s6 =	simm.s32 $_tile_overlayer_lowered  }
0x9b: {  	s22 =	simm.s32 $0x1BFF;
	s21 =	sshll.u32 s6, $0x1;
	s3 =	sadd.s32 s4, s19  }
0x9c: {  	s7 =	simm.s32 $0x0;
	s20 =	sshll.u32 s5, $0x1;
	s5 =	sadd.s32 s21, s3  }
0x9d: {  	[timem:s7], [sflag:s22] =	dma.local [hbm:s5], s20  }
0x9e: {  	_ =	swait.ge [sflag:s22], s20  }
0x9f: {  	s4 =	ssub.s32 $0x0, s20;
	[sflag:s22] =	ssyncset.done $0x0  }
0xa0: {  	[sflag:s22] =	ssyncadd.s32 s4;
	_ =	sdelay $0x1  }
0xa1: {  	s23 =	simm.s32 $0x1B8B  }
0xa2: {  	_ =	swait.ge [sflag:s23], $0x1  }
0xa3: {  	[sflag:s23] =	ssyncset.done $0x0  }
0xa4: {  	s25 =	simm.s32 $0x1B8E;
	s24 =	sld [smem:$0x3FFE];
	[sflag:s23] =	ssyncadd.s32 $0xFFFFFFFF  }
0xa5: {  	s26 =	simm.s32 $execute0_lowered;
	[smem:$0x3FD2] =	sst s25  }
0xa6: {  	s5 =	sshll.u32 s26, $0x1;
	_ =	strace $0x80000049;
	[dreg:$0x1] =	wrdreg $0xFFFFFFFF  }
0xa7: {  	s28 =	simm.s32 $_size_execute0_lowered;
	s3 =	sadd.s32 s3, s5;
	[dreg:$0x0] =	wrdreg $0x0  }
0xa8: {  	s5 =	sshll.u32 s28, $0x1;
	[dreg:$0x2] =	wrdreg s3  }
0xa9: {  	[dreg:$0x3] =	wrdreg s5  }
0xaa: {  	[dreg:$0x4] =	wrdreg $0xC0  }
0xab: {  	_ =	task [dreg:s7], $0x5FFFF  }
0xac: {  	[dreg:$0x1] =	wrdreg $0xFFFFFFFF  }
0xad: {  	[dreg:$0x0] =	wrdreg $0x60  }
0xae: {  	[dreg:$0x2] =	wrdreg s24  }
0xaf: {  	[dreg:$0x3] =	wrdreg s2  }
0xb0: {  	[dreg:$0x4] =	wrdreg $0xA0000  }
0xb1: {  	[dreg:$0x5] =	wrdreg $0x9  }
0xb2: {  	_ =	task.clear_ibuf [dreg:s7], $0x6FFFF;
	_ =	strace $0x90000049  }
0xb3: {  	s29 =	simm.s32 $0x9;
	_ =	strace $0x8000004B  }
0xb4: {  	_ =	swait.ge [sflag:s29], $0x1  }
0xb5: {  	[sflag:s29] =	ssyncadd.s32 $0xFFFFFFFF  }
0xb6: {  	_ =	strace $0x9000004B  }
0xb7: {  	_ =	sfence  }
0xb8: {  	s30 =	sld [smem:$0x0];
	_ =	sdelay $0x2  }
0xb9: {  	s31 =	sshll.u32 s1, $0xD;
	s1 =	sshrl.u32 s1, $0x2  }
0xba: {  	s3 =	sand.u32 $0x4000, s31;
	s1 =	sadd.s32 s1, s30  }
0xbb: {  	s0 =	sor.u32 s3, s0;
	s1 =	sshll.u32 s1, $0x11  }
0xbc: {  	s0 =	sor.u32 s1, s0  }
0xbd: {  	s0 =	sadd.s32 $0x8F2B, s0  }
0xbe: {  	[sflag:s0] =	ssyncadd.remote.s32 $0x1  }
0xbf: {  	_ =	sfence.sel $0xFFFF  }
0xc0: {  	[dreg:$0x0] =	wrdreg $0xFFFFFFFF;
	(pc) =	sbr.abs _section_cstart, $3  }
0xc1: {  	[dreg:$0x1] =	wrdreg $0xFFFFFFFF  }
0xc2: {  	_ =	task.clear_ibuf [dreg:s7], $0x2FFFF;
	_ =	strace $0x9FFFFFFF  }
0xc3: {  	(tm) =	ssettm $0x7FFFFFFF  }
tec
execute0_lowered:
.L_overlay_start_1:
0x0: {  	(tag) =	ssettag $0x1  }
0x1: {  	s0 =	rddreg [dreg:$0x0]  }
0x2: {  	s14 =	rddreg [dreg:$0x1]  }
0x3: {  	s1 =	rddreg [dreg:$0x2];
	s3 =	simm.s32 $0x0;
	s2 =	srdreg.scid  }
0x4: {  	s22 =	stileid.u32;
	s20 =	simm.s32 $0x80;
	s21 =	simm.s32 $0x2000  }
0x5: {  	[smem:$0x7FF] =	sst s3;
	s6 =	sand.u32 $0x1, s2;
	s8 =	smul.u32 $0x14000, s22  }
0x6: {  	s4 =	sadd.s32 $0x6BC00, s0;
	s13 =	sadd.s32 $0xDC00, s0;
	s24 =	smul.u32 $0x50000, s22  }
0x7: {  	s5 =	sadd.s32 $0x1E00, s0;
	s9 =	sshll.u32 s22, $0x1;
	s11 =	smul.u32 $0x7000, s22  }
0x8: {  	s29 =	sshll.u32 s22, $0x6;
	s22 =	simm.s32 $0x6000;
	s7 =	smul.u32 $0x140000, s6  }
0x9: {  	_ =	strace $0x8000004A;
	[dreg:$0x4] =	wrdreg s5;
	s23 =	sor.u32 s6, s9  }
0xa: {  	s10 =	ssub.s32 $0x2, s6;
	s28 =	smul.u32 $0x3800, s6;
	s6 =	sor.u32 $0x1C05, s29  }
0xb: {  	s25 =	sshrl.u32 s10, $0x1;
	s26 =	sshrl.u32 s24, $0x2;
	s24 =	simm.s32 $0x2  }
0xc: {  	s7 =	sadd.s32 s8, s7;
	s8 =	smul.u32 $0x3800, s23;
	s12 =	ssub.s32 s10, s25  }
0xd: {  	s15 =	sadd.s32 s26, s1;
	s9 =	sadd.s32 s28, s11;
	s23 =	simm.s32 $0x1  }
0xe: {  	s25 =	simm.s32 $0x0;
	s7 =	sshrl.u32 s7, $0x3;
	s11 =	sadd.s32 $0x1000, s9  }
0xf: {  	s12 =	smax.u32 s12, $0x1;
	s15 =	sshrl.u32 s15, $0x3;
	s30 =	sshrl.u32 s8, $0x3  }
0x10: {  	s0 =	sadd.s32 s7, s0;
	s16 =	sshrl.u32 s11, $0x3;
	s31 =	sadd.s32 s14, s30  }
0x11: {  	s8 =	sadd.s32 s13, s30;
	s10 =	sadd.s32 $0x100, s30;
	s11 =	sadd.s32 $0x93C00, s0  }
0x12: {  	[dreg:$0x5] =	wrdreg s31;
	s9 =	sadd.s32 s14, s10;
	s10 =	sadd.s32 s13, s10  }
0x13: {  	s13 =	sadd.s32 s16, s13;
	s14 =	sadd.s32 s16, s14;
	s16 =	simm.s32 $0x5  }
.LBB2_1:
0x14: {  	s0 =	rddreg [dreg:$0x4]  }
0x15: {  	[spmem:s15], [sflag:s6] =	dma.local [hbm:s0], $0x2800  }
0x16: {  	_ =	swait.ge [sflag:s16], $0x2800  }
0x17: {  	[sflag:s16] =	ssyncset.done $0x0  }
0x18: {  	s18 =	rddreg [dreg:$0x5];
	[sflag:s16] =	ssyncadd.s32 $0xFFFFD800  }
0x19: {  	[tilespmem:s3], [sflag:$0x5] =	stream.linear.gather [hbm4b:s18+s3], $0x600, $0x38;
	[tilespmem:$0x1E000] =	vst v63  }
0x1a: {  	_ =	swait.ge [sflag:s16], $0x600  }
0x1b: {  	[sflag:s16] =	ssyncset.done $0x0  }
0x1c: {  	s19 =	simm.s32 $0x1000;
	[sflag:s16] =	ssyncadd.s32 $0xFFFFFA00  }
0x1d: {  	[tilespmem:s19], [sflag:$0x5] =	stream.linear.gather [hbm4b:s8+s3], $0x600, $0x38;
	[tilespmem:$0x1E000] =	vst v63  }
0x1e: {  	_ =	swait.ge [sflag:s16], $0x600  }
0x1f: {  	[sflag:s16] =	ssyncset.done $0x0  }
0x20: {  	s26 =	simm.s32 $0x800;
	[sflag:s16] =	ssyncadd.s32 $0xFFFFFA00  }
0x21: {  	[tilespmem:s26], [sflag:$0x3] =	stream.linear.gather [hbm4b:s9+s3], $0x600, $0x38;
	[tilespmem:$0x1E000] =	vst v63  }
0x22: {  	s31 =	simm.s32 $0x1800  }
0x23: {  	[tilespmem:s31], [sflag:$0x4] =	stream.linear.gather [hbm4b:s10+s3], $0x600, $0x38;
	[tilespmem:$0x1E000] =	vst v63  }
0x24: {  	_ = 	snop  }
0x25: {  	[tilespmem:s21], [sflag:$0x1] =	stream.indirect.gather [hbm4b:s4+s20], $0x80, s3, s20, $0xb8;
	[tilespmem:$0x1E000] =	vst v63  }
0x26: {  	s28 =	smov.u32 s14;
	s29 =	smov.u32 s13  }
0x27: {  	[tilespmem:s22], [sflag:$0x2] =	stream.indirect.gather [hbm4b:s4+s20], $0x80, s20, s20, $0xb8;
	[tilespmem:$0x1E000] =	vst v63  }
0x28: {  	s30 =	simm.s32 $0x0;
	s26 =	simm.s32 $0x0;
	[bflag:$0x0] =	sbarrier.arrive $0xFFFF  }
.LBB2_2:
0x29: {  	_ =	swait.ge [sflag:s23], $0x4000  }
0x2a: {  	s31 =	sand.u32 $0x800, s26;
	[sflag:s23] =	ssyncset.done $0x0  }
0x2b: {  	s0 =	sor.u32 $0x1000, s31;
	[sflag:s23] =	ssyncadd.s32 $0xFFFFC000  }
0x2c: {  	[spmem:s1] =	stream.indirect.scatter.add.f32 [tilespmem:s21], [sflag:$0x5], $0x80, s0, s20, $0xb8;
	[tilespmem:$0x1E000] =	vst v63  }
0x2d: {  	_ =	swait.ge [sflag:s16], $0x4000  }
0x2e: {  	[sflag:s16] =	ssyncset.done $0x0  }
0x2f: {  	s2 =	sor.u32 $0x100, s31;
	[sflag:s16] =	ssyncadd.s32 $0xFFFFC000  }
0x30: {  	[tilespmem:s21], [sflag:$0x1] =	stream.indirect.gather [hbm4b:s4+s20], $0x80, s2, s20, $0xb8;
	[tilespmem:$0x1E000] =	vst v63  }
0x31: {  	_ =	swait.ge [sflag:s24], $0x4000  }
0x32: {  	[sflag:s24] =	ssyncset.done $0x0  }
0x33: {  	s18 =	sor.u32 $0x1080, s31;
	[sflag:s24] =	ssyncadd.s32 $0xFFFFC000  }
0x34: {  	[spmem:s1] =	stream.indirect.scatter.add.f32 [tilespmem:s22], [sflag:$0x5], $0x80, s18, s20, $0xb8;
	[tilespmem:$0x1E000] =	vst v63  }
0x35: {  	_ =	swait.ge [sflag:s16], $0x4000  }
0x36: {  	[sflag:s16] =	ssyncset.done $0x0  }
0x37: {  	s19 =	sor.u32 $0x180, s31;
	[sflag:s16] =	ssyncadd.s32 $0xFFFFC000  }
0x38: {  	[tilespmem:s22], [sflag:$0x2] =	stream.indirect.gather [hbm4b:s4+s20], $0x80, s19, s20, $0xb8;
	[tilespmem:$0x1E000] =	vst v63  }
0x39: {  	_ =	swait.ge [sflag:s23], $0x4000  }
0x3a: {  	[sflag:s23] =	ssyncset.done $0x0  }
0x3b: {  	s5 =	sor.u32 $0x1100, s31;
	[sflag:s23] =	ssyncadd.s32 $0xFFFFC000  }
0x3c: {  	[spmem:s1] =	stream.indirect.scatter.add.f32 [tilespmem:s21], [sflag:$0x5], $0x80, s5, s20, $0xb8;
	[tilespmem:$0x1E000] =	vst v63  }
0x3d: {  	_ =	swait.ge [sflag:s16], $0x4000  }
0x3e: {  	[sflag:s16] =	ssyncset.done $0x0  }
0x3f: {  	s7 =	sor.u32 $0x200, s31;
	[sflag:s16] =	ssyncadd.s32 $0xFFFFC000  }
0x40: {  	[tilespmem:s21], [sflag:$0x1] =	stream.indirect.gather [hbm4b:s4+s20], $0x80, s7, s20, $0xb8;
	[tilespmem:$0x1E000] =	vst v63  }
0x41: {  	_ =	swait.ge [sflag:s24], $0x4000  }
0x42: {  	[sflag:s24] =	ssyncset.done $0x0  }
0x43: {  	s17 =	sor.u32 $0x1180, s31;
	[sflag:s24] =	ssyncadd.s32 $0xFFFFC000  }
0x44: {  	[spmem:s1] =	stream.indirect.scatter.add.f32 [tilespmem:s22], [sflag:$0x5], $0x80, s17, s20, $0xb8;
	[tilespmem:$0x1E000] =	vst v63  }
0x45: {  	_ =	swait.ge [sflag:s16], $0x4000  }
0x46: {  	[sflag:s16] =	ssyncset.done $0x0  }
0x47: {  	s18 =	sor.u32 $0x280, s31;
	[sflag:s16] =	ssyncadd.s32 $0xFFFFC000  }
0x48: {  	[tilespmem:s22], [sflag:$0x2] =	stream.indirect.gather [hbm4b:s4+s20], $0x80, s18, s20, $0xb8;
	[tilespmem:$0x1E000] =	vst v63  }
0x49: {  	_ =	swait.ge [sflag:s23], $0x4000  }
0x4a: {  	[sflag:s23] =	ssyncset.done $0x0  }
0x4b: {  	s19 =	sor.u32 $0x1200, s31;
	[sflag:s23] =	ssyncadd.s32 $0xFFFFC000  }
0x4c: {  	[spmem:s1] =	stream.indirect.scatter.add.f32 [tilespmem:s21], [sflag:$0x5], $0x80, s19, s20, $0xb8;
	[tilespmem:$0x1E000] =	vst v63  }
0x4d: {  	_ =	swait.ge [sflag:s16], $0x4000  }
0x4e: {  	[sflag:s16] =	ssyncset.done $0x0  }
0x4f: {  	s5 =	sor.u32 $0x300, s31;
	[sflag:s16] =	ssyncadd.s32 $0xFFFFC000  }
0x50: {  	[tilespmem:s21], [sflag:$0x1] =	stream.indirect.gather [hbm4b:s4+s20], $0x80, s5, s20, $0xb8;
	[tilespmem:$0x1E000] =	vst v63  }
0x51: {  	_ =	swait.ge [sflag:s24], $0x4000  }
0x52: {  	[sflag:s24] =	ssyncset.done $0x0  }
0x53: {  	s7 =	sor.u32 $0x1280, s31;
	[sflag:s24] =	ssyncadd.s32 $0xFFFFC000  }
0x54: {  	[spmem:s1] =	stream.indirect.scatter.add.f32 [tilespmem:s22], [sflag:$0x5], $0x80, s7, s20, $0xb8;
	[tilespmem:$0x1E000] =	vst v63  }
0x55: {  	_ =	swait.ge [sflag:s16], $0x4000  }
0x56: {  	[sflag:s16] =	ssyncset.done $0x0  }
0x57: {  	s17 =	sor.u32 $0x380, s31;
	[sflag:s16] =	ssyncadd.s32 $0xFFFFC000  }
0x58: {  	[tilespmem:s22], [sflag:$0x2] =	stream.indirect.gather [hbm4b:s4+s20], $0x80, s17, s20, $0xb8;
	[tilespmem:$0x1E000] =	vst v63  }
0x59: {  	_ =	swait.ge [sflag:s23], $0x4000  }
0x5a: {  	[sflag:s23] =	ssyncset.done $0x0  }
0x5b: {  	s18 =	sor.u32 $0x1300, s31;
	[sflag:s23] =	ssyncadd.s32 $0xFFFFC000  }
0x5c: {  	[spmem:s1] =	stream.indirect.scatter.add.f32 [tilespmem:s21], [sflag:$0x5], $0x80, s18, s20, $0xb8;
	[tilespmem:$0x1E000] =	vst v63  }
0x5d: {  	_ =	swait.ge [sflag:s16], $0x4000  }
0x5e: {  	[sflag:s16] =	ssyncset.done $0x0  }
0x5f: {  	s19 =	sor.u32 $0x400, s31;
	[sflag:s16] =	ssyncadd.s32 $0xFFFFC000  }
0x60: {  	[tilespmem:s21], [sflag:$0x1] =	stream.indirect.gather [hbm4b:s4+s20], $0x80, s19, s20, $0xb8;
	[tilespmem:$0x1E000] =	vst v63  }
0x61: {  	_ =	swait.ge [sflag:s24], $0x4000  }
0x62: {  	[sflag:s24] =	ssyncset.done $0x0  }
0x63: {  	s5 =	sor.u32 $0x1380, s31;
	[sflag:s24] =	ssyncadd.s32 $0xFFFFC000  }
0x64: {  	[spmem:s1] =	stream.indirect.scatter.add.f32 [tilespmem:s22], [sflag:$0x5], $0x80, s5, s20, $0xb8;
	[tilespmem:$0x1E000] =	vst v63  }
0x65: {  	_ =	swait.ge [sflag:s16], $0x4000  }
0x66: {  	[sflag:s16] =	ssyncset.done $0x0  }
0x67: {  	s7 =	sor.u32 $0x480, s31;
	[sflag:s16] =	ssyncadd.s32 $0xFFFFC000  }
0x68: {  	[tilespmem:s22], [sflag:$0x2] =	stream.indirect.gather [hbm4b:s4+s20], $0x80, s7, s20, $0xb8;
	[tilespmem:$0x1E000] =	vst v63  }
0x69: {  	_ =	swait.ge [sflag:s23], $0x4000  }
0x6a: {  	[sflag:s23] =	ssyncset.done $0x0  }
0x6b: {  	s17 =	sor.u32 $0x1400, s31;
	[sflag:s23] =	ssyncadd.s32 $0xFFFFC000  }
0x6c: {  	[spmem:s1] =	stream.indirect.scatter.add.f32 [tilespmem:s21], [sflag:$0x5], $0x80, s17, s20, $0xb8;
	[tilespmem:$0x1E000] =	vst v63  }
0x6d: {  	_ =	swait.ge [sflag:s16], $0x4000  }
0x6e: {  	[sflag:s16] =	ssyncset.done $0x0  }
0x6f: {  	s2 =	sor.u32 $0x500, s31;
	[sflag:s16] =	ssyncadd.s32 $0xFFFFC000  }
0x70: {  	[tilespmem:s21], [sflag:$0x1] =	stream.indirect.gather [hbm4b:s4+s20], $0x80, s2, s20, $0xb8;
	[tilespmem:$0x1E000] =	vst v63  }
0x71: {  	_ =	swait.ge [sflag:s24], $0x4000  }
0x72: {  	[sflag:s24] =	ssyncset.done $0x0  }
0x73: {  	s17 =	sor.u32 $0x1480, s31;
	[sflag:s24] =	ssyncadd.s32 $0xFFFFC000  }
0x74: {  	[spmem:s1] =	stream.indirect.scatter.add.f32 [tilespmem:s22], [sflag:$0x5], $0x80, s17, s20, $0xb8;
	[tilespmem:$0x1E000] =	vst v63  }
0x75: {  	_ =	swait.ge [sflag:s16], $0x4000  }
0x76: {  	p0 =	seq.s32 s30, $0x6;
	[sflag:s16] =	ssyncset.done $0x0  }
0x77: {  	s18 =	simm.s32 @p0 $0x1;
	s17 =	sor.u32 $0x580, s31;
	[sflag:s16] =	ssyncadd.s32 $0xFFFFC000  }
0x78: {  	[tilespmem:s22], [sflag:$0x2] =	stream.indirect.gather [hbm4b:s4+s20], $0x80, s17, s20, $0xb8;
	[tilespmem:$0x1E000] =	vst v63  }
0x79: {  	_ =	swait.ge @p0 [sflag:s18], $0x4000  }
0x7a: {  	s19 =	simm.s32 @p0 $0x80;
	[sflag:s18] =	ssyncset.done @p0 $0x0  }
0x7b: {  	s5 =	simm.s32 @p0 $0x2000;
	[sflag:s18] =	ssyncadd.s32 @p0 $0xFFFFC000;
	s18 =	sor.u32 @p0 $0x1000, s2  }
0x7c: {  	[spmem:s1] =	stream.indirect.scatter.add.f32 @p0 [tilespmem:s5], [sflag:$0x5], $0x80, s18, s19, $0xb8;
	[tilespmem:$0x1E000] =	vst v63  }
0x7d: {  	s5 =	simm.s32 @p0 $0x5  }
0x7e: {  	_ =	swait.ge @p0 [sflag:s5], $0x4000  }
0x7f: {  	[sflag:s5] =	ssyncset.done @p0 $0x0  }
0x80: {  	[sflag:s5] =	ssyncadd.s32 @p0 $0xFFFFC000;
	s5 =	simm.s32 @!p0 $0x3  }
0x81: {  	_ =	swait.ge @!p0 [sflag:s5], $0x600  }
0x82: {  	[sflag:s5] =	ssyncset.done @!p0 $0x0  }
0x83: {  	[sflag:s5] =	ssyncadd.s32 @!p0 $0xFFFFFA00;
	s5 =	simm.s32 @!p0 $0x4  }
0x84: {  	_ =	swait.ge @!p0 [sflag:s5], $0x600  }
0x85: {  	[sflag:s5] =	ssyncset.done @!p0 $0x0  }
0x86: {  	[sflag:s5] =	ssyncadd.s32 @!p0 $0xFFFFFA00;
	s5 =	simm.s32 @!p0 $0x1  }
0x87: {  	_ =	swait.ge @!p0 [sflag:s5], $0x4000  }
0x88: {  	s2 =	sor.u32 @!p0 $0x1000, s2;
	[sflag:s5] =	ssyncset.done @!p0 $0x0  }
0x89: {  	s18 =	simm.s32 @!p0 $0x2000;
	[sflag:s5] =	ssyncadd.s32 @!p0 $0xFFFFC000;
	s5 =	simm.s32 @!p0 $0x80  }
0x8a: {  	[spmem:s1] =	stream.indirect.scatter.add.f32 @!p0 [tilespmem:s18], [sflag:$0x5], $0x80, s2, s5, $0xb8;
	[tilespmem:$0x1E000] =	vst v63  }
0x8b: {  	s2 =	simm.s32 @!p0 $0x5  }
0x8c: {  	s19 =	sadd.s32 $0x1, s30;
	_ =	swait.ge @!p0 [sflag:s2], $0x4000  }
0x8d: {  	s7 =	sand.u32 $0x1, s19;
	[sflag:s2] =	ssyncset.done @!p0 $0x0  }
0x8e: {  	[sflag:s2] =	ssyncadd.s32 @!p0 $0xFFFFC000;
	s2 =	sshll.u32 @!p0 s7, $0xB  }
0x8f: {  	[tilespmem:s18], [sflag:$0x1] =	stream.indirect.gather @!p0 [hbm4b:s4+s5], $0x80, s2, s5, $0xb8;
	[tilespmem:$0x1E000] =	vst v63  }
0x90: {  	_ =	swait.ge [sflag:s24], $0x4000  }
0x91: {  	[sflag:s24] =	ssyncset.done $0x0  }
0x92: {  	s18 =	sor.u32 $0x1000, s17;
	[sflag:s24] =	ssyncadd.s32 $0xFFFFC000  }
0x93: {  	[spmem:s1] =	stream.indirect.scatter.add.f32 [tilespmem:s22], [sflag:$0x5], $0x80, s18, s20, $0xb8;
	[tilespmem:$0x1E000] =	vst v63  }
0x94: {  	p1 =	sgt.u32 @!p0 s30, $0x4;
	_ =	swait.ge [sflag:s16], $0x4000  }
0x95: {  	p1 =	por p1, p0;
	[sflag:s16] =	ssyncset.done $0x0  }
0x96: {  	s7 =	simm.s32 @!p0 $0x6000;
	s2 =	sor.u32 @!p0 $0x80, s2;
	[sflag:s16] =	ssyncadd.s32 $0xFFFFC000  }
0x97: {  	[tilespmem:s7], [sflag:$0x2] =	stream.indirect.gather @!p0 [hbm4b:s4+s5], $0x80, s2, s5, $0xb8;
	[tilespmem:$0x1E000] =	vst v63  }
0x98: {  	s2 =	simm.s32 @!p1 $0x0  }
0x99: {  	[tilespmem:s31], [sflag:$0x3] =	stream.linear.gather @!p1 [hbm4b:s28+s2], $0x600, $0x38;
	[tilespmem:$0x1E000] =	vst v63  }
0x9a: {  	_ = 	snop  }
0x9b: {  	[tilespmem:s0], [sflag:$0x4] =	stream.linear.gather @!p1 [hbm4b:s29+s2], $0x600, $0x38;
	[tilespmem:$0x1E000] =	vst v63  }
0x9c: {  	p1 =	sne.s32 @!p0 s19, $0x7  }
0x9d: {  	p1 =	por p0, !p1  }
.Ltmp0:
0x9e: {  	_ = 	snop;
	(pc) =	sbr.rel @!p1 .LBB2_2-.Ltmp0, $3  }
0x9f: {  	_ =	sdelay $0x1  }
0xa0: {  	s26 =	sadd.s32 @!p0 $0x800, s26  }
0xa1: {  	s30 =	smov.u32 s19;
	s28 =	sadd.s32 @!p0 $0x100, s28;
	s29 =	sadd.s32 @!p0 $0x100, s29  }
0xa2: {  	s25 =	sadd.s32 $0x1, s25  }
0xa3: {  	p0 =	sne.s32 s25, s12  }
.Ltmp1:
0xa4: {  	[bflag:$0x0] =	sbarrier.arrive $0xFFFF;
	(pc) =	sbr.rel @p0 .LBB2_1-.Ltmp1, $4  }
0xa5: {  	[hbm:s11], [sflag:s6] =	dma.local [spmem:s15], $0x2800  }
0xa6: {  	_ =	swait.ge [sflag:s16], $0x2800  }
0xa7: {  	[sflag:s16] =	ssyncset.done $0x0  }
0xa8: {  	[sflag:s16] =	ssyncadd.s32 $0xFFFFD800  }
0xa9: {  	_ =	sfence.sel $0x180000  }
0xaa: {  	[bflag:$0x0] =	sbarrier.arrive $0xFFFF  }
0xab: {  	_ =	strace $0x9000004A  }
0xac: {  	s0 =	stileid.u32;
	[bflag:$0x2] =	sbarrier.arrive $0xFFFF  }
0xad: {  	p0 =	sne.s32 s0, $0x0;
	s0 =	rddreg [dreg:$0x3]  }
0xae: {  	s0 =	sadd.s32 @!p0 $0x100000, s0  }
0xaf: {  	[sflag:s0] =	ssyncadd.tile.s32 @!p0 $0x1;
	_ =	shalt  }
.Lfunc_end2:
_tile_overlayer_lowered:
.L_overlay_start_2:
0xb0: {  	(tag) =	ssettag $0x2  }
0xb1: {  	s0 =	rddreg [dreg:$0x0];
	s2 =	stileid.u32  }
0xb2: {  	s1 =	rddreg [dreg:$0x1];
	p0 =	sne.s32 s2, $0x0  }
0xb3: {  	s3 =	rddreg [dreg:$0x2];
	[bflag:$0x3] =	sbarrier.arrive $0xFFFF;
	s2 =	simm.s32 @!p0 $0x1C05  }
0xb4: {  	[timem:s3], [sflag:s2] =	dma.local @!p0 [hbm:s0], s1  }
0xb5: {  	s0 =	simm.s32 @!p0 $0x5  }
0xb6: {  	_ =	swait.ge @!p0 [sflag:s0], s1  }
0xb7: {  	s1 =	ssub.s32 @!p0 $0x0, s1;
	[sflag:s0] =	ssyncset.done @!p0 $0x0  }
0xb8: {  	[sflag:s0] =	ssyncadd.s32 @!p0 s1  }
0xb9: {  	[bflag:$0x3] =	sbarrier.arrive $0xFFFF  }
0xba: {  	_ =	shalt  }

// kernel: kernel.14.cloned.1.call-start
scs
__scs_entry_jumppad:
0x0: {  	(pc) =	sbr.rel $0x88, $3  }
0x1: {  	(tag) =	ssettag $0x0;
	lr =	simm.s32 $0x1  }
0x2: {  	[smem:$0x3F9B] =	sst lr;
	_ =	strace $0xD0000000  }
0x3: {  	_ = 	snop  }
0x4: {  	_ = 	snop  }
0x5: {  	_ = 	snop  }
0x6: {  	_ = 	snop  }
0x7: {  	_ = 	snop  }
__scs_overlays_trampoline_lowered:
0x8: {  	[smem:$0x3FAA] =	sst s0  }
0x9: {  	[smem:$0x3FAB] =	sst s1  }
0xa: {  	[smem:$0x3FAC] =	sst s2  }
0xb: {  	[smem:$0x3FAD] =	sst s3  }
0xc: {  	[smem:$0x3FAE] =	sst s4  }
0xd: {  	[smem:$0x3FAF] =	sst s5  }
0xe: {  	[smem:$0x3FB0] =	sst s6  }
0xf: {  	[smem:$0x3FB1] =	sst s7  }
0x10: {  	[smem:$0x3FB2] =	sst s8  }
0x11: {  	[smem:$0x3FB3] =	sst s9;
	s0 =	simm.s32 @!p0 $0x0  }
0x12: {  	s1 =	sld [smem:$0x3F99];
	s0 =	simm.s32 @p0 $0x1  }
0x13: {  	[smem:$0x3FB4] =	sst s0;
	s0 =	simm.s32 @!p1 $0x0  }
0x14: {  	s2 =	sld [smem:$0x3F98];
	s0 =	simm.s32 @p1 $0x1  }
0x15: {  	[smem:$0x3FB5] =	sst s0;
	s0 =	simm.s32 @!p2 $0x0  }
0x16: {  	s3 =	sld [smem:$0x3FDB];
	s0 =	simm.s32 @p2 $0x1  }
0x17: {  	s4 =	simm.s32 $0x1BF5;
	[smem:$0x3FB7] =	sst s0  }
0x18: {  	s0 =	sld [smem:$0x3F9A];
	_ =	swait.ge [sflag:s4], $0x0  }
0x19: {  	s7 =	sld [smem:$0x3F9B]  }
0x1a: {  	s8 =	sadd.s32 $0xFFFFE003, lr  }
0x1b: {  	s9 =	sadd.s32 $0xFFFFFEF7, lr;
	s5 =	simm.s32 $0xFFFFFFFF;
	p2 =	slt.u32 s8, $0xFFFFF086  }
0x1c: {  	p1 =	slt.u32 s9, $0xF7A;
	s5 =	simm.s32 @!p2 $0x0  }
0x1d: {  	s5 =	simm.s32 @p1 $0x1;
	p0 =	seq.s32 s7, s2  }
0x1e: {  	s7 =	smul.u32 @!p0 $0xF7A, s2;
	p2 =	seq.s32 @!p0 s5, $0x0  }
0x1f: {  	s9 =	smul.u32 $0xF7A, s1;
	s8 =	simm.s32 @!p0 $0x1BF5;
	p2 =	por !p2, p0  }
0x20: {  	[sflag:s8] =	ssyncset.s32 @!p0 $0xFFFFF086;
	s6 =	sadd.s32 @!p0 s3, s7;
	s7 =	simm.s32 @!p0 $0x108  }
0x21: {  	s3 =	sadd.s32 s3, s9;
	s6 =	sadd.s32 @!p0 $0x88, s6;
	s7 =	simm.s32 @p2 $0x1082  }
0x22: {  	[simem:s7], [sflag:s8] =	dma.local @!p0 [hbm:s6], $0xF7A  }
0x23: {  	s9 =	sor.u32 $0xD0000000, s2;
	s6 =	simm.s32 $0x108;
	_ =	swait.ge @!p0 [sflag:s8], $0x0  }
0x24: {  	s3 =	sadd.s32 $0x88, s3;
	s6 =	simm.s32 @!p1 $0x1082;
	[sflag:s4] =	ssyncset.s32 $0xFFFFF086  }
0x25: {  	[simem:s6], [sflag:s4] =	dma.local [hbm:s3], $0xF7A  }
0x26: {  	[smem:$0x3F9B] =	sst s1;
	(tag) =	ssettag s2;
	_ =	strace s9  }
0x27: {  	s1 =	sld [smem:$0x3FAB]  }
0x28: {  	s2 =	sld [smem:$0x3FAC]  }
0x29: {  	s4 =	sld [smem:$0x3FAE]  }
0x2a: {  	p0 =	seq.s32 s5, $0x0;
	s5 =	sld [smem:$0x3FAF]  }
0x2b: {  	s6 =	sld [smem:$0x3FB0]  }
0x2c: {  	s7 =	sld [smem:$0x3FB1]  }
0x2d: {  	s3 =	simm.s32 $0x108;
	s8 =	sld [smem:$0x3FB2]  }
0x2e: {  	s3 =	simm.s32 @!p0 $0x1082;
	s9 =	sld [smem:$0x3FB3]  }
0x2f: {  	lr =	sadd.s32 s0, s3;
	s0 =	sld [smem:$0x3FAA]  }
0x30: {  	s3 =	sld [smem:$0x3FAD]  }
0x31: {  	[smem:$0x3FB6] =	sst s10  }
0x32: {  	s10 =	sld [smem:$0x3FB4];
	_ =	sdelay $0x3  }
0x33: {  	p0 =	seq.s32 s10, $0x1;
	s10 =	sld [smem:$0x3FB6];
	_ =	sdelay $0x3  }
0x34: {  	[smem:$0x3FB6] =	sst s10  }
0x35: {  	s10 =	sld [smem:$0x3FB5];
	_ =	sdelay $0x3  }
0x36: {  	p1 =	seq.s32 s10, $0x1;
	s10 =	sld [smem:$0x3FB6];
	_ =	sdelay $0x3  }
0x37: {  	[smem:$0x3FB6] =	sst s10  }
0x38: {  	s10 =	sld [smem:$0x3FB7]  }
0x39: {  	_ = 	snop;
	(pc) =	sbr.ind lr, $3  }
0x3a: {  	_ = 	snop  }
0x3b: {  	_ = 	snop  }
0x3c: {  	p2 =	seq.s32 s10, $0x1;
	s10 =	sld [smem:$0x3FB6]  }
0x3d: {  	_ =	shalt  }
0x3e: {  	_ =	shalt  }
0x3f: {  	_ =	shalt  }
0x40: {  	_ =	shalt  }
0x41: {  	_ =	shalt  }
0x42: {  	_ =	shalt  }
0x43: {  	_ =	shalt  }
0x44: {  	_ =	shalt  }
0x45: {  	_ =	shalt  }
0x46: {  	_ =	shalt  }
0x47: {  	_ =	shalt  }
0x48: {  	_ =	shalt  }
0x49: {  	_ =	shalt  }
0x4a: {  	_ =	shalt  }
0x4b: {  	_ =	shalt  }
0x4c: {  	_ =	shalt  }
0x4d: {  	_ =	shalt  }
0x4e: {  	_ =	shalt  }
0x4f: {  	_ =	shalt  }
0x50: {  	_ =	shalt  }
0x51: {  	_ =	shalt  }
0x52: {  	_ =	shalt  }
0x53: {  	_ =	shalt  }
0x54: {  	_ =	shalt  }
0x55: {  	_ =	shalt  }
0x56: {  	_ =	shalt  }
0x57: {  	_ =	shalt  }
0x58: {  	_ =	shalt  }
0x59: {  	_ =	shalt  }
0x5a: {  	_ =	shalt  }
0x5b: {  	_ =	shalt  }
0x5c: {  	_ =	shalt  }
0x5d: {  	_ =	shalt  }
0x5e: {  	_ =	shalt  }
0x5f: {  	_ =	shalt  }
0x60: {  	_ =	shalt  }
0x61: {  	_ =	shalt  }
0x62: {  	_ =	shalt  }
0x63: {  	_ =	shalt  }
0x64: {  	_ =	shalt  }
0x65: {  	_ =	shalt  }
0x66: {  	_ =	shalt  }
0x67: {  	_ =	shalt  }
0x68: {  	_ =	shalt  }
0x69: {  	_ =	shalt  }
0x6a: {  	_ =	shalt  }
0x6b: {  	_ =	shalt  }
0x6c: {  	_ =	shalt  }
0x6d: {  	_ =	shalt  }
0x6e: {  	_ =	shalt  }
0x6f: {  	_ =	shalt  }
0x70: {  	_ =	shalt  }
0x71: {  	_ =	shalt  }
0x72: {  	_ =	shalt  }
0x73: {  	_ =	shalt  }
0x74: {  	_ =	shalt  }
0x75: {  	_ =	shalt  }
0x76: {  	_ =	shalt  }
0x77: {  	_ =	shalt  }
0x78: {  	_ =	shalt  }
0x79: {  	_ =	shalt  }
0x7a: {  	_ =	shalt  }
0x7b: {  	_ =	shalt  }
0x7c: {  	_ =	shalt  }
0x7d: {  	_ =	shalt  }
0x7e: {  	_ =	shalt  }
0x7f: {  	_ =	shalt  }
0x80: {  	_ =	shalt  }
0x81: {  	_ =	shalt  }
0x82: {  	_ =	shalt  }
0x83: {  	_ =	shalt  }
0x84: {  	_ =	shalt  }
0x85: {  	_ =	shalt  }
0x86: {  	_ =	shalt  }
0x87: {  	_ =	shalt  }
.Lfunc_end0:
.L_simem_size_0:
called_computation.2_lowered:
.L_overlay_start_0:
0x88: {  	s2 =	sld [smem:$0x3FD9]  }
0x89: {  	s3 =	sld [smem:$0x3FFE];
	_ =	sdelay $0x1  }
0x8a: {  	s1 =	srdreg.scid  }
0x8b: {  	s0 =	sand.u32 $0x1, s1  }
0x8c: {  	s17 =	sshll.u32 s0, $0xA;
	s2 =	sadd.s32 s3, s2  }
0x8d: {  	s2 =	sadd.s32 s2, s17  }
0x8e: {  	[smem:$0x3FC2] =	sst s2  }
0x8f: {  	_ = 	snop  }
0x90: {  	s2 =	sld [smem:$0x3FD0];
	(tm) =	ssettm $0x1  }
0x91: {  	s18 =	sld [smem:$0x3FFB];
	_ =	sdelay $0x3  }
0x92: {  	_ =	strace s18  }
0x93: {  	s3 =	sld [smem:$0x3FFC];
	_ =	sdelay $0x3  }
0x94: {  	_ =	strace s3  }
0x95: {  	s3 =	sld [smem:$0x3FFD];
	_ =	sdelay $0x3  }
0x96: {  	_ =	strace s3  }
0x97: {  	_ =	strace $0x8FFFFFFF  }
0x98: {  	s19 =	sld [smem:$0x3FDB];
	_ =	sdelay $0x1  }
0x99: {  	s4 =	simm.s32 $_scs_section_size  }
0x9a: {  	s5 =	simm.s32 $_size__tile_overlayer_lowered;
	s6 =	simm.s32 $_tile_overlayer_lowered  }
0x9b: {  	s22 =	simm.s32 $0x1BFF;
	s21 =	sshll.u32 s6, $0x1;
	s3 =	sadd.s32 s4, s19  }
0x9c: {  	s7 =	simm.s32 $0x0;
	s20 =	sshll.u32 s5, $0x1;
	s5 =	sadd.s32 s21, s3  }
0x9d: {  	[timem:s7], [sflag:s22] =	dma.local [hbm:s5], s20  }
0x9e: {  	_ =	swait.ge [sflag:s22], s20  }
0x9f: {  	s4 =	ssub.s32 $0x0, s20;
	[sflag:s22] =	ssyncset.done $0x0  }
0xa0: {  	[sflag:s22] =	ssyncadd.s32 s4;
	_ =	sdelay $0x1  }
0xa1: {  	s23 =	simm.s32 $0x1B8B  }
0xa2: {  	_ =	swait.ge [sflag:s23], $0x1  }
0xa3: {  	[sflag:s23] =	ssyncset.done $0x0  }
0xa4: {  	s25 =	simm.s32 $0x1B8E;
	s24 =	sld [smem:$0x3FFE];
	[sflag:s23] =	ssyncadd.s32 $0xFFFFFFFF  }
0xa5: {  	s26 =	simm.s32 $execute0_lowered;
	[smem:$0x3FD2] =	sst s25  }
0xa6: {  	s5 =	sshll.u32 s26, $0x1;
	_ =	strace $0x8000004C;
	[dreg:$0x1] =	wrdreg $0xFFFFFFFF  }
0xa7: {  	s28 =	simm.s32 $_size_execute0_lowered;
	s3 =	sadd.s32 s3, s5;
	[dreg:$0x0] =	wrdreg $0x0  }
0xa8: {  	s5 =	sshll.u32 s28, $0x1;
	[dreg:$0x2] =	wrdreg s3  }
0xa9: {  	[dreg:$0x3] =	wrdreg s5  }
0xaa: {  	[dreg:$0x4] =	wrdreg $0xC0  }
0xab: {  	_ =	task [dreg:s7], $0x5FFFF  }
0xac: {  	[dreg:$0x1] =	wrdreg $0xFFFFFFFF  }
0xad: {  	[dreg:$0x0] =	wrdreg $0x60  }
0xae: {  	[dreg:$0x2] =	wrdreg s24  }
0xaf: {  	[dreg:$0x3] =	wrdreg s2  }
0xb0: {  	[dreg:$0x4] =	wrdreg $0xA0000  }
0xb1: {  	[dreg:$0x5] =	wrdreg $0x9  }
0xb2: {  	_ =	task.clear_ibuf [dreg:s7], $0x6FFFF;
	_ =	strace $0x9000004C  }
0xb3: {  	s29 =	simm.s32 $0x9;
	_ =	strace $0x8000004E  }
0xb4: {  	_ =	swait.ge [sflag:s29], $0x1  }
0xb5: {  	[sflag:s29] =	ssyncadd.s32 $0xFFFFFFFF  }
0xb6: {  	_ =	strace $0x9000004E  }
0xb7: {  	_ =	sfence  }
0xb8: {  	s30 =	sld [smem:$0x0];
	_ =	sdelay $0x2  }
0xb9: {  	s31 =	sshll.u32 s1, $0xD;
	s1 =	sshrl.u32 s1, $0x2  }
0xba: {  	s3 =	sand.u32 $0x4000, s31;
	s1 =	sadd.s32 s1, s30  }
0xbb: {  	s0 =	sor.u32 s3, s0;
	s1 =	sshll.u32 s1, $0x11  }
0xbc: {  	s0 =	sor.u32 s1, s0  }
0xbd: {  	s0 =	sadd.s32 $0x8F2B, s0  }
0xbe: {  	[sflag:s0] =	ssyncadd.remote.s32 $0x1  }
0xbf: {  	_ =	sfence.sel $0xFFFF  }
0xc0: {  	[dreg:$0x0] =	wrdreg $0xFFFFFFFF;
	(pc) =	sbr.abs _section_cstart, $3  }
0xc1: {  	[dreg:$0x1] =	wrdreg $0xFFFFFFFF  }
0xc2: {  	_ =	task.clear_ibuf [dreg:s7], $0x2FFFF;
	_ =	strace $0x9FFFFFFF  }
0xc3: {  	(tm) =	ssettm $0x7FFFFFFF  }
tec
execute0_lowered:
.L_overlay_start_1:
0x0: {  	(tag) =	ssettag $0x1  }
0x1: {  	s0 =	rddreg [dreg:$0x0]  }
0x2: {  	s14 =	rddreg [dreg:$0x1]  }
0x3: {  	s1 =	rddreg [dreg:$0x2];
	s3 =	simm.s32 $0x0;
	s2 =	srdreg.scid  }
0x4: {  	s22 =	stileid.u32;
	s20 =	simm.s32 $0x80;
	s21 =	simm.s32 $0x2000  }
0x5: {  	[smem:$0x7FF] =	sst s3;
	s6 =	sand.u32 $0x1, s2;
	s8 =	smul.u32 $0x14000, s22  }
0x6: {  	s4 =	sadd.s32 $0x6BC00, s0;
	s13 =	sadd.s32 $0xDC00, s0;
	s24 =	smul.u32 $0x50000, s22  }
0x7: {  	s5 =	sadd.s32 $0x1E00, s0;
	s9 =	sshll.u32 s22, $0x1;
	s11 =	smul.u32 $0x7000, s22  }
0x8: {  	s29 =	sshll.u32 s22, $0x6;
	s22 =	simm.s32 $0x6000;
	s7 =	smul.u32 $0x140000, s6  }
0x9: {  	_ =	strace $0x8000004D;
	[dreg:$0x4] =	wrdreg s5;
	s23 =	sor.u32 s6, s9  }
0xa: {  	s10 =	ssub.s32 $0x2, s6;
	s28 =	smul.u32 $0x3800, s6;
	s6 =	sor.u32 $0x1C05, s29  }
0xb: {  	s25 =	sshrl.u32 s10, $0x1;
	s26 =	sshrl.u32 s24, $0x2;
	s24 =	simm.s32 $0x2  }
0xc: {  	s7 =	sadd.s32 s8, s7;
	s8 =	smul.u32 $0x3800, s23;
	s12 =	ssub.s32 s10, s25  }
0xd: {  	s15 =	sadd.s32 s26, s1;
	s9 =	sadd.s32 s28, s11;
	s23 =	simm.s32 $0x1  }
0xe: {  	s25 =	simm.s32 $0x0;
	s7 =	sshrl.u32 s7, $0x3;
	s11 =	sadd.s32 $0x1000, s9  }
0xf: {  	s12 =	smax.u32 s12, $0x1;
	s15 =	sshrl.u32 s15, $0x3;
	s30 =	sshrl.u32 s8, $0x3  }
0x10: {  	s0 =	sadd.s32 s7, s0;
	s16 =	sshrl.u32 s11, $0x3;
	s31 =	sadd.s32 s14, s30  }
0x11: {  	s8 =	sadd.s32 s13, s30;
	s10 =	sadd.s32 $0x100, s30;
	s11 =	sadd.s32 $0x93C00, s0  }
0x12: {  	[dreg:$0x5] =	wrdreg s31;
	s9 =	sadd.s32 s14, s10;
	s10 =	sadd.s32 s13, s10  }
0x13: {  	s13 =	sadd.s32 s16, s13;
	s14 =	sadd.s32 s16, s14;
	s16 =	simm.s32 $0x5  }
.LBB2_1:
0x14: {  	s0 =	rddreg [dreg:$0x4]  }
0x15: {  	[spmem:s15], [sflag:s6] =	dma.local [hbm:s0], $0x2800  }
0x16: {  	_ =	swait.ge [sflag:s16], $0x2800  }
0x17: {  	[sflag:s16] =	ssyncset.done $0x0  }
0x18: {  	s18 =	rddreg [dreg:$0x5];
	[sflag:s16] =	ssyncadd.s32 $0xFFFFD800  }
0x19: {  	[tilespmem:s3], [sflag:$0x5] =	stream.linear.gather [hbm4b:s18+s3], $0x600, $0x38;
	[tilespmem:$0x1E000] =	vst v63  }
0x1a: {  	_ =	swait.ge [sflag:s16], $0x600  }
0x1b: {  	[sflag:s16] =	ssyncset.done $0x0  }
0x1c: {  	s19 =	simm.s32 $0x1000;
	[sflag:s16] =	ssyncadd.s32 $0xFFFFFA00  }
0x1d: {  	[tilespmem:s19], [sflag:$0x5] =	stream.linear.gather [hbm4b:s8+s3], $0x600, $0x38;
	[tilespmem:$0x1E000] =	vst v63  }
0x1e: {  	_ =	swait.ge [sflag:s16], $0x600  }
0x1f: {  	[sflag:s16] =	ssyncset.done $0x0  }
0x20: {  	s26 =	simm.s32 $0x800;
	[sflag:s16] =	ssyncadd.s32 $0xFFFFFA00  }
0x21: {  	[tilespmem:s26], [sflag:$0x3] =	stream.linear.gather [hbm4b:s9+s3], $0x600, $0x38;
	[tilespmem:$0x1E000] =	vst v63  }
0x22: {  	s31 =	simm.s32 $0x1800  }
0x23: {  	[tilespmem:s31], [sflag:$0x4] =	stream.linear.gather [hbm4b:s10+s3], $0x600, $0x38;
	[tilespmem:$0x1E000] =	vst v63  }
0x24: {  	_ = 	snop  }
0x25: {  	[tilespmem:s21], [sflag:$0x1] =	stream.indirect.gather [hbm4b:s4+s20], $0x80, s3, s20, $0xb8;
	[tilespmem:$0x1E000] =	vst v63  }
0x26: {  	s28 =	smov.u32 s14;
	s29 =	smov.u32 s13  }
0x27: {  	[tilespmem:s22], [sflag:$0x2] =	stream.indirect.gather [hbm4b:s4+s20], $0x80, s20, s20, $0xb8;
	[tilespmem:$0x1E000] =	vst v63  }
0x28: {  	s30 =	simm.s32 $0x0;
	s26 =	simm.s32 $0x0;
	[bflag:$0x0] =	sbarrier.arrive $0xFFFF  }
.LBB2_2:
0x29: {  	_ =	swait.ge [sflag:s23], $0x4000  }
0x2a: {  	s31 =	sand.u32 $0x800, s26;
	[sflag:s23] =	ssyncset.done $0x0  }
0x2b: {  	s0 =	sor.u32 $0x1000, s31;
	[sflag:s23] =	ssyncadd.s32 $0xFFFFC000  }
0x2c: {  	[spmem:s1] =	stream.indirect.scatter.add.f32 [tilespmem:s21], [sflag:$0x5], $0x80, s0, s20, $0xb8;
	[tilespmem:$0x1E000] =	vst v63  }
0x2d: {  	_ =	swait.ge [sflag:s16], $0x4000  }
0x2e: {  	[sflag:s16] =	ssyncset.done $0x0  }
0x2f: {  	s2 =	sor.u32 $0x100, s31;
	[sflag:s16] =	ssyncadd.s32 $0xFFFFC000  }
0x30: {  	[tilespmem:s21], [sflag:$0x1] =	stream.indirect.gather [hbm4b:s4+s20], $0x80, s2, s20, $0xb8;
	[tilespmem:$0x1E000] =	vst v63  }
0x31: {  	_ =	swait.ge [sflag:s24], $0x4000  }
0x32: {  	[sflag:s24] =	ssyncset.done $0x0  }
0x33: {  	s18 =	sor.u32 $0x1080, s31;
	[sflag:s24] =	ssyncadd.s32 $0xFFFFC000  }
0x34: {  	[spmem:s1] =	stream.indirect.scatter.add.f32 [tilespmem:s22], [sflag:$0x5], $0x80, s18, s20, $0xb8;
	[tilespmem:$0x1E000] =	vst v63  }
0x35: {  	_ =	swait.ge [sflag:s16], $0x4000  }
0x36: {  	[sflag:s16] =	ssyncset.done $0x0  }
0x37: {  	s19 =	sor.u32 $0x180, s31;
	[sflag:s16] =	ssyncadd.s32 $0xFFFFC000  }
0x38: {  	[tilespmem:s22], [sflag:$0x2] =	stream.indirect.gather [hbm4b:s4+s20], $0x80, s19, s20, $0xb8;
	[tilespmem:$0x1E000] =	vst v63  }
0x39: {  	_ =	swait.ge [sflag:s23], $0x4000  }
0x3a: {  	[sflag:s23] =	ssyncset.done $0x0  }
0x3b: {  	s5 =	sor.u32 $0x1100, s31;
	[sflag:s23] =	ssyncadd.s32 $0xFFFFC000  }
0x3c: {  	[spmem:s1] =	stream.indirect.scatter.add.f32 [tilespmem:s21], [sflag:$0x5], $0x80, s5, s20, $0xb8;
	[tilespmem:$0x1E000] =	vst v63  }
0x3d: {  	_ =	swait.ge [sflag:s16], $0x4000  }
0x3e: {  	[sflag:s16] =	ssyncset.done $0x0  }
0x3f: {  	s7 =	sor.u32 $0x200, s31;
	[sflag:s16] =	ssyncadd.s32 $0xFFFFC000  }
0x40: {  	[tilespmem:s21], [sflag:$0x1] =	stream.indirect.gather [hbm4b:s4+s20], $0x80, s7, s20, $0xb8;
	[tilespmem:$0x1E000] =	vst v63  }
0x41: {  	_ =	swait.ge [sflag:s24], $0x4000  }
0x42: {  	[sflag:s24] =	ssyncset.done $0x0  }
0x43: {  	s17 =	sor.u32 $0x1180, s31;
	[sflag:s24] =	ssyncadd.s32 $0xFFFFC000  }
0x44: {  	[spmem:s1] =	stream.indirect.scatter.add.f32 [tilespmem:s22], [sflag:$0x5], $0x80, s17, s20, $0xb8;
	[tilespmem:$0x1E000] =	vst v63  }
0x45: {  	_ =	swait.ge [sflag:s16], $0x4000  }
0x46: {  	[sflag:s16] =	ssyncset.done $0x0  }
0x47: {  	s18 =	sor.u32 $0x280, s31;
	[sflag:s16] =	ssyncadd.s32 $0xFFFFC000  }
0x48: {  	[tilespmem:s22], [sflag:$0x2] =	stream.indirect.gather [hbm4b:s4+s20], $0x80, s18, s20, $0xb8;
	[tilespmem:$0x1E000] =	vst v63  }
0x49: {  	_ =	swait.ge [sflag:s23], $0x4000  }
0x4a: {  	[sflag:s23] =	ssyncset.done $0x0  }
0x4b: {  	s19 =	sor.u32 $0x1200, s31;
	[sflag:s23] =	ssyncadd.s32 $0xFFFFC000  }
0x4c: {  	[spmem:s1] =	stream.indirect.scatter.add.f32 [tilespmem:s21], [sflag:$0x5], $0x80, s19, s20, $0xb8;
	[tilespmem:$0x1E000] =	vst v63  }
0x4d: {  	_ =	swait.ge [sflag:s16], $0x4000  }
0x4e: {  	[sflag:s16] =	ssyncset.done $0x0  }
0x4f: {  	s5 =	sor.u32 $0x300, s31;
	[sflag:s16] =	ssyncadd.s32 $0xFFFFC000  }
0x50: {  	[tilespmem:s21], [sflag:$0x1] =	stream.indirect.gather [hbm4b:s4+s20], $0x80, s5, s20, $0xb8;
	[tilespmem:$0x1E000] =	vst v63  }
0x51: {  	_ =	swait.ge [sflag:s24], $0x4000  }
0x52: {  	[sflag:s24] =	ssyncset.done $0x0  }
0x53: {  	s7 =	sor.u32 $0x1280, s31;
	[sflag:s24] =	ssyncadd.s32 $0xFFFFC000  }
0x54: {  	[spmem:s1] =	stream.indirect.scatter.add.f32 [tilespmem:s22], [sflag:$0x5], $0x80, s7, s20, $0xb8;
	[tilespmem:$0x1E000] =	vst v63  }
0x55: {  	_ =	swait.ge [sflag:s16], $0x4000  }
0x56: {  	[sflag:s16] =	ssyncset.done $0x0  }
0x57: {  	s17 =	sor.u32 $0x380, s31;
	[sflag:s16] =	ssyncadd.s32 $0xFFFFC000  }
0x58: {  	[tilespmem:s22], [sflag:$0x2] =	stream.indirect.gather [hbm4b:s4+s20], $0x80, s17, s20, $0xb8;
	[tilespmem:$0x1E000] =	vst v63  }
0x59: {  	_ =	swait.ge [sflag:s23], $0x4000  }
0x5a: {  	[sflag:s23] =	ssyncset.done $0x0  }
0x5b: {  	s18 =	sor.u32 $0x1300, s31;
	[sflag:s23] =	ssyncadd.s32 $0xFFFFC000  }
0x5c: {  	[spmem:s1] =	stream.indirect.scatter.add.f32 [tilespmem:s21], [sflag:$0x5], $0x80, s18, s20, $0xb8;
	[tilespmem:$0x1E000] =	vst v63  }
0x5d: {  	_ =	swait.ge [sflag:s16], $0x4000  }
0x5e: {  	[sflag:s16] =	ssyncset.done $0x0  }
0x5f: {  	s19 =	sor.u32 $0x400, s31;
	[sflag:s16] =	ssyncadd.s32 $0xFFFFC000  }
0x60: {  	[tilespmem:s21], [sflag:$0x1] =	stream.indirect.gather [hbm4b:s4+s20], $0x80, s19, s20, $0xb8;
	[tilespmem:$0x1E000] =	vst v63  }
0x61: {  	_ =	swait.ge [sflag:s24], $0x4000  }
0x62: {  	[sflag:s24] =	ssyncset.done $0x0  }
0x63: {  	s5 =	sor.u32 $0x1380, s31;
	[sflag:s24] =	ssyncadd.s32 $0xFFFFC000  }
0x64: {  	[spmem:s1] =	stream.indirect.scatter.add.f32 [tilespmem:s22], [sflag:$0x5], $0x80, s5, s20, $0xb8;
	[tilespmem:$0x1E000] =	vst v63  }
0x65: {  	_ =	swait.ge [sflag:s16], $0x4000  }
0x66: {  	[sflag:s16] =	ssyncset.done $0x0  }
0x67: {  	s7 =	sor.u32 $0x480, s31;
	[sflag:s16] =	ssyncadd.s32 $0xFFFFC000  }
0x68: {  	[tilespmem:s22], [sflag:$0x2] =	stream.indirect.gather [hbm4b:s4+s20], $0x80, s7, s20, $0xb8;
	[tilespmem:$0x1E000] =	vst v63  }
0x69: {  	_ =	swait.ge [sflag:s23], $0x4000  }
0x6a: {  	[sflag:s23] =	ssyncset.done $0x0  }
0x6b: {  	s17 =	sor.u32 $0x1400, s31;
	[sflag:s23] =	ssyncadd.s32 $0xFFFFC000  }
0x6c: {  	[spmem:s1] =	stream.indirect.scatter.add.f32 [tilespmem:s21], [sflag:$0x5], $0x80, s17, s20, $0xb8;
	[tilespmem:$0x1E000] =	vst v63  }
0x6d: {  	_ =	swait.ge [sflag:s16], $0x4000  }
0x6e: {  	[sflag:s16] =	ssyncset.done $0x0  }
0x6f: {  	s2 =	sor.u32 $0x500, s31;
	[sflag:s16] =	ssyncadd.s32 $0xFFFFC000  }
0x70: {  	[tilespmem:s21], [sflag:$0x1] =	stream.indirect.gather [hbm4b:s4+s20], $0x80, s2, s20, $0xb8;
	[tilespmem:$0x1E000] =	vst v63  }
0x71: {  	_ =	swait.ge [sflag:s24], $0x4000  }
0x72: {  	[sflag:s24] =	ssyncset.done $0x0  }
0x73: {  	s17 =	sor.u32 $0x1480, s31;
	[sflag:s24] =	ssyncadd.s32 $0xFFFFC000  }
0x74: {  	[spmem:s1] =	stream.indirect.scatter.add.f32 [tilespmem:s22], [sflag:$0x5], $0x80, s17, s20, $0xb8;
	[tilespmem:$0x1E000] =	vst v63  }
0x75: {  	_ =	swait.ge [sflag:s16], $0x4000  }
0x76: {  	p0 =	seq.s32 s30, $0x6;
	[sflag:s16] =	ssyncset.done $0x0  }
0x77: {  	s18 =	simm.s32 @p0 $0x1;
	s17 =	sor.u32 $0x580, s31;
	[sflag:s16] =	ssyncadd.s32 $0xFFFFC000  }
0x78: {  	[tilespmem:s22], [sflag:$0x2] =	stream.indirect.gather [hbm4b:s4+s20], $0x80, s17, s20, $0xb8;
	[tilespmem:$0x1E000] =	vst v63  }
0x79: {  	_ =	swait.ge @p0 [sflag:s18], $0x4000  }
0x7a: {  	s19 =	simm.s32 @p0 $0x80;
	[sflag:s18] =	ssyncset.done @p0 $0x0  }
0x7b: {  	s5 =	simm.s32 @p0 $0x2000;
	[sflag:s18] =	ssyncadd.s32 @p0 $0xFFFFC000;
	s18 =	sor.u32 @p0 $0x1000, s2  }
0x7c: {  	[spmem:s1] =	stream.indirect.scatter.add.f32 @p0 [tilespmem:s5], [sflag:$0x5], $0x80, s18, s19, $0xb8;
	[tilespmem:$0x1E000] =	vst v63  }
0x7d: {  	s5 =	simm.s32 @p0 $0x5  }
0x7e: {  	_ =	swait.ge @p0 [sflag:s5], $0x4000  }
0x7f: {  	[sflag:s5] =	ssyncset.done @p0 $0x0  }
0x80: {  	[sflag:s5] =	ssyncadd.s32 @p0 $0xFFFFC000;
	s5 =	simm.s32 @!p0 $0x3  }
0x81: {  	_ =	swait.ge @!p0 [sflag:s5], $0x600  }
0x82: {  	[sflag:s5] =	ssyncset.done @!p0 $0x0  }
0x83: {  	[sflag:s5] =	ssyncadd.s32 @!p0 $0xFFFFFA00;
	s5 =	simm.s32 @!p0 $0x4  }
0x84: {  	_ =	swait.ge @!p0 [sflag:s5], $0x600  }
0x85: {  	[sflag:s5] =	ssyncset.done @!p0 $0x0  }
0x86: {  	[sflag:s5] =	ssyncadd.s32 @!p0 $0xFFFFFA00;
	s5 =	simm.s32 @!p0 $0x1  }
0x87: {  	_ =	swait.ge @!p0 [sflag:s5], $0x4000  }
0x88: {  	s2 =	sor.u32 @!p0 $0x1000, s2;
	[sflag:s5] =	ssyncset.done @!p0 $0x0  }
0x89: {  	s18 =	simm.s32 @!p0 $0x2000;
	[sflag:s5] =	ssyncadd.s32 @!p0 $0xFFFFC000;
	s5 =	simm.s32 @!p0 $0x80  }
0x8a: {  	[spmem:s1] =	stream.indirect.scatter.add.f32 @!p0 [tilespmem:s18], [sflag:$0x5], $0x80, s2, s5, $0xb8;
	[tilespmem:$0x1E000] =	vst v63  }
0x8b: {  	s2 =	simm.s32 @!p0 $0x5  }
0x8c: {  	s19 =	sadd.s32 $0x1, s30;
	_ =	swait.ge @!p0 [sflag:s2], $0x4000  }
0x8d: {  	s7 =	sand.u32 $0x1, s19;
	[sflag:s2] =	ssyncset.done @!p0 $0x0  }
0x8e: {  	[sflag:s2] =	ssyncadd.s32 @!p0 $0xFFFFC000;
	s2 =	sshll.u32 @!p0 s7, $0xB  }
0x8f: {  	[tilespmem:s18], [sflag:$0x1] =	stream.indirect.gather @!p0 [hbm4b:s4+s5], $0x80, s2, s5, $0xb8;
	[tilespmem:$0x1E000] =	vst v63  }
0x90: {  	_ =	swait.ge [sflag:s24], $0x4000  }
0x91: {  	[sflag:s24] =	ssyncset.done $0x0  }
0x92: {  	s18 =	sor.u32 $0x1000, s17;
	[sflag:s24] =	ssyncadd.s32 $0xFFFFC000  }
0x93: {  	[spmem:s1] =	stream.indirect.scatter.add.f32 [tilespmem:s22], [sflag:$0x5], $0x80, s18, s20, $0xb8;
	[tilespmem:$0x1E000] =	vst v63  }
0x94: {  	p1 =	sgt.u32 @!p0 s30, $0x4;
	_ =	swait.ge [sflag:s16], $0x4000  }
0x95: {  	p1 =	por p1, p0;
	[sflag:s16] =	ssyncset.done $0x0  }
0x96: {  	s7 =	simm.s32 @!p0 $0x6000;
	s2 =	sor.u32 @!p0 $0x80, s2;
	[sflag:s16] =	ssyncadd.s32 $0xFFFFC000  }
0x97: {  	[tilespmem:s7], [sflag:$0x2] =	stream.indirect.gather @!p0 [hbm4b:s4+s5], $0x80, s2, s5, $0xb8;
	[tilespmem:$0x1E000] =	vst v63  }
0x98: {  	s2 =	simm.s32 @!p1 $0x0  }
0x99: {  	[tilespmem:s31], [sflag:$0x3] =	stream.linear.gather @!p1 [hbm4b:s28+s2], $0x600, $0x38;
	[tilespmem:$0x1E000] =	vst v63  }
0x9a: {  	_ = 	snop  }
0x9b: {  	[tilespmem:s0], [sflag:$0x4] =	stream.linear.gather @!p1 [hbm4b:s29+s2], $0x600, $0x38;
	[tilespmem:$0x1E000] =	vst v63  }
0x9c: {  	p1 =	sne.s32 @!p0 s19, $0x7  }
0x9d: {  	p1 =	por p0, !p1  }
.Ltmp0:
0x9e: {  	_ = 	snop;
	(pc) =	sbr.rel @!p1 .LBB2_2-.Ltmp0, $3  }
0x9f: {  	_ =	sdelay $0x1  }
0xa0: {  	s26 =	sadd.s32 @!p0 $0x800, s26  }
0xa1: {  	s30 =	smov.u32 s19;
	s28 =	sadd.s32 @!p0 $0x100, s28;
	s29 =	sadd.s32 @!p0 $0x100, s29  }
0xa2: {  	s25 =	sadd.s32 $0x1, s25  }
0xa3: {  	p0 =	sne.s32 s25, s12  }
.Ltmp1:
0xa4: {  	[bflag:$0x0] =	sbarrier.arrive $0xFFFF;
	(pc) =	sbr.rel @p0 .LBB2_1-.Ltmp1, $4  }
0xa5: {  	[hbm:s11], [sflag:s6] =	dma.local [spmem:s15], $0x2800  }
0xa6: {  	_ =	swait.ge [sflag:s16], $0x2800  }
0xa7: {  	[sflag:s16] =	ssyncset.done $0x0  }
0xa8: {  	[sflag:s16] =	ssyncadd.s32 $0xFFFFD800  }
0xa9: {  	_ =	sfence.sel $0x180000  }
0xaa: {  	[bflag:$0x0] =	sbarrier.arrive $0xFFFF  }
0xab: {  	_ =	strace $0x9000004D  }
0xac: {  	s0 =	stileid.u32;
	[bflag:$0x2] =	sbarrier.arrive $0xFFFF  }
0xad: {  	p0 =	sne.s32 s0, $0x0;
	s0 =	rddreg [dreg:$0x3]  }
0xae: {  	s0 =	sadd.s32 @!p0 $0x100000, s0  }
0xaf: {  	[sflag:s0] =	ssyncadd.tile.s32 @!p0 $0x1;
	_ =	shalt  }
.Lfunc_end2:
_tile_overlayer_lowered:
.L_overlay_start_2:
0xb0: {  	(tag) =	ssettag $0x2  }
0xb1: {  	s0 =	rddreg [dreg:$0x0];
	s2 =	stileid.u32  }
0xb2: {  	s1 =	rddreg [dreg:$0x1];
	p0 =	sne.s32 s2, $0x0  }
0xb3: {  	s3 =	rddreg [dreg:$0x2];
	[bflag:$0x3] =	sbarrier.arrive $0xFFFF;
	s2 =	simm.s32 @!p0 $0x1C05  }
0xb4: {  	[timem:s3], [sflag:s2] =	dma.local @!p0 [hbm:s0], s1  }
0xb5: {  	s0 =	simm.s32 @!p0 $0x5  }
0xb6: {  	_ =	swait.ge @!p0 [sflag:s0], s1  }
0xb7: {  	s1 =	ssub.s32 @!p0 $0x0, s1;
	[sflag:s0] =	ssyncset.done @!p0 $0x0  }
0xb8: {  	[sflag:s0] =	ssyncadd.s32 @!p0 s1  }
0xb9: {  	[bflag:$0x3] =	sbarrier.arrive $0xFFFF  }
0xba: {  	_ =	shalt  }

// kernel: kernel.8.cloned.1.call-start
scs
__scs_entry_jumppad:
0x0: {  	(pc) =	sbr.rel $0x88, $3  }
0x1: {  	(tag) =	ssettag $0x0;
	lr =	simm.s32 $0x1  }
0x2: {  	[smem:$0x3F9B] =	sst lr;
	_ =	strace $0xD0000000  }
0x3: {  	_ = 	snop  }
0x4: {  	_ = 	snop  }
0x5: {  	_ = 	snop  }
0x6: {  	_ = 	snop  }
0x7: {  	_ = 	snop  }
__scs_overlays_trampoline_lowered:
0x8: {  	[smem:$0x3FAA] =	sst s0  }
0x9: {  	[smem:$0x3FAB] =	sst s1  }
0xa: {  	[smem:$0x3FAC] =	sst s2  }
0xb: {  	[smem:$0x3FAD] =	sst s3  }
0xc: {  	[smem:$0x3FAE] =	sst s4  }
0xd: {  	[smem:$0x3FAF] =	sst s5  }
0xe: {  	[smem:$0x3FB0] =	sst s6  }
0xf: {  	[smem:$0x3FB1] =	sst s7  }
0x10: {  	[smem:$0x3FB2] =	sst s8  }
0x11: {  	[smem:$0x3FB3] =	sst s9;
	s0 =	simm.s32 @!p0 $0x0  }
0x12: {  	s1 =	sld [smem:$0x3F99];
	s0 =	simm.s32 @p0 $0x1  }
0x13: {  	[smem:$0x3FB4] =	sst s0;
	s0 =	simm.s32 @!p1 $0x0  }
0x14: {  	s2 =	sld [smem:$0x3F98];
	s0 =	simm.s32 @p1 $0x1  }
0x15: {  	[smem:$0x3FB5] =	sst s0;
	s0 =	simm.s32 @!p2 $0x0  }
0x16: {  	s3 =	sld [smem:$0x3FDB];
	s0 =	simm.s32 @p2 $0x1  }
0x17: {  	s4 =	simm.s32 $0x1BF5;
	[smem:$0x3FB7] =	sst s0  }
0x18: {  	s0 =	sld [smem:$0x3F9A];
	_ =	swait.ge [sflag:s4], $0x0  }
0x19: {  	s7 =	sld [smem:$0x3F9B]  }
0x1a: {  	s8 =	sadd.s32 $0xFFFFE003, lr  }
0x1b: {  	s9 =	sadd.s32 $0xFFFFFEF7, lr;
	s5 =	simm.s32 $0xFFFFFFFF;
	p2 =	slt.u32 s8, $0xFFFFF086  }
0x1c: {  	p1 =	slt.u32 s9, $0xF7A;
	s5 =	simm.s32 @!p2 $0x0  }
0x1d: {  	s5 =	simm.s32 @p1 $0x1;
	p0 =	seq.s32 s7, s2  }
0x1e: {  	s7 =	smul.u32 @!p0 $0xF7A, s2;
	p2 =	seq.s32 @!p0 s5, $0x0  }
0x1f: {  	s9 =	smul.u32 $0xF7A, s1;
	s8 =	simm.s32 @!p0 $0x1BF5;
	p2 =	por !p2, p0  }
0x20: {  	[sflag:s8] =	ssyncset.s32 @!p0 $0xFFFFF086;
	s6 =	sadd.s32 @!p0 s3, s7;
	s7 =	simm.s32 @!p0 $0x108  }
0x21: {  	s3 =	sadd.s32 s3, s9;
	s6 =	sadd.s32 @!p0 $0x88, s6;
	s7 =	simm.s32 @p2 $0x1082  }
0x22: {  	[simem:s7], [sflag:s8] =	dma.local @!p0 [hbm:s6], $0xF7A  }
0x23: {  	s9 =	sor.u32 $0xD0000000, s2;
	s6 =	simm.s32 $0x108;
	_ =	swait.ge @!p0 [sflag:s8], $0x0  }
0x24: {  	s3 =	sadd.s32 $0x88, s3;
	s6 =	simm.s32 @!p1 $0x1082;
	[sflag:s4] =	ssyncset.s32 $0xFFFFF086  }
0x25: {  	[simem:s6], [sflag:s4] =	dma.local [hbm:s3], $0xF7A  }
0x26: {  	[smem:$0x3F9B] =	sst s1;
	(tag) =	ssettag s2;
	_ =	strace s9  }
0x27: {  	s1 =	sld [smem:$0x3FAB]  }
0x28: {  	s2 =	sld [smem:$0x3FAC]  }
0x29: {  	s4 =	sld [smem:$0x3FAE]  }
0x2a: {  	p0 =	seq.s32 s5, $0x0;
	s5 =	sld [smem:$0x3FAF]  }
0x2b: {  	s6 =	sld [smem:$0x3FB0]  }
0x2c: {  	s7 =	sld [smem:$0x3FB1]  }
0x2d: {  	s3 =	simm.s32 $0x108;
	s8 =	sld [smem:$0x3FB2]  }
0x2e: {  	s3 =	simm.s32 @!p0 $0x1082;
	s9 =	sld [smem:$0x3FB3]  }
0x2f: {  	lr =	sadd.s32 s0, s3;
	s0 =	sld [smem:$0x3FAA]  }
0x30: {  	s3 =	sld [smem:$0x3FAD]  }
0x31: {  	[smem:$0x3FB6] =	sst s10  }
0x32: {  	s10 =	sld [smem:$0x3FB4];
	_ =	sdelay $0x3  }
0x33: {  	p0 =	seq.s32 s10, $0x1;
	s10 =	sld [smem:$0x3FB6];
	_ =	sdelay $0x3  }
0x34: {  	[smem:$0x3FB6] =	sst s10  }
0x35: {  	s10 =	sld [smem:$0x3FB5];
	_ =	sdelay $0x3  }
0x36: {  	p1 =	seq.s32 s10, $0x1;
	s10 =	sld [smem:$0x3FB6];
	_ =	sdelay $0x3  }
0x37: {  	[smem:$0x3FB6] =	sst s10  }
0x38: {  	s10 =	sld [smem:$0x3FB7]  }
0x39: {  	_ = 	snop;
	(pc) =	sbr.ind lr, $3  }
0x3a: {  	_ = 	snop  }
0x3b: {  	_ = 	snop  }
0x3c: {  	p2 =	seq.s32 s10, $0x1;
	s10 =	sld [smem:$0x3FB6]  }
0x3d: {  	_ =	shalt  }
0x3e: {  	_ =	shalt  }
0x3f: {  	_ =	shalt  }
0x40: {  	_ =	shalt  }
0x41: {  	_ =	shalt  }
0x42: {  	_ =	shalt  }
0x43: {  	_ =	shalt  }
0x44: {  	_ =	shalt  }
0x45: {  	_ =	shalt  }
0x46: {  	_ =	shalt  }
0x47: {  	_ =	shalt  }
0x48: {  	_ =	shalt  }
0x49: {  	_ =	shalt  }
0x4a: {  	_ =	shalt  }
0x4b: {  	_ =	shalt  }
0x4c: {  	_ =	shalt  }
0x4d: {  	_ =	shalt  }
0x4e: {  	_ =	shalt  }
0x4f: {  	_ =	shalt  }
0x50: {  	_ =	shalt  }
0x51: {  	_ =	shalt  }
0x52: {  	_ =	shalt  }
0x53: {  	_ =	shalt  }
0x54: {  	_ =	shalt  }
0x55: {  	_ =	shalt  }
0x56: {  	_ =	shalt  }
0x57: {  	_ =	shalt  }
0x58: {  	_ =	shalt  }
0x59: {  	_ =	shalt  }
0x5a: {  	_ =	shalt  }
0x5b: {  	_ =	shalt  }
0x5c: {  	_ =	shalt  }
0x5d: {  	_ =	shalt  }
0x5e: {  	_ =	shalt  }
0x5f: {  	_ =	shalt  }
0x60: {  	_ =	shalt  }
0x61: {  	_ =	shalt  }
0x62: {  	_ =	shalt  }
0x63: {  	_ =	shalt  }
0x64: {  	_ =	shalt  }
0x65: {  	_ =	shalt  }
0x66: {  	_ =	shalt  }
0x67: {  	_ =	shalt  }
0x68: {  	_ =	shalt  }
0x69: {  	_ =	shalt  }
0x6a: {  	_ =	shalt  }
0x6b: {  	_ =	shalt  }
0x6c: {  	_ =	shalt  }
0x6d: {  	_ =	shalt  }
0x6e: {  	_ =	shalt  }
0x6f: {  	_ =	shalt  }
0x70: {  	_ =	shalt  }
0x71: {  	_ =	shalt  }
0x72: {  	_ =	shalt  }
0x73: {  	_ =	shalt  }
0x74: {  	_ =	shalt  }
0x75: {  	_ =	shalt  }
0x76: {  	_ =	shalt  }
0x77: {  	_ =	shalt  }
0x78: {  	_ =	shalt  }
0x79: {  	_ =	shalt  }
0x7a: {  	_ =	shalt  }
0x7b: {  	_ =	shalt  }
0x7c: {  	_ =	shalt  }
0x7d: {  	_ =	shalt  }
0x7e: {  	_ =	shalt  }
0x7f: {  	_ =	shalt  }
0x80: {  	_ =	shalt  }
0x81: {  	_ =	shalt  }
0x82: {  	_ =	shalt  }
0x83: {  	_ =	shalt  }
0x84: {  	_ =	shalt  }
0x85: {  	_ =	shalt  }
0x86: {  	_ =	shalt  }
0x87: {  	_ =	shalt  }
.Lfunc_end0:
.L_simem_size_0:
called_computation_lowered:
.L_overlay_start_0:
0x88: {  	s2 =	sld [smem:$0x3FD9]  }
0x89: {  	s3 =	sld [smem:$0x3FFE];
	_ =	sdelay $0x1  }
0x8a: {  	s1 =	srdreg.scid  }
0x8b: {  	s0 =	sand.u32 $0x1, s1  }
0x8c: {  	s16 =	sshll.u32 s0, $0xA;
	s2 =	sadd.s32 s3, s2  }
0x8d: {  	s2 =	sadd.s32 s2, s16  }
0x8e: {  	[smem:$0x3FC2] =	sst s2  }
0x8f: {  	_ = 	snop  }
0x90: {  	(tm) =	ssettm $0x1  }
0x91: {  	s17 =	sld [smem:$0x3FFB];
	_ =	sdelay $0x3  }
0x92: {  	_ =	strace s17  }
0x93: {  	s2 =	sld [smem:$0x3FFC];
	_ =	sdelay $0x3  }
0x94: {  	_ =	strace s2  }
0x95: {  	s2 =	sld [smem:$0x3FFD];
	_ =	sdelay $0x3  }
0x96: {  	_ =	strace s2  }
0x97: {  	_ =	strace $0x8FFFFFFF  }
0x98: {  	s18 =	sld [smem:$0x3FDB];
	_ =	sdelay $0x1  }
0x99: {  	s19 =	simm.s32 $_scs_section_size  }
0x9a: {  	s4 =	simm.s32 $_size__tile_overlayer_lowered;
	s5 =	simm.s32 $_tile_overlayer_lowered  }
0x9b: {  	s22 =	simm.s32 $0x1BFF;
	s21 =	sshll.u32 s5, $0x1;
	s2 =	sadd.s32 s19, s18  }
0x9c: {  	s6 =	simm.s32 $0x0;
	s20 =	sshll.u32 s4, $0x1;
	s4 =	sadd.s32 s21, s2  }
0x9d: {  	[timem:s6], [sflag:s22] =	dma.local [hbm:s4], s20  }
0x9e: {  	_ =	swait.ge [sflag:s22], s20  }
0x9f: {  	s3 =	ssub.s32 $0x0, s20;
	[sflag:s22] =	ssyncset.done $0x0  }
0xa0: {  	[sflag:s22] =	ssyncadd.s32 s3;
	_ =	sdelay $0x1  }
0xa1: {  	s23 =	simm.s32 $0x1B8B  }
0xa2: {  	_ =	swait.ge [sflag:s23], $0x1  }
0xa3: {  	[sflag:s23] =	ssyncset.done $0x0  }
0xa4: {  	s25 =	simm.s32 $0x1B8E;
	s24 =	sld [smem:$0x3FFE];
	[sflag:s23] =	ssyncadd.s32 $0xFFFFFFFF  }
0xa5: {  	s26 =	simm.s32 $execute0_lowered;
	[smem:$0x3FD2] =	sst s25  }
0xa6: {  	s4 =	sshll.u32 s26, $0x1;
	_ =	strace $0x80000046;
	[dreg:$0x1] =	wrdreg $0xFFFFFFFF  }
0xa7: {  	s28 =	simm.s32 $_size_execute0_lowered;
	s2 =	sadd.s32 s2, s4;
	[dreg:$0x0] =	wrdreg $0x0  }
0xa8: {  	s4 =	sshll.u32 s28, $0x1;
	[dreg:$0x2] =	wrdreg s2  }
0xa9: {  	[dreg:$0x3] =	wrdreg s4  }
0xaa: {  	[dreg:$0x4] =	wrdreg $0xC0  }
0xab: {  	_ =	task [dreg:s6], $0x5FFFF  }
0xac: {  	[dreg:$0x1] =	wrdreg $0xFFFFFFFF  }
0xad: {  	[dreg:$0x0] =	wrdreg $0x60  }
0xae: {  	[dreg:$0x2] =	wrdreg s24  }
0xaf: {  	[dreg:$0x3] =	wrdreg $0x2C800  }
0xb0: {  	[dreg:$0x4] =	wrdreg $0x9  }
0xb1: {  	_ =	task.clear_ibuf [dreg:s6], $0x5FFFF;
	_ =	strace $0x90000046  }
0xb2: {  	s29 =	simm.s32 $0x9;
	_ =	strace $0x80000048  }
0xb3: {  	_ =	swait.ge [sflag:s29], $0x1  }
0xb4: {  	[sflag:s29] =	ssyncadd.s32 $0xFFFFFFFF  }
0xb5: {  	_ =	strace $0x90000048  }
0xb6: {  	_ =	sfence  }
0xb7: {  	s30 =	sld [smem:$0x0];
	_ =	sdelay $0x2  }
0xb8: {  	s31 =	sshll.u32 s1, $0xD;
	s1 =	sshrl.u32 s1, $0x2  }
0xb9: {  	s3 =	sand.u32 $0x4000, s31;
	s1 =	sadd.s32 s1, s30  }
0xba: {  	s0 =	sor.u32 s3, s0;
	s1 =	sshll.u32 s1, $0x11  }
0xbb: {  	s0 =	sor.u32 s1, s0  }
0xbc: {  	s0 =	sadd.s32 $0x8F2B, s0  }
0xbd: {  	[sflag:s0] =	ssyncadd.remote.s32 $0x1  }
0xbe: {  	_ =	sfence.sel $0xFFFF  }
0xbf: {  	[dreg:$0x0] =	wrdreg $0xFFFFFFFF;
	(pc) =	sbr.abs _section_cstart, $3  }
0xc0: {  	[dreg:$0x1] =	wrdreg $0xFFFFFFFF  }
0xc1: {  	_ =	task.clear_ibuf [dreg:s6], $0x2FFFF;
	_ =	strace $0x9FFFFFFF  }
0xc2: {  	(tm) =	ssettm $0x7FFFFFFF  }
0xc3: {  	_ =	shalt  }
tec
execute0_lowered:
.L_overlay_start_1:
0x0: {  	(tag) =	ssettag $0x1  }
0x1: {  	s1 =	srdreg.scid;
	s6 =	rddreg [dreg:$0x0]  }
0x2: {  	s0 =	stileid.u32;
	s2 =	rddreg [dreg:$0x1];
	s3 =	simm.s32 $0x0  }
0x3: {  	s13 =	simm.s32 $0x80;
	s14 =	simm.s32 $0x20;
	s15 =	simm.s32 $0x10  }
0x4: {  	s16 =	simm.s32 $0x0;
	s5 =	sand.u32 $0x1, s1;
	s1 =	rddreg [dreg:$0x2]  }
0x5: {  	s26 =	sshll.u32 s0, $0x1;
	[smem:$0x7FF] =	sst s3;
	s7 =	smul.u32 $0x500, s0  }
0x6: {  	s10 =	smul.u32 $0xA00, s0;
	s31 =	sshll.u32 s0, $0x6;
	s4 =	sor.u32 s5, s26  }
0x7: {  	_ =	strace $0x80000047;
	s8 =	sshll.u32 s5, $0x7;
	s28 =	ssub.s32 $0x2, s5  }
0x8: {  	s5 =	sadd.s32 $0xCE00, s6;
	s4 =	smul.u32 $0x580, s4;
	s7 =	sor.u32 s8, s7  }
0x9: {  	s29 =	sshrl.u32 s28, $0x1;
	s30 =	sshrl.u32 s10, $0x2;
	s7 =	sshrl.u32 s7, $0x3  }
0xa: {  	s12 =	ssub.s32 s28, s29;
	s10 =	sadd.s32 s30, s2;
	s9 =	sadd.s32 s4, s6  }
0xb: {  	s4 =	sadd.s32 $0xD000, s6;
	s11 =	sadd.s32 s7, s6;
	s6 =	sor.u32 $0x1C01, s31  }
0xc: {  	s10 =	sshrl.u32 s10, $0x3;
	s7 =	sadd.s32 $0x1E00, s9;
	s8 =	sadd.s32 $0xD200, s11  }
0xd: {  	s9 =	smax.u32 s12, $0x1;
	s11 =	simm.s32 $0x1;
	s12 =	simm.s32 $0x2C00  }
.LBB2_1:
0xe: {  	[spmem:s10], [sflag:s6] =	dma.local [hbm:s5], $0x50  }
0xf: {  	_ =	swait.ge [sflag:s11], $0x50  }
0x10: {  	[sflag:s11] =	ssyncset.done $0x0  }
0x11: {  	[sflag:s11] =	ssyncadd.s32 $0xFFFFFFB0  }
0x12: {  	[tilespmem:s3], [sflag:$0x1] =	stream.linear.gather [hbm4b:s7+s3], $0x2A00, $0x38;
	[tilespmem:$0x2F00] =	vst v63  }
0x13: {  	_ =	swait.ge [sflag:s11], $0x2A00  }
0x14: {  	[sflag:s11] =	ssyncset.done $0x0  }
0x15: {  	[sflag:s11] =	ssyncadd.s32 $0xFFFFD600  }
0x16: {  	[tilespmem:s12], [sflag:$0x1] =	stream.linear.gather [hbm4b:s4+s3], $0x80, $0x38;
	[tilespmem:$0x2F00] =	vst v63  }
0x17: {  	_ =	swait.ge [sflag:s11], $0x80  }
0x18: {  	[sflag:s11] =	ssyncset.done $0x0  }
0x19: {  	[sflag:s11] =	ssyncadd.s32 $0xFFFFFF80  }
0x1a: {  	s17 =	simm.s32 $0x0;
	[bflag:$0x0] =	sbarrier.arrive $0xFFFF  }
0x1b: {  	[spmem:s2] =	stream.indirect.scatter.add.f32 [tilespmem:s12], [sflag:$0x1], $0x1, s17, s13, $0xb8;
	[tilespmem:$0x2F00] =	vst v63  }
0x1c: {  	_ =	swait.ge [sflag:s11], $0x80  }
0x1d: {  	s17 =	simm.s32 $0x200;
	[sflag:s11] =	ssyncset.done $0x0  }
.LBB2_2:
0x1e: {  	s18 =	sshra.s32 s17, $0x2;
	[sflag:s11] =	ssyncadd.s32 $0xFFFFFF80;
	p0 =	sne.s32 s17, $0xA600  }
0x1f: {  	[spmem:s2] =	stream.indirect.scatter.add.f32 [tilespmem:s12], [sflag:$0x1], $0x1, s18, s13, $0xb8;
	[tilespmem:$0x2F00] =	vst v63  }
.Ltmp0:
0x20: {  	_ = 	snop;
	(pc) =	sbr.rel @p0 .LBB2_2-.Ltmp0, $4  }
0x21: {  	_ = 	snop  }
0x22: {  	s17 =	sadd.s32 $0x200, s17  }
0x23: {  	_ =	swait.ge [sflag:s11], $0x80  }
0x24: {  	[sflag:s11] =	ssyncset.done $0x0  }
0x25: {  	s16 =	sadd.s32 $0x1, s16  }
0x26: {  	[sflag:s11] =	ssyncadd.s32 $0xFFFFFF80;
	p0 =	sne.s32 s16, s9  }
.Ltmp1:
0x27: {  	[bflag:$0x0] =	sbarrier.arrive $0xFFFF;
	(pc) =	sbr.rel @p0 .LBB2_1-.Ltmp1, $4  }
0x28: {  	[hbm:s8@s14], [sflag:s6] =	dma.strided [spmem:s10@s15], $0x50, s11, $0x10   }
0x29: {  	_ =	swait.ge [sflag:s11], $0x50  }
0x2a: {  	[sflag:s11] =	ssyncset.done $0x0  }
0x2b: {  	[sflag:s11] =	ssyncadd.s32 $0xFFFFFFB0  }
0x2c: {  	_ =	sfence.sel $0x180000  }
0x2d: {  	[bflag:$0x0] =	sbarrier.arrive $0xFFFF  }
0x2e: {  	p0 =	sne.s32 s0, $0x0;
	_ =	strace $0x90000047  }
0x2f: {  	s0 =	sadd.s32 @!p0 $0x100000, s1;
	[bflag:$0x2] =	sbarrier.arrive $0xFFFF  }
0x30: {  	[sflag:s0] =	ssyncadd.tile.s32 @!p0 $0x1;
	_ =	shalt  }
.Lfunc_end2:
_tile_overlayer_lowered:
.L_overlay_start_2:
0x31: {  	(tag) =	ssettag $0x2  }
0x32: {  	s0 =	rddreg [dreg:$0x0];
	s2 =	stileid.u32  }
0x33: {  	s1 =	rddreg [dreg:$0x1];
	p0 =	sne.s32 s2, $0x0  }
0x34: {  	s3 =	rddreg [dreg:$0x2];
	[bflag:$0x3] =	sbarrier.arrive $0xFFFF;
	s2 =	simm.s32 @!p0 $0x1C01  }
0x35: {  	[timem:s3], [sflag:s2] =	dma.local @!p0 [hbm:s0], s1  }
0x36: {  	s0 =	simm.s32 @!p0 $0x1  }
0x37: {  	_ =	swait.ge @!p0 [sflag:s0], s1  }
0x38: {  	s1 =	ssub.s32 @!p0 $0x0, s1;
	[sflag:s0] =	ssyncset.done @!p0 $0x0  }
0x39: {  	[sflag:s0] =	ssyncadd.s32 @!p0 s1  }
0x3a: {  	[bflag:$0x3] =	sbarrier.arrive $0xFFFF  }
0x3b: {  	_ =	shalt  }

</sc_bundles>
